<compile_context>
chip_gen: v7x
topology: tpu7x:2x2x1
jax: 0.10.2.dev20260603
libtpu: 0.0.44.dev20260713+nightly
codegen_flags: <defaults>
</compile_context>

<pallas_src>
import functools

import jax
import jax.numpy as jnp
from jax import lax
from jax.experimental import pallas as pl
from jax.experimental.pallas import tpu as pltpu
from jax.experimental.pallas import tpu_sc as plsc

BATCH = 4
SEQ = 2048
DIM = 1024
LANES = 16

NUM_CORES = 2
NUM_SUBCORES = 16
NW = NUM_CORES * NUM_SUBCORES
SEQ_PER_W = SEQ // NW
CHUNK = 16
ROUNDS = SEQ_PER_W // CHUNK
NBUF = 4


def kernel(embeddings, positions, pos_table):
    mesh = plsc.VectorSubcoreMesh(
        core_axis_name="c", subcore_axis_name="s",
        num_cores=NUM_CORES, num_subcores=NUM_SUBCORES,
    )

    @functools.partial(
        pl.kernel,
        out_type=jax.ShapeDtypeStruct((BATCH, SEQ, DIM), jnp.float32),
        mesh=mesh,
        scratch_types=[
            pltpu.VMEM((SEQ_PER_W,), jnp.int32),
            pltpu.VMEM((CHUNK, DIM), jnp.float32),
            pltpu.VMEM((CHUNK, DIM), jnp.float32),
            pltpu.VMEM((NBUF, CHUNK, DIM), jnp.float32),
            pltpu.SemaphoreType.DMA,
            pltpu.SemaphoreType.DMA,
            pltpu.SemaphoreType.DMA,
            pltpu.SemaphoreType.DMA,
        ],
    )
    def k(emb_hbm, pos_hbm, table_hbm, out_hbm,
          idx_v, rows0, rows1, ering, si, so, sg0, sg1):
        wid = lax.axis_index("s") * NUM_CORES + lax.axis_index("c")
        base = wid * SEQ_PER_W
        pltpu.sync_copy(pos_hbm.at[pl.ds(base, SEQ_PER_W)], idx_v)

        rows = (rows0, rows1)
        sg = (sg0, sg1)
        tasks = [(r, b) for r in range(ROUNDS) for b in range(BATCH)]
        T = len(tasks)

        def gather(r):
            return pltpu.async_copy(
                table_hbm.at[idx_v.at[pl.ds(r * CHUNK, CHUNK)]],
                rows[r % 2], sg[r % 2],
            )

        def copy_in(t):
            r, b = tasks[t]
            return pltpu.async_copy(
                emb_hbm.at[b, pl.ds(base + r * CHUNK, CHUNK)],
                ering.at[t % NBUF], si,
            )

        g = [None] * ROUNDS
        g[0] = gather(0)
        if ROUNDS > 1:
            g[1] = gather(1)
        in_copies = [None] * T
        out_copies = [None] * T
        in_copies[0] = copy_in(0)
        if T > 1:
            in_copies[1] = copy_in(1)

        for t, (r, b) in enumerate(tasks):
            p = t % NBUF
            if b == 0:
                g[r].wait()
            in_copies[t].wait()

            @pl.loop(0, CHUNK)
            def _(row):
                @plsc.parallel_loop(0, DIM, LANES, unroll=8)
                def _(c):
                    x = rows[r % 2][row, pl.ds(c, LANES)]
                    plsc.addupdate(ering.at[p, row, pl.ds(c, LANES)], x)

            if b == BATCH - 1 and r + 2 < ROUNDS:
                g[r + 2] = gather(r + 2)

            out_copies[t] = pltpu.async_copy(
                ering.at[p], out_hbm.at[b, pl.ds(base + r * CHUNK, CHUNK)], so,
            )
            nxt = t + 2
            if nxt < T:
                if t >= 2:
                    out_copies[t - 2].wait()
                in_copies[nxt] = copy_in(nxt)

        for t in range(T - NBUF, T):
            out_copies[t].wait()

    return k(embeddings, positions, pos_table)

# --- scband reference (transcript-rebuilt; emitter-appended) ---
"""Pipeline reference for scband-position-encoding-processor-49409303773630 (READ-ONLY COPY).

The authoritative reference and input builder live on the scoring server;
editing this copy changes nothing except your own understanding.
"""

import jax, jax.numpy as jnp
import numpy as np

MAX_LENGTH = 512
EMBED_DIM = 1024
BATCH = 4
SEQ_LEN = 2048

def setup_inputs(seed: int = 0) -> dict:
    key = jax.random.key(seed)
    k1, k2, k3 = jax.random.split(key, 3)
    embeddings = jax.random.normal(k1, (BATCH, SEQ_LEN, EMBED_DIM), dtype=jnp.float32)
    positions = jax.random.randint(k2, (SEQ_LEN,), 0, MAX_LENGTH, dtype=jnp.int64 if jax.config.jax_enable_x64 else jnp.int32).astype(jnp.int32)
    pos_table = jax.random.normal(k3, (MAX_LENGTH, EMBED_DIM), dtype=jnp.float32) * 0.02
    return {"embeddings": embeddings, "positions": positions, "pos_table": pos_table}

def reference(embeddings, positions, pos_table):
    # learned position encoding: gather rows from pos_table and add.
    # pos_enc: [seq_len, embed_dim] broadcasts over batch dim.
    pos_enc = jnp.take(pos_table, positions, axis=0)
    return embeddings + pos_enc

if __name__ == "__main__":
    import jax
    _d = setup_inputs()
    print(jax.jit(kernel)(*tuple(_d.values())))

</pallas_src>

<mosaic_0001>
#map = affine_map<(d0, d1) -> (0, 0, 0)>
#map1 = affine_map<(d0, d1) -> (0)>
#map2 = affine_map<(d0, d1) -> (0, 0)>
module attributes {stable_mosaic.version = 14 : i64} {
  func.func @k(%arg0: i32, %arg1: i32, %arg2: memref<4x2048x1024xf32, #tpu.memory_space<hbm>>, %arg3: memref<2048xi32, #tpu.memory_space<hbm>>, %arg4: memref<512x1024xf32, #tpu.memory_space<hbm>>, %arg5: memref<4x2048x1024xf32, #tpu.memory_space<hbm>>, %arg6: memref<64xi32, #tpu.memory_space<vmem>>, %arg7: memref<16x1024xf32, #tpu.memory_space<vmem>>, %arg8: memref<16x1024xf32, #tpu.memory_space<vmem>>, %arg9: memref<4x16x1024xf32, #tpu.memory_space<vmem>>, %arg10: memref<!tpu.dma_semaphore, #tpu.memory_space<semaphore_mem>>, %arg11: memref<!tpu.dma_semaphore, #tpu.memory_space<semaphore_mem>>, %arg12: memref<!tpu.dma_semaphore, #tpu.memory_space<semaphore_mem>>, %arg13: memref<!tpu.dma_semaphore, #tpu.memory_space<semaphore_mem>>) attributes {dimension_semantics = [#tpu.dimension_semantics<core_parallel>, #tpu.dimension_semantics<subcore_parallel>], iteration_bounds = array<i64: 2, 16>, scalar_prefetch = 0 : i64, scratch_operands = 8 : i64, tpu.core_type = #tpu.core_type<sc_vector_subcore>, window_params = [{transform_indices = #map}, {transform_indices = #map1}, {transform_indices = #map2}, {transform_indices = #map}]} {
    %mul3A = arith.constant 2 : i32
    %mul3A_0 = arith.muli %arg1, %mul3A : i32
    %add3A = arith.addi %mul3A_0, %arg0 : i32
    %mul3A_1 = arith.constant 64 : i32
    %mul3A_2 = arith.muli %add3A, %mul3A_1 : i32
    "tpu.region"() ({
      %run_scoped3A = tpu.sem_alloc : memref<!tpu.dma_semaphore, #tpu.memory_space<semaphore_mem>>
      %dma_start3A_1208 = tpu.memref_slice %arg3[%mul3A_2] : memref<2048xi32, #tpu.memory_space<hbm>> -> memref<64xi32, #tpu.memory_space<hbm>>
      %dma_start3A_1209 = tpu.memref_slice %arg3[%mul3A_2] : memref<2048xi32, #tpu.memory_space<hbm>> -> memref<64xi32, #tpu.memory_space<hbm>>
      tpu.enqueue_dma source(%dma_start3A_1209 : memref<64xi32, #tpu.memory_space<hbm>>) target(%arg6 : memref<64xi32, #tpu.memory_space<vmem>>) target_semaphore(%run_scoped3A : memref<!tpu.dma_semaphore, #tpu.memory_space<semaphore_mem>>)
      %dma_wait3A_1210 = tpu.memref_slice %arg3[%mul3A_2] : memref<2048xi32, #tpu.memory_space<hbm>> -> memref<64xi32, #tpu.memory_space<hbm>>
      %dma_wait3A_1211 = tpu.memref_slice %arg3[%mul3A_2] : memref<2048xi32, #tpu.memory_space<hbm>> -> memref<64xi32, #tpu.memory_space<hbm>>
      tpu.wait_dma2 semaphore(%run_scoped3A : memref<!tpu.dma_semaphore, #tpu.memory_space<semaphore_mem>>) src(%dma_wait3A_1211 : memref<64xi32, #tpu.memory_space<hbm>>) dst(%arg6 : memref<64xi32, #tpu.memory_space<vmem>>)
      tpu.yield
    }) : () -> ()
    %dma_start3A = arith.constant 0 : i32
    %dma_start3A_3 = tpu.memref_slice %arg6[%dma_start3A] : memref<64xi32, #tpu.memory_space<vmem>> -> memref<16xi32, #tpu.memory_space<vmem>>
    %dma_start3A_4 = arith.constant 0 : i32
    %dma_start3A_5 = arith.constant 0 : i32
    %dma_start3A_6 = tpu.memref_slice %arg4[%dma_start3A_4, %dma_start3A_5] : memref<512x1024xf32, #tpu.memory_space<hbm>> -> memref<512x1024xf32, #tpu.memory_space<hbm>>
    tpu.enqueue_indirect_dma source(%dma_start3A_6 : memref<512x1024xf32, #tpu.memory_space<hbm>>) target(%arg7 : memref<16x1024xf32, #tpu.memory_space<vmem>>) offsets(%dma_start3A_3 : memref<16xi32, #tpu.memory_space<vmem>>) semaphore(%arg12 : memref<!tpu.dma_semaphore, #tpu.memory_space<semaphore_mem>>)
    %dma_start3A_7 = arith.constant 16 : i32
    %dma_start3A_8 = tpu.memref_slice %arg6[%dma_start3A_7] : memref<64xi32, #tpu.memory_space<vmem>> -> memref<16xi32, #tpu.memory_space<vmem>>
    %dma_start3A_9 = arith.constant 0 : i32
    %dma_start3A_10 = arith.constant 0 : i32
    %dma_start3A_11 = tpu.memref_slice %arg4[%dma_start3A_9, %dma_start3A_10] : memref<512x1024xf32, #tpu.memory_space<hbm>> -> memref<512x1024xf32, #tpu.memory_space<hbm>>
    tpu.enqueue_indirect_dma source(%dma_start3A_11 : memref<512x1024xf32, #tpu.memory_space<hbm>>) target(%arg8 : memref<16x1024xf32, #tpu.memory_space<vmem>>) offsets(%dma_start3A_8 : memref<16xi32, #tpu.memory_space<vmem>>) semaphore(%arg13 : memref<!tpu.dma_semaphore, #tpu.memory_space<semaphore_mem>>)
    %add3A_12 = arith.constant 0 : i32
    %add3A_13 = arith.addi %mul3A_2, %add3A_12 : i32
    %dma_start3A_14 = arith.constant 0 : i32
    %dma_start3A_15 = arith.constant 0 : i32
    %dma_start3A_16 = arith.constant 0 : i32
    %dma_start3A_17 = arith.constant 0 : i32
    %dma_start3A_18 = tpu.memref_slice %arg9[%dma_start3A_15, %dma_start3A_16, %dma_start3A_17] : memref<4x16x1024xf32, #tpu.memory_space<vmem>> -> memref<1x16x1024xf32, #tpu.memory_space<vmem>>
    %dma_start3A_19 = tpu.memref_squeeze %dma_start3A_18 : memref<1x16x1024xf32, #tpu.memory_space<vmem>> -> memref<16x1024xf32, #tpu.memory_space<vmem>>
    %dma_start3A_20 = arith.constant 0 : i32
    %dma_start3A_21 = tpu.memref_slice %arg2[%dma_start3A_14, %add3A_13, %dma_start3A_20] : memref<4x2048x1024xf32, #tpu.memory_space<hbm>> -> memref<1x16x1024xf32, #tpu.memory_space<hbm>>
    %dma_start3A_22 = tpu.memref_squeeze %dma_start3A_21 : memref<1x16x1024xf32, #tpu.memory_space<hbm>> -> memref<16x1024xf32, #tpu.memory_space<hbm>>
    %dma_start3A_23 = arith.constant 0 : i32
    %dma_start3A_24 = arith.constant 0 : i32
    %dma_start3A_25 = tpu.memref_slice %arg9[%dma_start3A_15, %dma_start3A_23, %dma_start3A_24] : memref<4x16x1024xf32, #tpu.memory_space<vmem>> -> memref<1x16x1024xf32, #tpu.memory_space<vmem>>
    %dma_start3A_26 = tpu.memref_squeeze %dma_start3A_25 : memref<1x16x1024xf32, #tpu.memory_space<vmem>> -> memref<16x1024xf32, #tpu.memory_space<vmem>>
    %dma_start3A_27 = arith.constant 0 : i32
    %dma_start3A_28 = tpu.memref_slice %arg2[%dma_start3A_14, %add3A_13, %dma_start3A_27] : memref<4x2048x1024xf32, #tpu.memory_space<hbm>> -> memref<1x16x1024xf32, #tpu.memory_space<hbm>>
    %dma_start3A_29 = tpu.memref_squeeze %dma_start3A_28 : memref<1x16x1024xf32, #tpu.memory_space<hbm>> -> memref<16x1024xf32, #tpu.memory_space<hbm>>
    tpu.enqueue_dma source(%dma_start3A_29 : memref<16x1024xf32, #tpu.memory_space<hbm>>) target(%dma_start3A_26 : memref<16x1024xf32, #tpu.memory_space<vmem>>) target_semaphore(%arg10 : memref<!tpu.dma_semaphore, #tpu.memory_space<semaphore_mem>>)
    %add3A_30 = arith.constant 0 : i32
    %add3A_31 = arith.addi %mul3A_2, %add3A_30 : i32
    %dma_start3A_32 = arith.constant 1 : i32
    %dma_start3A_33 = arith.constant 1 : i32
    %dma_start3A_34 = arith.constant 0 : i32
    %dma_start3A_35 = arith.constant 0 : i32
    %dma_start3A_36 = tpu.memref_slice %arg9[%dma_start3A_33, %dma_start3A_34, %dma_start3A_35] : memref<4x16x1024xf32, #tpu.memory_space<vmem>> -> memref<1x16x1024xf32, #tpu.memory_space<vmem>>
    %dma_start3A_37 = tpu.memref_squeeze %dma_start3A_36 : memref<1x16x1024xf32, #tpu.memory_space<vmem>> -> memref<16x1024xf32, #tpu.memory_space<vmem>>
    %dma_start3A_38 = arith.constant 0 : i32
    %dma_start3A_39 = tpu.memref_slice %arg2[%dma_start3A_32, %add3A_31, %dma_start3A_38] : memref<4x2048x1024xf32, #tpu.memory_space<hbm>> -> memref<1x16x1024xf32, #tpu.memory_space<hbm>>
    %dma_start3A_40 = tpu.memref_squeeze %dma_start3A_39 : memref<1x16x1024xf32, #tpu.memory_space<hbm>> -> memref<16x1024xf32, #tpu.memory_space<hbm>>
    %dma_start3A_41 = arith.constant 0 : i32
    %dma_start3A_42 = arith.constant 0 : i32
    %dma_start3A_43 = tpu.memref_slice %arg9[%dma_start3A_33, %dma_start3A_41, %dma_start3A_42] : memref<4x16x1024xf32, #tpu.memory_space<vmem>> -> memref<1x16x1024xf32, #tpu.memory_space<vmem>>
    %dma_start3A_44 = tpu.memref_squeeze %dma_start3A_43 : memref<1x16x1024xf32, #tpu.memory_space<vmem>> -> memref<16x1024xf32, #tpu.memory_space<vmem>>
    %dma_start3A_45 = arith.constant 0 : i32
    %dma_start3A_46 = tpu.memref_slice %arg2[%dma_start3A_32, %add3A_31, %dma_start3A_45] : memref<4x2048x1024xf32, #tpu.memory_space<hbm>> -> memref<1x16x1024xf32, #tpu.memory_space<hbm>>
    %dma_start3A_47 = tpu.memref_squeeze %dma_start3A_46 : memref<1x16x1024xf32, #tpu.memory_space<hbm>> -> memref<16x1024xf32, #tpu.memory_space<hbm>>
    tpu.enqueue_dma source(%dma_start3A_47 : memref<16x1024xf32, #tpu.memory_space<hbm>>) target(%dma_start3A_44 : memref<16x1024xf32, #tpu.memory_space<vmem>>) target_semaphore(%arg10 : memref<!tpu.dma_semaphore, #tpu.memory_space<semaphore_mem>>)
    %dma_wait3A = arith.constant 0 : i32
    %dma_wait3A_48 = tpu.memref_slice %arg6[%dma_wait3A] : memref<64xi32, #tpu.memory_space<vmem>> -> memref<16xi32, #tpu.memory_space<vmem>>
    %dma_wait3A_49 = arith.constant 0 : i32
    %dma_wait3A_50 = arith.constant 0 : i32
    %dma_wait3A_51 = tpu.memref_slice %arg4[%dma_wait3A_49, %dma_wait3A_50] : memref<512x1024xf32, #tpu.memory_space<hbm>> -> memref<512x1024xf32, #tpu.memory_space<hbm>>
    tpu.wait_indirect_dma semaphore(%arg12 : memref<!tpu.dma_semaphore, #tpu.memory_space<semaphore_mem>>) src(%dma_wait3A_51 : memref<512x1024xf32, #tpu.memory_space<hbm>>) dst(%arg7 : memref<16x1024xf32, #tpu.memory_space<vmem>>)
    %dma_wait3A_52 = arith.constant 0 : i32
    %dma_wait3A_53 = arith.constant 0 : i32
    %dma_wait3A_54 = arith.constant 0 : i32
    %dma_wait3A_55 = arith.constant 0 : i32
    %dma_wait3A_56 = tpu.memref_slice %arg9[%dma_wait3A_53, %dma_wait3A_54, %dma_wait3A_55] : memref<4x16x1024xf32, #tpu.memory_space<vmem>> -> memref<1x16x1024xf32, #tpu.memory_space<vmem>>
    %dma_wait3A_57 = tpu.memref_squeeze %dma_wait3A_56 : memref<1x16x1024xf32, #tpu.memory_space<vmem>> -> memref<16x1024xf32, #tpu.memory_space<vmem>>
    %dma_wait3A_58 = arith.constant 0 : i32
    %dma_wait3A_59 = tpu.memref_slice %arg2[%dma_wait3A_52, %add3A_13, %dma_wait3A_58] : memref<4x2048x1024xf32, #tpu.memory_space<hbm>> -> memref<1x16x1024xf32, #tpu.memory_space<hbm>>
    %dma_wait3A_60 = tpu.memref_squeeze %dma_wait3A_59 : memref<1x16x1024xf32, #tpu.memory_space<hbm>> -> memref<16x1024xf32, #tpu.memory_space<hbm>>
    %dma_wait3A_61 = arith.constant 0 : i32
    %dma_wait3A_62 = arith.constant 0 : i32
    %dma_wait3A_63 = tpu.memref_slice %arg9[%dma_wait3A_53, %dma_wait3A_61, %dma_wait3A_62] : memref<4x16x1024xf32, #tpu.memory_space<vmem>> -> memref<1x16x1024xf32, #tpu.memory_space<vmem>>
    %dma_wait3A_64 = tpu.memref_squeeze %dma_wait3A_63 : memref<1x16x1024xf32, #tpu.memory_space<vmem>> -> memref<16x1024xf32, #tpu.memory_space<vmem>>
    %dma_wait3A_65 = arith.constant 0 : i32
    %dma_wait3A_66 = tpu.memref_slice %arg2[%dma_wait3A_52, %add3A_13, %dma_wait3A_65] : memref<4x2048x1024xf32, #tpu.memory_space<hbm>> -> memref<1x16x1024xf32, #tpu.memory_space<hbm>>
    %dma_wait3A_67 = tpu.memref_squeeze %dma_wait3A_66 : memref<1x16x1024xf32, #tpu.memory_space<hbm>> -> memref<16x1024xf32, #tpu.memory_space<hbm>>
    tpu.wait_dma2 semaphore(%arg10 : memref<!tpu.dma_semaphore, #tpu.memory_space<semaphore_mem>>) src(%dma_wait3A_67 : memref<16x1024xf32, #tpu.memory_space<hbm>>) dst(%dma_wait3A_64 : memref<16x1024xf32, #tpu.memory_space<vmem>>)
    %scan3A = arith.constant 0 : i32
    %scan3A_68 = arith.constant 16 : i32
    %scan3A_69 = arith.addi %scan3A, %scan3A_68 : i32
    %scan3A_70 = arith.constant 1 : i32
    scf.for %scan3A_1208 = %scan3A to %scan3A_69 step %scan3A_70  : i32 {
      %mul3A_1209 = arith.constant 1 : i32
      %mul3A_1210 = arith.muli %scan3A_1208, %mul3A_1209 : i32
      %add3A_1211 = arith.constant 0 : i32
      %add3A_1212 = arith.addi %add3A_1211, %mul3A_1210 : i32
      %parallel_loop3A = arith.constant 0 : i32
      %parallel_loop3A_1213 = arith.constant 1024 : i32
      %parallel_loop3A_1214 = arith.constant 16 : i32
      scf.for %parallel_loop3A_1215 = %parallel_loop3A to %parallel_loop3A_1213 step %parallel_loop3A_1214  : i32 {
        %parallel_loop3A_1216 = arith.index_cast %add3A_1212 : i32 to index
        %parallel_loop3A_1217 = arith.index_cast %parallel_loop3A_1215 : i32 to index
        %parallel_loop3A_1218 = tpu.vector_load %arg7[%parallel_loop3A_1216, %parallel_loop3A_1217] {strides = array<i32>} : memref<16x1024xf32, #tpu.memory_space<vmem>>, vector<1x16xf32>,
        %parallel_loop3A_1219 = vector.shape_cast %parallel_loop3A_1218 : vector<1x16xf32> to vector<16xf32>
        %parallel_loop3A_1220 = arith.constant 0 : i32
        %parallel_loop3A_1221 = arith.index_cast %parallel_loop3A_1220 : i32 to index
        %parallel_loop3A_1222 = arith.index_cast %add3A_1212 : i32 to index
        %parallel_loop3A_1223 = arith.index_cast %parallel_loop3A_1215 : i32 to index
        %parallel_loop3A_1224 = tpu.vector_load %arg9[%parallel_loop3A_1221, %parallel_loop3A_1222, %parallel_loop3A_1223] {strides = array<i32>} : memref<4x16x1024xf32, #tpu.memory_space<vmem>>, vector<1x1x16xf32>,
        %parallel_loop3A_1225 = vector.shape_cast %parallel_loop3A_1224 : vector<1x1x16xf32> to vector<16xf32>
        %parallel_loop3A_1226 = vector.shape_cast %parallel_loop3A_1219 : vector<16xf32> to vector<1x1x16xf32>
        tpu.vector_store %arg9[%parallel_loop3A_1221, %parallel_loop3A_1222, %parallel_loop3A_1223], %parallel_loop3A_1226 {add = true, strides = array<i32>} : memref<4x16x1024xf32, #tpu.memory_space<vmem>>, vector<1x1x16xf32>,
      } {sc.loop_unroll_factor = 8 : i64, sc.parallel_access}
    }
    %scan3A_71 = arith.constant 16 : i32
    %add3A_72 = arith.constant 0 : i32
    %add3A_73 = arith.addi %mul3A_2, %add3A_72 : i32
    %dma_start3A_74 = arith.constant 0 : i32
    %dma_start3A_75 = arith.constant 0 : i32
    %dma_start3A_76 = arith.constant 0 : i32
    %dma_start3A_77 = arith.constant 0 : i32
    %dma_start3A_78 = tpu.memref_slice %arg9[%dma_start3A_74, %dma_start3A_76, %dma_start3A_77] : memref<4x16x1024xf32, #tpu.memory_space<vmem>> -> memref<1x16x1024xf32, #tpu.memory_space<vmem>>
    %dma_start3A_79 = tpu.memref_squeeze %dma_start3A_78 : memref<1x16x1024xf32, #tpu.memory_space<vmem>> -> memref<16x1024xf32, #tpu.memory_space<vmem>>
    %dma_start3A_80 = arith.constant 0 : i32
    %dma_start3A_81 = tpu.memref_slice %arg5[%dma_start3A_75, %add3A_73, %dma_start3A_80] : memref<4x2048x1024xf32, #tpu.memory_space<hbm>> -> memref<1x16x1024xf32, #tpu.memory_space<hbm>>
    %dma_start3A_82 = tpu.memref_squeeze %dma_start3A_81 : memref<1x16x1024xf32, #tpu.memory_space<hbm>> -> memref<16x1024xf32, #tpu.memory_space<hbm>>
    %dma_start3A_83 = arith.constant 0 : i32
    %dma_start3A_84 = tpu.memref_slice %arg5[%dma_start3A_75, %add3A_73, %dma_start3A_83] : memref<4x2048x1024xf32, #tpu.memory_space<hbm>> -> memref<1x16x1024xf32, #tpu.memory_space<hbm>>
    %dma_start3A_85 = tpu.memref_squeeze %dma_start3A_84 : memref<1x16x1024xf32, #tpu.memory_space<hbm>> -> memref<16x1024xf32, #tpu.memory_space<hbm>>
    %dma_start3A_86 = arith.constant 0 : i32
    %dma_start3A_87 = arith.constant 0 : i32
    %dma_start3A_88 = tpu.memref_slice %arg9[%dma_start3A_74, %dma_start3A_86, %dma_start3A_87] : memref<4x16x1024xf32, #tpu.memory_space<vmem>> -> memref<1x16x1024xf32, #tpu.memory_space<vmem>>
    %dma_start3A_89 = tpu.memref_squeeze %dma_start3A_88 : memref<1x16x1024xf32, #tpu.memory_space<vmem>> -> memref<16x1024xf32, #tpu.memory_space<vmem>>
    tpu.enqueue_dma source(%dma_start3A_89 : memref<16x1024xf32, #tpu.memory_space<vmem>>) target(%dma_start3A_85 : memref<16x1024xf32, #tpu.memory_space<hbm>>) target_semaphore(%arg11 : memref<!tpu.dma_semaphore, #tpu.memory_space<semaphore_mem>>)
    %add3A_90 = arith.constant 0 : i32
    %add3A_91 = arith.addi %mul3A_2, %add3A_90 : i32
    %dma_start3A_92 = arith.constant 2 : i32
    %dma_start3A_93 = arith.constant 2 : i32
    %dma_start3A_94 = arith.constant 0 : i32
    %dma_start3A_95 = arith.constant 0 : i32
    %dma_start3A_96 = tpu.memref_slice %arg9[%dma_start3A_93, %dma_start3A_94, %dma_start3A_95] : memref<4x16x1024xf32, #tpu.memory_space<vmem>> -> memref<1x16x1024xf32, #tpu.memory_space<vmem>>
    %dma_start3A_97 = tpu.memref_squeeze %dma_start3A_96 : memref<1x16x1024xf32, #tpu.memory_space<vmem>> -> memref<16x1024xf32, #tpu.memory_space<vmem>>
    %dma_start3A_98 = arith.constant 0 : i32
    %dma_start3A_99 = tpu.memref_slice %arg2[%dma_start3A_92, %add3A_91, %dma_start3A_98] : memref<4x2048x1024xf32, #tpu.memory_space<hbm>> -> memref<1x16x1024xf32, #tpu.memory_space<hbm>>
    %dma_start3A_100 = tpu.memref_squeeze %dma_start3A_99 : memref<1x16x1024xf32, #tpu.memory_space<hbm>> -> memref<16x1024xf32, #tpu.memory_space<hbm>>
    %dma_start3A_101 = arith.constant 0 : i32
    %dma_start3A_102 = arith.constant 0 : i32
    %dma_start3A_103 = tpu.memref_slice %arg9[%dma_start3A_93, %dma_start3A_101, %dma_start3A_102] : memref<4x16x1024xf32, #tpu.memory_space<vmem>> -> memref<1x16x1024xf32, #tpu.memory_space<vmem>>
    %dma_start3A_104 = tpu.memref_squeeze %dma_start3A_103 : memref<1x16x1024xf32, #tpu.memory_space<vmem>> -> memref<16x1024xf32, #tpu.memory_space<vmem>>
    %dma_start3A_105 = arith.constant 0 : i32
    %dma_start3A_106 = tpu.memref_slice %arg2[%dma_start3A_92, %add3A_91, %dma_start3A_105] : memref<4x2048x1024xf32, #tpu.memory_space<hbm>> -> memref<1x16x1024xf32, #tpu.memory_space<hbm>>
    %dma_start3A_107 = tpu.memref_squeeze %dma_start3A_106 : memref<1x16x1024xf32, #tpu.memory_space<hbm>> -> memref<16x1024xf32, #tpu.memory_space<hbm>>
    tpu.enqueue_dma source(%dma_start3A_107 : memref<16x1024xf32, #tpu.memory_space<hbm>>) target(%dma_start3A_104 : memref<16x1024xf32, #tpu.memory_space<vmem>>) target_semaphore(%arg10 : memref<!tpu.dma_semaphore, #tpu.memory_space<semaphore_mem>>)
    %dma_wait3A_108 = arith.constant 1 : i32
    %dma_wait3A_109 = arith.constant 1 : i32
    %dma_wait3A_110 = arith.constant 0 : i32
    %dma_wait3A_111 = arith.constant 0 : i32
    %dma_wait3A_112 = tpu.memref_slice %arg9[%dma_wait3A_109, %dma_wait3A_110, %dma_wait3A_111] : memref<4x16x1024xf32, #tpu.memory_space<vmem>> -> memref<1x16x1024xf32, #tpu.memory_space<vmem>>
    %dma_wait3A_113 = tpu.memref_squeeze %dma_wait3A_112 : memref<1x16x1024xf32, #tpu.memory_space<vmem>> -> memref<16x1024xf32, #tpu.memory_space<vmem>>
    %dma_wait3A_114 = arith.constant 0 : i32
    %dma_wait3A_115 = tpu.memref_slice %arg2[%dma_wait3A_108, %add3A_31, %dma_wait3A_114] : memref<4x2048x1024xf32, #tpu.memory_space<hbm>> -> memref<1x16x1024xf32, #tpu.memory_space<hbm>>
    %dma_wait3A_116 = tpu.memref_squeeze %dma_wait3A_115 : memref<1x16x1024xf32, #tpu.memory_space<hbm>> -> memref<16x1024xf32, #tpu.memory_space<hbm>>
    %dma_wait3A_117 = arith.constant 0 : i32
    %dma_wait3A_118 = arith.constant 0 : i32
    %dma_wait3A_119 = tpu.memref_slice %arg9[%dma_wait3A_109, %dma_wait3A_117, %dma_wait3A_118] : memref<4x16x1024xf32, #tpu.memory_space<vmem>> -> memref<1x16x1024xf32, #tpu.memory_space<vmem>>
    %dma_wait3A_120 = tpu.memref_squeeze %dma_wait3A_119 : memref<1x16x1024xf32, #tpu.memory_space<vmem>> -> memref<16x1024xf32, #tpu.memory_space<vmem>>
    %dma_wait3A_121 = arith.constant 0 : i32
    %dma_wait3A_122 = tpu.memref_slice %arg2[%dma_wait3A_108, %add3A_31, %dma_wait3A_121] : memref<4x2048x1024xf32, #tpu.memory_space<hbm>> -> memref<1x16x1024xf32, #tpu.memory_space<hbm>>
    %dma_wait3A_123 = tpu.memref_squeeze %dma_wait3A_122 : memref<1x16x1024xf32, #tpu.memory_space<hbm>> -> memref<16x1024xf32, #tpu.memory_space<hbm>>
    tpu.wait_dma2 semaphore(%arg10 : memref<!tpu.dma_semaphore, #tpu.memory_space<semaphore_mem>>) src(%dma_wait3A_123 : memref<16x1024xf32, #tpu.memory_space<hbm>>) dst(%dma_wait3A_120 : memref<16x1024xf32, #tpu.memory_space<vmem>>)
    %scan3A_124 = arith.constant 0 : i32
    %scan3A_125 = arith.constant 16 : i32
    %scan3A_126 = arith.addi %scan3A_124, %scan3A_125 : i32
    %scan3A_127 = arith.constant 1 : i32
    scf.for %scan3A_1208 = %scan3A_124 to %scan3A_126 step %scan3A_127  : i32 {
      %mul3A_1209 = arith.constant 1 : i32
      %mul3A_1210 = arith.muli %scan3A_1208, %mul3A_1209 : i32
      %add3A_1211 = arith.constant 0 : i32
      %add3A_1212 = arith.addi %add3A_1211, %mul3A_1210 : i32
      %parallel_loop3A = arith.constant 0 : i32
      %parallel_loop3A_1213 = arith.constant 1024 : i32
      %parallel_loop3A_1214 = arith.constant 16 : i32
      scf.for %parallel_loop3A_1215 = %parallel_loop3A to %parallel_loop3A_1213 step %parallel_loop3A_1214  : i32 {
        %parallel_loop3A_1216 = arith.index_cast %add3A_1212 : i32 to index
        %parallel_loop3A_1217 = arith.index_cast %parallel_loop3A_1215 : i32 to index
        %parallel_loop3A_1218 = tpu.vector_load %arg7[%parallel_loop3A_1216, %parallel_loop3A_1217] {strides = array<i32>} : memref<16x1024xf32, #tpu.memory_space<vmem>>, vector<1x16xf32>,
        %parallel_loop3A_1219 = vector.shape_cast %parallel_loop3A_1218 : vector<1x16xf32> to vector<16xf32>
        %parallel_loop3A_1220 = arith.constant 1 : i32
        %parallel_loop3A_1221 = arith.index_cast %parallel_loop3A_1220 : i32 to index
        %parallel_loop3A_1222 = arith.index_cast %add3A_1212 : i32 to index
        %parallel_loop3A_1223 = arith.index_cast %parallel_loop3A_1215 : i32 to index
        %parallel_loop3A_1224 = tpu.vector_load %arg9[%parallel_loop3A_1221, %parallel_loop3A_1222, %parallel_loop3A_1223] {strides = array<i32>} : memref<4x16x1024xf32, #tpu.memory_space<vmem>>, vector<1x1x16xf32>,
        %parallel_loop3A_1225 = vector.shape_cast %parallel_loop3A_1224 : vector<1x1x16xf32> to vector<16xf32>
        %parallel_loop3A_1226 = vector.shape_cast %parallel_loop3A_1219 : vector<16xf32> to vector<1x1x16xf32>
        tpu.vector_store %arg9[%parallel_loop3A_1221, %parallel_loop3A_1222, %parallel_loop3A_1223], %parallel_loop3A_1226 {add = true, strides = array<i32>} : memref<4x16x1024xf32, #tpu.memory_space<vmem>>, vector<1x1x16xf32>,
      } {sc.loop_unroll_factor = 8 : i64, sc.parallel_access}
    }
    %scan3A_128 = arith.constant 16 : i32
    %add3A_129 = arith.constant 0 : i32
    %add3A_130 = arith.addi %mul3A_2, %add3A_129 : i32
    %dma_start3A_131 = arith.constant 1 : i32
    %dma_start3A_132 = arith.constant 1 : i32
    %dma_start3A_133 = arith.constant 0 : i32
    %dma_start3A_134 = arith.constant 0 : i32
    %dma_start3A_135 = tpu.memref_slice %arg9[%dma_start3A_131, %dma_start3A_133, %dma_start3A_134] : memref<4x16x1024xf32, #tpu.memory_space<vmem>> -> memref<1x16x1024xf32, #tpu.memory_space<vmem>>
    %dma_start3A_136 = tpu.memref_squeeze %dma_start3A_135 : memref<1x16x1024xf32, #tpu.memory_space<vmem>> -> memref<16x1024xf32, #tpu.memory_space<vmem>>
    %dma_start3A_137 = arith.constant 0 : i32
    %dma_start3A_138 = tpu.memref_slice %arg5[%dma_start3A_132, %add3A_130, %dma_start3A_137] : memref<4x2048x1024xf32, #tpu.memory_space<hbm>> -> memref<1x16x1024xf32, #tpu.memory_space<hbm>>
    %dma_start3A_139 = tpu.memref_squeeze %dma_start3A_138 : memref<1x16x1024xf32, #tpu.memory_space<hbm>> -> memref<16x1024xf32, #tpu.memory_space<hbm>>
    %dma_start3A_140 = arith.constant 0 : i32
    %dma_start3A_141 = tpu.memref_slice %arg5[%dma_start3A_132, %add3A_130, %dma_start3A_140] : memref<4x2048x1024xf32, #tpu.memory_space<hbm>> -> memref<1x16x1024xf32, #tpu.memory_space<hbm>>
    %dma_start3A_142 = tpu.memref_squeeze %dma_start3A_141 : memref<1x16x1024xf32, #tpu.memory_space<hbm>> -> memref<16x1024xf32, #tpu.memory_space<hbm>>
    %dma_start3A_143 = arith.constant 0 : i32
    %dma_start3A_144 = arith.constant 0 : i32
    %dma_start3A_145 = tpu.memref_slice %arg9[%dma_start3A_131, %dma_start3A_143, %dma_start3A_144] : memref<4x16x1024xf32, #tpu.memory_space<vmem>> -> memref<1x16x1024xf32, #tpu.memory_space<vmem>>
    %dma_start3A_146 = tpu.memref_squeeze %dma_start3A_145 : memref<1x16x1024xf32, #tpu.memory_space<vmem>> -> memref<16x1024xf32, #tpu.memory_space<vmem>>
    tpu.enqueue_dma source(%dma_start3A_146 : memref<16x1024xf32, #tpu.memory_space<vmem>>) target(%dma_start3A_142 : memref<16x1024xf32, #tpu.memory_space<hbm>>) target_semaphore(%arg11 : memref<!tpu.dma_semaphore, #tpu.memory_space<semaphore_mem>>)
    %add3A_147 = arith.constant 0 : i32
    %add3A_148 = arith.addi %mul3A_2, %add3A_147 : i32
    %dma_start3A_149 = arith.constant 3 : i32
    %dma_start3A_150 = arith.constant 3 : i32
    %dma_start3A_151 = arith.constant 0 : i32
    %dma_start3A_152 = arith.constant 0 : i32
    %dma_start3A_153 = tpu.memref_slice %arg9[%dma_start3A_150, %dma_start3A_151, %dma_start3A_152] : memref<4x16x1024xf32, #tpu.memory_space<vmem>> -> memref<1x16x1024xf32, #tpu.memory_space<vmem>>
    %dma_start3A_154 = tpu.memref_squeeze %dma_start3A_153 : memref<1x16x1024xf32, #tpu.memory_space<vmem>> -> memref<16x1024xf32, #tpu.memory_space<vmem>>
    %dma_start3A_155 = arith.constant 0 : i32
    %dma_start3A_156 = tpu.memref_slice %arg2[%dma_start3A_149, %add3A_148, %dma_start3A_155] : memref<4x2048x1024xf32, #tpu.memory_space<hbm>> -> memref<1x16x1024xf32, #tpu.memory_space<hbm>>
    %dma_start3A_157 = tpu.memref_squeeze %dma_start3A_156 : memref<1x16x1024xf32, #tpu.memory_space<hbm>> -> memref<16x1024xf32, #tpu.memory_space<hbm>>
    %dma_start3A_158 = arith.constant 0 : i32
    %dma_start3A_159 = arith.constant 0 : i32
    %dma_start3A_160 = tpu.memref_slice %arg9[%dma_start3A_150, %dma_start3A_158, %dma_start3A_159] : memref<4x16x1024xf32, #tpu.memory_space<vmem>> -> memref<1x16x1024xf32, #tpu.memory_space<vmem>>
    %dma_start3A_161 = tpu.memref_squeeze %dma_start3A_160 : memref<1x16x1024xf32, #tpu.memory_space<vmem>> -> memref<16x1024xf32, #tpu.memory_space<vmem>>
    %dma_start3A_162 = arith.constant 0 : i32
    %dma_start3A_163 = tpu.memref_slice %arg2[%dma_start3A_149, %add3A_148, %dma_start3A_162] : memref<4x2048x1024xf32, #tpu.memory_space<hbm>> -> memref<1x16x1024xf32, #tpu.memory_space<hbm>>
    %dma_start3A_164 = tpu.memref_squeeze %dma_start3A_163 : memref<1x16x1024xf32, #tpu.memory_space<hbm>> -> memref<16x1024xf32, #tpu.memory_space<hbm>>
    tpu.enqueue_dma source(%dma_start3A_164 : memref<16x1024xf32, #tpu.memory_space<hbm>>) target(%dma_start3A_161 : memref<16x1024xf32, #tpu.memory_space<vmem>>) target_semaphore(%arg10 : memref<!tpu.dma_semaphore, #tpu.memory_space<semaphore_mem>>)
    %dma_wait3A_165 = arith.constant 2 : i32
    %dma_wait3A_166 = arith.constant 2 : i32
    %dma_wait3A_167 = arith.constant 0 : i32
    %dma_wait3A_168 = arith.constant 0 : i32
    %dma_wait3A_169 = tpu.memref_slice %arg9[%dma_wait3A_166, %dma_wait3A_167, %dma_wait3A_168] : memref<4x16x1024xf32, #tpu.memory_space<vmem>> -> memref<1x16x1024xf32, #tpu.memory_space<vmem>>
    %dma_wait3A_170 = tpu.memref_squeeze %dma_wait3A_169 : memref<1x16x1024xf32, #tpu.memory_space<vmem>> -> memref<16x1024xf32, #tpu.memory_space<vmem>>
    %dma_wait3A_171 = arith.constant 0 : i32
    %dma_wait3A_172 = tpu.memref_slice %arg2[%dma_wait3A_165, %add3A_91, %dma_wait3A_171] : memref<4x2048x1024xf32, #tpu.memory_space<hbm>> -> memref<1x16x1024xf32, #tpu.memory_space<hbm>>
    %dma_wait3A_173 = tpu.memref_squeeze %dma_wait3A_172 : memref<1x16x1024xf32, #tpu.memory_space<hbm>> -> memref<16x1024xf32, #tpu.memory_space<hbm>>
    %dma_wait3A_174 = arith.constant 0 : i32
    %dma_wait3A_175 = arith.constant 0 : i32
    %dma_wait3A_176 = tpu.memref_slice %arg9[%dma_wait3A_166, %dma_wait3A_174, %dma_wait3A_175] : memref<4x16x1024xf32, #tpu.memory_space<vmem>> -> memref<1x16x1024xf32, #tpu.memory_space<vmem>>
    %dma_wait3A_177 = tpu.memref_squeeze %dma_wait3A_176 : memref<1x16x1024xf32, #tpu.memory_space<vmem>> -> memref<16x1024xf32, #tpu.memory_space<vmem>>
    %dma_wait3A_178 = arith.constant 0 : i32
    %dma_wait3A_179 = tpu.memref_slice %arg2[%dma_wait3A_165, %add3A_91, %dma_wait3A_178] : memref<4x2048x1024xf32, #tpu.memory_space<hbm>> -> memref<1x16x1024xf32, #tpu.memory_space<hbm>>
    %dma_wait3A_180 = tpu.memref_squeeze %dma_wait3A_179 : memref<1x16x1024xf32, #tpu.memory_space<hbm>> -> memref<16x1024xf32, #tpu.memory_space<hbm>>
    tpu.wait_dma2 semaphore(%arg10 : memref<!tpu.dma_semaphore, #tpu.memory_space<semaphore_mem>>) src(%dma_wait3A_180 : memref<16x1024xf32, #tpu.memory_space<hbm>>) dst(%dma_wait3A_177 : memref<16x1024xf32, #tpu.memory_space<vmem>>)
    %scan3A_181 = arith.constant 0 : i32
    %scan3A_182 = arith.constant 16 : i32
    %scan3A_183 = arith.addi %scan3A_181, %scan3A_182 : i32
    %scan3A_184 = arith.constant 1 : i32
    scf.for %scan3A_1208 = %scan3A_181 to %scan3A_183 step %scan3A_184  : i32 {
      %mul3A_1209 = arith.constant 1 : i32
      %mul3A_1210 = arith.muli %scan3A_1208, %mul3A_1209 : i32
      %add3A_1211 = arith.constant 0 : i32
      %add3A_1212 = arith.addi %add3A_1211, %mul3A_1210 : i32
      %parallel_loop3A = arith.constant 0 : i32
      %parallel_loop3A_1213 = arith.constant 1024 : i32
      %parallel_loop3A_1214 = arith.constant 16 : i32
      scf.for %parallel_loop3A_1215 = %parallel_loop3A to %parallel_loop3A_1213 step %parallel_loop3A_1214  : i32 {
        %parallel_loop3A_1216 = arith.index_cast %add3A_1212 : i32 to index
        %parallel_loop3A_1217 = arith.index_cast %parallel_loop3A_1215 : i32 to index
        %parallel_loop3A_1218 = tpu.vector_load %arg7[%parallel_loop3A_1216, %parallel_loop3A_1217] {strides = array<i32>} : memref<16x1024xf32, #tpu.memory_space<vmem>>, vector<1x16xf32>,
        %parallel_loop3A_1219 = vector.shape_cast %parallel_loop3A_1218 : vector<1x16xf32> to vector<16xf32>
        %parallel_loop3A_1220 = arith.constant 2 : i32
        %parallel_loop3A_1221 = arith.index_cast %parallel_loop3A_1220 : i32 to index
        %parallel_loop3A_1222 = arith.index_cast %add3A_1212 : i32 to index
        %parallel_loop3A_1223 = arith.index_cast %parallel_loop3A_1215 : i32 to index
        %parallel_loop3A_1224 = tpu.vector_load %arg9[%parallel_loop3A_1221, %parallel_loop3A_1222, %parallel_loop3A_1223] {strides = array<i32>} : memref<4x16x1024xf32, #tpu.memory_space<vmem>>, vector<1x1x16xf32>,
        %parallel_loop3A_1225 = vector.shape_cast %parallel_loop3A_1224 : vector<1x1x16xf32> to vector<16xf32>
        %parallel_loop3A_1226 = vector.shape_cast %parallel_loop3A_1219 : vector<16xf32> to vector<1x1x16xf32>
        tpu.vector_store %arg9[%parallel_loop3A_1221, %parallel_loop3A_1222, %parallel_loop3A_1223], %parallel_loop3A_1226 {add = true, strides = array<i32>} : memref<4x16x1024xf32, #tpu.memory_space<vmem>>, vector<1x1x16xf32>,
      } {sc.loop_unroll_factor = 8 : i64, sc.parallel_access}
    }
    %scan3A_185 = arith.constant 16 : i32
    %add3A_186 = arith.constant 0 : i32
    %add3A_187 = arith.addi %mul3A_2, %add3A_186 : i32
    %dma_start3A_188 = arith.constant 2 : i32
    %dma_start3A_189 = arith.constant 2 : i32
    %dma_start3A_190 = arith.constant 0 : i32
    %dma_start3A_191 = arith.constant 0 : i32
    %dma_start3A_192 = tpu.memref_slice %arg9[%dma_start3A_188, %dma_start3A_190, %dma_start3A_191] : memref<4x16x1024xf32, #tpu.memory_space<vmem>> -> memref<1x16x1024xf32, #tpu.memory_space<vmem>>
    %dma_start3A_193 = tpu.memref_squeeze %dma_start3A_192 : memref<1x16x1024xf32, #tpu.memory_space<vmem>> -> memref<16x1024xf32, #tpu.memory_space<vmem>>
    %dma_start3A_194 = arith.constant 0 : i32
    %dma_start3A_195 = tpu.memref_slice %arg5[%dma_start3A_189, %add3A_187, %dma_start3A_194] : memref<4x2048x1024xf32, #tpu.memory_space<hbm>> -> memref<1x16x1024xf32, #tpu.memory_space<hbm>>
    %dma_start3A_196 = tpu.memref_squeeze %dma_start3A_195 : memref<1x16x1024xf32, #tpu.memory_space<hbm>> -> memref<16x1024xf32, #tpu.memory_space<hbm>>
    %dma_start3A_197 = arith.constant 0 : i32
    %dma_start3A_198 = tpu.memref_slice %arg5[%dma_start3A_189, %add3A_187, %dma_start3A_197] : memref<4x2048x1024xf32, #tpu.memory_space<hbm>> -> memref<1x16x1024xf32, #tpu.memory_space<hbm>>
    %dma_start3A_199 = tpu.memref_squeeze %dma_start3A_198 : memref<1x16x1024xf32, #tpu.memory_space<hbm>> -> memref<16x1024xf32, #tpu.memory_space<hbm>>
    %dma_start3A_200 = arith.constant 0 : i32
    %dma_start3A_201 = arith.constant 0 : i32
    %dma_start3A_202 = tpu.memref_slice %arg9[%dma_start3A_188, %dma_start3A_200, %dma_start3A_201] : memref<4x16x1024xf32, #tpu.memory_space<vmem>> -> memref<1x16x1024xf32, #tpu.memory_space<vmem>>
    %dma_start3A_203 = tpu.memref_squeeze %dma_start3A_202 : memref<1x16x1024xf32, #tpu.memory_space<vmem>> -> memref<16x1024xf32, #tpu.memory_space<vmem>>
    tpu.enqueue_dma source(%dma_start3A_203 : memref<16x1024xf32, #tpu.memory_space<vmem>>) target(%dma_start3A_199 : memref<16x1024xf32, #tpu.memory_space<hbm>>) target_semaphore(%arg11 : memref<!tpu.dma_semaphore, #tpu.memory_space<semaphore_mem>>)
    %dma_wait3A_204 = arith.constant 0 : i32
    %dma_wait3A_205 = arith.constant 0 : i32
    %dma_wait3A_206 = arith.constant 0 : i32
    %dma_wait3A_207 = arith.constant 0 : i32
    %dma_wait3A_208 = tpu.memref_slice %arg9[%dma_wait3A_204, %dma_wait3A_206, %dma_wait3A_207] : memref<4x16x1024xf32, #tpu.memory_space<vmem>> -> memref<1x16x1024xf32, #tpu.memory_space<vmem>>
    %dma_wait3A_209 = tpu.memref_squeeze %dma_wait3A_208 : memref<1x16x1024xf32, #tpu.memory_space<vmem>> -> memref<16x1024xf32, #tpu.memory_space<vmem>>
    %dma_wait3A_210 = arith.constant 0 : i32
    %dma_wait3A_211 = tpu.memref_slice %arg5[%dma_wait3A_205, %add3A_73, %dma_wait3A_210] : memref<4x2048x1024xf32, #tpu.memory_space<hbm>> -> memref<1x16x1024xf32, #tpu.memory_space<hbm>>
    %dma_wait3A_212 = tpu.memref_squeeze %dma_wait3A_211 : memref<1x16x1024xf32, #tpu.memory_space<hbm>> -> memref<16x1024xf32, #tpu.memory_space<hbm>>
    %dma_wait3A_213 = arith.constant 0 : i32
    %dma_wait3A_214 = tpu.memref_slice %arg5[%dma_wait3A_205, %add3A_73, %dma_wait3A_213] : memref<4x2048x1024xf32, #tpu.memory_space<hbm>> -> memref<1x16x1024xf32, #tpu.memory_space<hbm>>
    %dma_wait3A_215 = tpu.memref_squeeze %dma_wait3A_214 : memref<1x16x1024xf32, #tpu.memory_space<hbm>> -> memref<16x1024xf32, #tpu.memory_space<hbm>>
    %dma_wait3A_216 = arith.constant 0 : i32
    %dma_wait3A_217 = arith.constant 0 : i32
    %dma_wait3A_218 = tpu.memref_slice %arg9[%dma_wait3A_204, %dma_wait3A_216, %dma_wait3A_217] : memref<4x16x1024xf32, #tpu.memory_space<vmem>> -> memref<1x16x1024xf32, #tpu.memory_space<vmem>>
    %dma_wait3A_219 = tpu.memref_squeeze %dma_wait3A_218 : memref<1x16x1024xf32, #tpu.memory_space<vmem>> -> memref<16x1024xf32, #tpu.memory_space<vmem>>
    tpu.wait_dma2 semaphore(%arg11 : memref<!tpu.dma_semaphore, #tpu.memory_space<semaphore_mem>>) src(%dma_wait3A_219 : memref<16x1024xf32, #tpu.memory_space<vmem>>) dst(%dma_wait3A_215 : memref<16x1024xf32, #tpu.memory_space<hbm>>)
    %add3A_220 = arith.constant 16 : i32
    %add3A_221 = arith.addi %mul3A_2, %add3A_220 : i32
    %dma_start3A_222 = arith.constant 0 : i32
    %dma_start3A_223 = arith.constant 0 : i32
    %dma_start3A_224 = arith.constant 0 : i32
    %dma_start3A_225 = arith.constant 0 : i32
    %dma_start3A_226 = tpu.memref_slice %arg9[%dma_start3A_223, %dma_start3A_224, %dma_start3A_225] : memref<4x16x1024xf32, #tpu.memory_space<vmem>> -> memref<1x16x1024xf32, #tpu.memory_space<vmem>>
    %dma_start3A_227 = tpu.memref_squeeze %dma_start3A_226 : memref<1x16x1024xf32, #tpu.memory_space<vmem>> -> memref<16x1024xf32, #tpu.memory_space<vmem>>
    %dma_start3A_228 = arith.constant 0 : i32
    %dma_start3A_229 = tpu.memref_slice %arg2[%dma_start3A_222, %add3A_221, %dma_start3A_228] : memref<4x2048x1024xf32, #tpu.memory_space<hbm>> -> memref<1x16x1024xf32, #tpu.memory_space<hbm>>
    %dma_start3A_230 = tpu.memref_squeeze %dma_start3A_229 : memref<1x16x1024xf32, #tpu.memory_space<hbm>> -> memref<16x1024xf32, #tpu.memory_space<hbm>>
    %dma_start3A_231 = arith.constant 0 : i32
    %dma_start3A_232 = arith.constant 0 : i32
    %dma_start3A_233 = tpu.memref_slice %arg9[%dma_start3A_223, %dma_start3A_231, %dma_start3A_232] : memref<4x16x1024xf32, #tpu.memory_space<vmem>> -> memref<1x16x1024xf32, #tpu.memory_space<vmem>>
    %dma_start3A_234 = tpu.memref_squeeze %dma_start3A_233 : memref<1x16x1024xf32, #tpu.memory_space<vmem>> -> memref<16x1024xf32, #tpu.memory_space<vmem>>
    %dma_start3A_235 = arith.constant 0 : i32
    %dma_start3A_236 = tpu.memref_slice %arg2[%dma_start3A_222, %add3A_221, %dma_start3A_235] : memref<4x2048x1024xf32, #tpu.memory_space<hbm>> -> memref<1x16x1024xf32, #tpu.memory_space<hbm>>
    %dma_start3A_237 = tpu.memref_squeeze %dma_start3A_236 : memref<1x16x1024xf32, #tpu.memory_space<hbm>> -> memref<16x1024xf32, #tpu.memory_space<hbm>>
    tpu.enqueue_dma source(%dma_start3A_237 : memref<16x1024xf32, #tpu.memory_space<hbm>>) target(%dma_start3A_234 : memref<16x1024xf32, #tpu.memory_space<vmem>>) target_semaphore(%arg10 : memref<!tpu.dma_semaphore, #tpu.memory_space<semaphore_mem>>)
    %dma_wait3A_238 = arith.constant 3 : i32
    %dma_wait3A_239 = arith.constant 3 : i32
    %dma_wait3A_240 = arith.constant 0 : i32
    %dma_wait3A_241 = arith.constant 0 : i32
    %dma_wait3A_242 = tpu.memref_slice %arg9[%dma_wait3A_239, %dma_wait3A_240, %dma_wait3A_241] : memref<4x16x1024xf32, #tpu.memory_space<vmem>> -> memref<1x16x1024xf32, #tpu.memory_space<vmem>>
    %dma_wait3A_243 = tpu.memref_squeeze %dma_wait3A_242 : memref<1x16x1024xf32, #tpu.memory_space<vmem>> -> memref<16x1024xf32, #tpu.memory_space<vmem>>
    %dma_wait3A_244 = arith.constant 0 : i32
    %dma_wait3A_245 = tpu.memref_slice %arg2[%dma_wait3A_238, %add3A_148, %dma_wait3A_244] : memref<4x2048x1024xf32, #tpu.memory_space<hbm>> -> memref<1x16x1024xf32, #tpu.memory_space<hbm>>
    %dma_wait3A_246 = tpu.memref_squeeze %dma_wait3A_245 : memref<1x16x1024xf32, #tpu.memory_space<hbm>> -> memref<16x1024xf32, #tpu.memory_space<hbm>>
    %dma_wait3A_247 = arith.constant 0 : i32
    %dma_wait3A_248 = arith.constant 0 : i32
    %dma_wait3A_249 = tpu.memref_slice %arg9[%dma_wait3A_239, %dma_wait3A_247, %dma_wait3A_248] : memref<4x16x1024xf32, #tpu.memory_space<vmem>> -> memref<1x16x1024xf32, #tpu.memory_space<vmem>>
    %dma_wait3A_250 = tpu.memref_squeeze %dma_wait3A_249 : memref<1x16x1024xf32, #tpu.memory_space<vmem>> -> memref<16x1024xf32, #tpu.memory_space<vmem>>
    %dma_wait3A_251 = arith.constant 0 : i32
    %dma_wait3A_252 = tpu.memref_slice %arg2[%dma_wait3A_238, %add3A_148, %dma_wait3A_251] : memref<4x2048x1024xf32, #tpu.memory_space<hbm>> -> memref<1x16x1024xf32, #tpu.memory_space<hbm>>
    %dma_wait3A_253 = tpu.memref_squeeze %dma_wait3A_252 : memref<1x16x1024xf32, #tpu.memory_space<hbm>> -> memref<16x1024xf32, #tpu.memory_space<hbm>>
    tpu.wait_dma2 semaphore(%arg10 : memref<!tpu.dma_semaphore, #tpu.memory_space<semaphore_mem>>) src(%dma_wait3A_253 : memref<16x1024xf32, #tpu.memory_space<hbm>>) dst(%dma_wait3A_250 : memref<16x1024xf32, #tpu.memory_space<vmem>>)
    %scan3A_254 = arith.constant 0 : i32
    %scan3A_255 = arith.constant 16 : i32
    %scan3A_256 = arith.addi %scan3A_254, %scan3A_255 : i32
    %scan3A_257 = arith.constant 1 : i32
    scf.for %scan3A_1208 = %scan3A_254 to %scan3A_256 step %scan3A_257  : i32 {
      %mul3A_1209 = arith.constant 1 : i32
      %mul3A_1210 = arith.muli %scan3A_1208, %mul3A_1209 : i32
      %add3A_1211 = arith.constant 0 : i32
      %add3A_1212 = arith.addi %add3A_1211, %mul3A_1210 : i32
      %parallel_loop3A = arith.constant 0 : i32
      %parallel_loop3A_1213 = arith.constant 1024 : i32
      %parallel_loop3A_1214 = arith.constant 16 : i32
      scf.for %parallel_loop3A_1215 = %parallel_loop3A to %parallel_loop3A_1213 step %parallel_loop3A_1214  : i32 {
        %parallel_loop3A_1216 = arith.index_cast %add3A_1212 : i32 to index
        %parallel_loop3A_1217 = arith.index_cast %parallel_loop3A_1215 : i32 to index
        %parallel_loop3A_1218 = tpu.vector_load %arg7[%parallel_loop3A_1216, %parallel_loop3A_1217] {strides = array<i32>} : memref<16x1024xf32, #tpu.memory_space<vmem>>, vector<1x16xf32>,
        %parallel_loop3A_1219 = vector.shape_cast %parallel_loop3A_1218 : vector<1x16xf32> to vector<16xf32>
        %parallel_loop3A_1220 = arith.constant 3 : i32
        %parallel_loop3A_1221 = arith.index_cast %parallel_loop3A_1220 : i32 to index
        %parallel_loop3A_1222 = arith.index_cast %add3A_1212 : i32 to index
        %parallel_loop3A_1223 = arith.index_cast %parallel_loop3A_1215 : i32 to index
        %parallel_loop3A_1224 = tpu.vector_load %arg9[%parallel_loop3A_1221, %parallel_loop3A_1222, %parallel_loop3A_1223] {strides = array<i32>} : memref<4x16x1024xf32, #tpu.memory_space<vmem>>, vector<1x1x16xf32>,
        %parallel_loop3A_1225 = vector.shape_cast %parallel_loop3A_1224 : vector<1x1x16xf32> to vector<16xf32>
        %parallel_loop3A_1226 = vector.shape_cast %parallel_loop3A_1219 : vector<16xf32> to vector<1x1x16xf32>
        tpu.vector_store %arg9[%parallel_loop3A_1221, %parallel_loop3A_1222, %parallel_loop3A_1223], %parallel_loop3A_1226 {add = true, strides = array<i32>} : memref<4x16x1024xf32, #tpu.memory_space<vmem>>, vector<1x1x16xf32>,
      } {sc.loop_unroll_factor = 8 : i64, sc.parallel_access}
    }
    %scan3A_258 = arith.constant 16 : i32
    %dma_start3A_259 = arith.constant 32 : i32
    %dma_start3A_260 = tpu.memref_slice %arg6[%dma_start3A_259] : memref<64xi32, #tpu.memory_space<vmem>> -> memref<16xi32, #tpu.memory_space<vmem>>
    %dma_start3A_261 = arith.constant 0 : i32
    %dma_start3A_262 = arith.constant 0 : i32
    %dma_start3A_263 = tpu.memref_slice %arg4[%dma_start3A_261, %dma_start3A_262] : memref<512x1024xf32, #tpu.memory_space<hbm>> -> memref<512x1024xf32, #tpu.memory_space<hbm>>
    tpu.enqueue_indirect_dma source(%dma_start3A_263 : memref<512x1024xf32, #tpu.memory_space<hbm>>) target(%arg7 : memref<16x1024xf32, #tpu.memory_space<vmem>>) offsets(%dma_start3A_260 : memref<16xi32, #tpu.memory_space<vmem>>) semaphore(%arg12 : memref<!tpu.dma_semaphore, #tpu.memory_space<semaphore_mem>>)
    %add3A_264 = arith.constant 0 : i32
    %add3A_265 = arith.addi %mul3A_2, %add3A_264 : i32
    %dma_start3A_266 = arith.constant 3 : i32
    %dma_start3A_267 = arith.constant 3 : i32
    %dma_start3A_268 = arith.constant 0 : i32
    %dma_start3A_269 = arith.constant 0 : i32
    %dma_start3A_270 = tpu.memref_slice %arg9[%dma_start3A_266, %dma_start3A_268, %dma_start3A_269] : memref<4x16x1024xf32, #tpu.memory_space<vmem>> -> memref<1x16x1024xf32, #tpu.memory_space<vmem>>
    %dma_start3A_271 = tpu.memref_squeeze %dma_start3A_270 : memref<1x16x1024xf32, #tpu.memory_space<vmem>> -> memref<16x1024xf32, #tpu.memory_space<vmem>>
    %dma_start3A_272 = arith.constant 0 : i32
    %dma_start3A_273 = tpu.memref_slice %arg5[%dma_start3A_267, %add3A_265, %dma_start3A_272] : memref<4x2048x1024xf32, #tpu.memory_space<hbm>> -> memref<1x16x1024xf32, #tpu.memory_space<hbm>>
    %dma_start3A_274 = tpu.memref_squeeze %dma_start3A_273 : memref<1x16x1024xf32, #tpu.memory_space<hbm>> -> memref<16x1024xf32, #tpu.memory_space<hbm>>
    %dma_start3A_275 = arith.constant 0 : i32
    %dma_start3A_276 = tpu.memref_slice %arg5[%dma_start3A_267, %add3A_265, %dma_start3A_275] : memref<4x2048x1024xf32, #tpu.memory_space<hbm>> -> memref<1x16x1024xf32, #tpu.memory_space<hbm>>
    %dma_start3A_277 = tpu.memref_squeeze %dma_start3A_276 : memref<1x16x1024xf32, #tpu.memory_space<hbm>> -> memref<16x1024xf32, #tpu.memory_space<hbm>>
    %dma_start3A_278 = arith.constant 0 : i32
    %dma_start3A_279 = arith.constant 0 : i32
    %dma_start3A_280 = tpu.memref_slice %arg9[%dma_start3A_266, %dma_start3A_278, %dma_start3A_279] : memref<4x16x1024xf32, #tpu.memory_space<vmem>> -> memref<1x16x1024xf32, #tpu.memory_space<vmem>>
    %dma_start3A_281 = tpu.memref_squeeze %dma_start3A_280 : memref<1x16x1024xf32, #tpu.memory_space<vmem>> -> memref<16x1024xf32, #tpu.memory_space<vmem>>
    tpu.enqueue_dma source(%dma_start3A_281 : memref<16x1024xf32, #tpu.memory_space<vmem>>) target(%dma_start3A_277 : memref<16x1024xf32, #tpu.memory_space<hbm>>) target_semaphore(%arg11 : memref<!tpu.dma_semaphore, #tpu.memory_space<semaphore_mem>>)
    %dma_wait3A_282 = arith.constant 1 : i32
    %dma_wait3A_283 = arith.constant 1 : i32
    %dma_wait3A_284 = arith.constant 0 : i32
    %dma_wait3A_285 = arith.constant 0 : i32
    %dma_wait3A_286 = tpu.memref_slice %arg9[%dma_wait3A_282, %dma_wait3A_284, %dma_wait3A_285] : memref<4x16x1024xf32, #tpu.memory_space<vmem>> -> memref<1x16x1024xf32, #tpu.memory_space<vmem>>
    %dma_wait3A_287 = tpu.memref_squeeze %dma_wait3A_286 : memref<1x16x1024xf32, #tpu.memory_space<vmem>> -> memref<16x1024xf32, #tpu.memory_space<vmem>>
    %dma_wait3A_288 = arith.constant 0 : i32
    %dma_wait3A_289 = tpu.memref_slice %arg5[%dma_wait3A_283, %add3A_130, %dma_wait3A_288] : memref<4x2048x1024xf32, #tpu.memory_space<hbm>> -> memref<1x16x1024xf32, #tpu.memory_space<hbm>>
    %dma_wait3A_290 = tpu.memref_squeeze %dma_wait3A_289 : memref<1x16x1024xf32, #tpu.memory_space<hbm>> -> memref<16x1024xf32, #tpu.memory_space<hbm>>
    %dma_wait3A_291 = arith.constant 0 : i32
    %dma_wait3A_292 = tpu.memref_slice %arg5[%dma_wait3A_283, %add3A_130, %dma_wait3A_291] : memref<4x2048x1024xf32, #tpu.memory_space<hbm>> -> memref<1x16x1024xf32, #tpu.memory_space<hbm>>
    %dma_wait3A_293 = tpu.memref_squeeze %dma_wait3A_292 : memref<1x16x1024xf32, #tpu.memory_space<hbm>> -> memref<16x1024xf32, #tpu.memory_space<hbm>>
    %dma_wait3A_294 = arith.constant 0 : i32
    %dma_wait3A_295 = arith.constant 0 : i32
    %dma_wait3A_296 = tpu.memref_slice %arg9[%dma_wait3A_282, %dma_wait3A_294, %dma_wait3A_295] : memref<4x16x1024xf32, #tpu.memory_space<vmem>> -> memref<1x16x1024xf32, #tpu.memory_space<vmem>>
    %dma_wait3A_297 = tpu.memref_squeeze %dma_wait3A_296 : memref<1x16x1024xf32, #tpu.memory_space<vmem>> -> memref<16x1024xf32, #tpu.memory_space<vmem>>
    tpu.wait_dma2 semaphore(%arg11 : memref<!tpu.dma_semaphore, #tpu.memory_space<semaphore_mem>>) src(%dma_wait3A_297 : memref<16x1024xf32, #tpu.memory_space<vmem>>) dst(%dma_wait3A_293 : memref<16x1024xf32, #tpu.memory_space<hbm>>)
    %add3A_298 = arith.constant 16 : i32
    %add3A_299 = arith.addi %mul3A_2, %add3A_298 : i32
    %dma_start3A_300 = arith.constant 1 : i32
    %dma_start3A_301 = arith.constant 1 : i32
    %dma_start3A_302 = arith.constant 0 : i32
    %dma_start3A_303 = arith.constant 0 : i32
    %dma_start3A_304 = tpu.memref_slice %arg9[%dma_start3A_301, %dma_start3A_302, %dma_start3A_303] : memref<4x16x1024xf32, #tpu.memory_space<vmem>> -> memref<1x16x1024xf32, #tpu.memory_space<vmem>>
    %dma_start3A_305 = tpu.memref_squeeze %dma_start3A_304 : memref<1x16x1024xf32, #tpu.memory_space<vmem>> -> memref<16x1024xf32, #tpu.memory_space<vmem>>
    %dma_start3A_306 = arith.constant 0 : i32
    %dma_start3A_307 = tpu.memref_slice %arg2[%dma_start3A_300, %add3A_299, %dma_start3A_306] : memref<4x2048x1024xf32, #tpu.memory_space<hbm>> -> memref<1x16x1024xf32, #tpu.memory_space<hbm>>
    %dma_start3A_308 = tpu.memref_squeeze %dma_start3A_307 : memref<1x16x1024xf32, #tpu.memory_space<hbm>> -> memref<16x1024xf32, #tpu.memory_space<hbm>>
    %dma_start3A_309 = arith.constant 0 : i32
    %dma_start3A_310 = arith.constant 0 : i32
    %dma_start3A_311 = tpu.memref_slice %arg9[%dma_start3A_301, %dma_start3A_309, %dma_start3A_310] : memref<4x16x1024xf32, #tpu.memory_space<vmem>> -> memref<1x16x1024xf32, #tpu.memory_space<vmem>>
    %dma_start3A_312 = tpu.memref_squeeze %dma_start3A_311 : memref<1x16x1024xf32, #tpu.memory_space<vmem>> -> memref<16x1024xf32, #tpu.memory_space<vmem>>
    %dma_start3A_313 = arith.constant 0 : i32
    %dma_start3A_314 = tpu.memref_slice %arg2[%dma_start3A_300, %add3A_299, %dma_start3A_313] : memref<4x2048x1024xf32, #tpu.memory_space<hbm>> -> memref<1x16x1024xf32, #tpu.memory_space<hbm>>
    %dma_start3A_315 = tpu.memref_squeeze %dma_start3A_314 : memref<1x16x1024xf32, #tpu.memory_space<hbm>> -> memref<16x1024xf32, #tpu.memory_space<hbm>>
    tpu.enqueue_dma source(%dma_start3A_315 : memref<16x1024xf32, #tpu.memory_space<hbm>>) target(%dma_start3A_312 : memref<16x1024xf32, #tpu.memory_space<vmem>>) target_semaphore(%arg10 : memref<!tpu.dma_semaphore, #tpu.memory_space<semaphore_mem>>)
    %dma_wait3A_316 = arith.constant 16 : i32
    %dma_wait3A_317 = tpu.memref_slice %arg6[%dma_wait3A_316] : memref<64xi32, #tpu.memory_space<vmem>> -> memref<16xi32, #tpu.memory_space<vmem>>
    %dma_wait3A_318 = arith.constant 0 : i32
    %dma_wait3A_319 = arith.constant 0 : i32
    %dma_wait3A_320 = tpu.memref_slice %arg4[%dma_wait3A_318, %dma_wait3A_319] : memref<512x1024xf32, #tpu.memory_space<hbm>> -> memref<512x1024xf32, #tpu.memory_space<hbm>>
    tpu.wait_indirect_dma semaphore(%arg13 : memref<!tpu.dma_semaphore, #tpu.memory_space<semaphore_mem>>) src(%dma_wait3A_320 : memref<512x1024xf32, #tpu.memory_space<hbm>>) dst(%arg8 : memref<16x1024xf32, #tpu.memory_space<vmem>>)
    %dma_wait3A_321 = arith.constant 0 : i32
    %dma_wait3A_322 = arith.constant 0 : i32
    %dma_wait3A_323 = arith.constant 0 : i32
    %dma_wait3A_324 = arith.constant 0 : i32
    %dma_wait3A_325 = tpu.memref_slice %arg9[%dma_wait3A_322, %dma_wait3A_323, %dma_wait3A_324] : memref<4x16x1024xf32, #tpu.memory_space<vmem>> -> memref<1x16x1024xf32, #tpu.memory_space<vmem>>
    %dma_wait3A_326 = tpu.memref_squeeze %dma_wait3A_325 : memref<1x16x1024xf32, #tpu.memory_space<vmem>> -> memref<16x1024xf32, #tpu.memory_space<vmem>>
    %dma_wait3A_327 = arith.constant 0 : i32
    %dma_wait3A_328 = tpu.memref_slice %arg2[%dma_wait3A_321, %add3A_221, %dma_wait3A_327] : memref<4x2048x1024xf32, #tpu.memory_space<hbm>> -> memref<1x16x1024xf32, #tpu.memory_space<hbm>>
    %dma_wait3A_329 = tpu.memref_squeeze %dma_wait3A_328 : memref<1x16x1024xf32, #tpu.memory_space<hbm>> -> memref<16x1024xf32, #tpu.memory_space<hbm>>
    %dma_wait3A_330 = arith.constant 0 : i32
    %dma_wait3A_331 = arith.constant 0 : i32
    %dma_wait3A_332 = tpu.memref_slice %arg9[%dma_wait3A_322, %dma_wait3A_330, %dma_wait3A_331] : memref<4x16x1024xf32, #tpu.memory_space<vmem>> -> memref<1x16x1024xf32, #tpu.memory_space<vmem>>
    %dma_wait3A_333 = tpu.memref_squeeze %dma_wait3A_332 : memref<1x16x1024xf32, #tpu.memory_space<vmem>> -> memref<16x1024xf32, #tpu.memory_space<vmem>>
    %dma_wait3A_334 = arith.constant 0 : i32
    %dma_wait3A_335 = tpu.memref_slice %arg2[%dma_wait3A_321, %add3A_221, %dma_wait3A_334] : memref<4x2048x1024xf32, #tpu.memory_space<hbm>> -> memref<1x16x1024xf32, #tpu.memory_space<hbm>>
    %dma_wait3A_336 = tpu.memref_squeeze %dma_wait3A_335 : memref<1x16x1024xf32, #tpu.memory_space<hbm>> -> memref<16x1024xf32, #tpu.memory_space<hbm>>
    tpu.wait_dma2 semaphore(%arg10 : memref<!tpu.dma_semaphore, #tpu.memory_space<semaphore_mem>>) src(%dma_wait3A_336 : memref<16x1024xf32, #tpu.memory_space<hbm>>) dst(%dma_wait3A_333 : memref<16x1024xf32, #tpu.memory_space<vmem>>)
    %scan3A_337 = arith.constant 0 : i32
    %scan3A_338 = arith.constant 16 : i32
    %scan3A_339 = arith.addi %scan3A_337, %scan3A_338 : i32
    %scan3A_340 = arith.constant 1 : i32
    scf.for %scan3A_1208 = %scan3A_337 to %scan3A_339 step %scan3A_340  : i32 {
      %mul3A_1209 = arith.constant 1 : i32
      %mul3A_1210 = arith.muli %scan3A_1208, %mul3A_1209 : i32
      %add3A_1211 = arith.constant 0 : i32
      %add3A_1212 = arith.addi %add3A_1211, %mul3A_1210 : i32
      %parallel_loop3A = arith.constant 0 : i32
      %parallel_loop3A_1213 = arith.constant 1024 : i32
      %parallel_loop3A_1214 = arith.constant 16 : i32
      scf.for %parallel_loop3A_1215 = %parallel_loop3A to %parallel_loop3A_1213 step %parallel_loop3A_1214  : i32 {
        %parallel_loop3A_1216 = arith.index_cast %add3A_1212 : i32 to index
        %parallel_loop3A_1217 = arith.index_cast %parallel_loop3A_1215 : i32 to index
        %parallel_loop3A_1218 = tpu.vector_load %arg8[%parallel_loop3A_1216, %parallel_loop3A_1217] {strides = array<i32>} : memref<16x1024xf32, #tpu.memory_space<vmem>>, vector<1x16xf32>,
        %parallel_loop3A_1219 = vector.shape_cast %parallel_loop3A_1218 : vector<1x16xf32> to vector<16xf32>
        %parallel_loop3A_1220 = arith.constant 0 : i32
        %parallel_loop3A_1221 = arith.index_cast %parallel_loop3A_1220 : i32 to index
        %parallel_loop3A_1222 = arith.index_cast %add3A_1212 : i32 to index
        %parallel_loop3A_1223 = arith.index_cast %parallel_loop3A_1215 : i32 to index
        %parallel_loop3A_1224 = tpu.vector_load %arg9[%parallel_loop3A_1221, %parallel_loop3A_1222, %parallel_loop3A_1223] {strides = array<i32>} : memref<4x16x1024xf32, #tpu.memory_space<vmem>>, vector<1x1x16xf32>,
        %parallel_loop3A_1225 = vector.shape_cast %parallel_loop3A_1224 : vector<1x1x16xf32> to vector<16xf32>
        %parallel_loop3A_1226 = vector.shape_cast %parallel_loop3A_1219 : vector<16xf32> to vector<1x1x16xf32>
        tpu.vector_store %arg9[%parallel_loop3A_1221, %parallel_loop3A_1222, %parallel_loop3A_1223], %parallel_loop3A_1226 {add = true, strides = array<i32>} : memref<4x16x1024xf32, #tpu.memory_space<vmem>>, vector<1x1x16xf32>,
      } {sc.loop_unroll_factor = 8 : i64, sc.parallel_access}
    }
    %scan3A_341 = arith.constant 16 : i32
    %add3A_342 = arith.constant 16 : i32
    %add3A_343 = arith.addi %mul3A_2, %add3A_342 : i32
    %dma_start3A_344 = arith.constant 0 : i32
    %dma_start3A_345 = arith.constant 0 : i32
    %dma_start3A_346 = arith.constant 0 : i32
    %dma_start3A_347 = arith.constant 0 : i32
    %dma_start3A_348 = tpu.memref_slice %arg9[%dma_start3A_344, %dma_start3A_346, %dma_start3A_347] : memref<4x16x1024xf32, #tpu.memory_space<vmem>> -> memref<1x16x1024xf32, #tpu.memory_space<vmem>>
    %dma_start3A_349 = tpu.memref_squeeze %dma_start3A_348 : memref<1x16x1024xf32, #tpu.memory_space<vmem>> -> memref<16x1024xf32, #tpu.memory_space<vmem>>
    %dma_start3A_350 = arith.constant 0 : i32
    %dma_start3A_351 = tpu.memref_slice %arg5[%dma_start3A_345, %add3A_343, %dma_start3A_350] : memref<4x2048x1024xf32, #tpu.memory_space<hbm>> -> memref<1x16x1024xf32, #tpu.memory_space<hbm>>
    %dma_start3A_352 = tpu.memref_squeeze %dma_start3A_351 : memref<1x16x1024xf32, #tpu.memory_space<hbm>> -> memref<16x1024xf32, #tpu.memory_space<hbm>>
    %dma_start3A_353 = arith.constant 0 : i32
    %dma_start3A_354 = tpu.memref_slice %arg5[%dma_start3A_345, %add3A_343, %dma_start3A_353] : memref<4x2048x1024xf32, #tpu.memory_space<hbm>> -> memref<1x16x1024xf32, #tpu.memory_space<hbm>>
    %dma_start3A_355 = tpu.memref_squeeze %dma_start3A_354 : memref<1x16x1024xf32, #tpu.memory_space<hbm>> -> memref<16x1024xf32, #tpu.memory_space<hbm>>
    %dma_start3A_356 = arith.constant 0 : i32
    %dma_start3A_357 = arith.constant 0 : i32
    %dma_start3A_358 = tpu.memref_slice %arg9[%dma_start3A_344, %dma_start3A_356, %dma_start3A_357] : memref<4x16x1024xf32, #tpu.memory_space<vmem>> -> memref<1x16x1024xf32, #tpu.memory_space<vmem>>
    %dma_start3A_359 = tpu.memref_squeeze %dma_start3A_358 : memref<1x16x1024xf32, #tpu.memory_space<vmem>> -> memref<16x1024xf32, #tpu.memory_space<vmem>>
    tpu.enqueue_dma source(%dma_start3A_359 : memref<16x1024xf32, #tpu.memory_space<vmem>>) target(%dma_start3A_355 : memref<16x1024xf32, #tpu.memory_space<hbm>>) target_semaphore(%arg11 : memref<!tpu.dma_semaphore, #tpu.memory_space<semaphore_mem>>)
    %dma_wait3A_360 = arith.constant 2 : i32
    %dma_wait3A_361 = arith.constant 2 : i32
    %dma_wait3A_362 = arith.constant 0 : i32
    %dma_wait3A_363 = arith.constant 0 : i32
    %dma_wait3A_364 = tpu.memref_slice %arg9[%dma_wait3A_360, %dma_wait3A_362, %dma_wait3A_363] : memref<4x16x1024xf32, #tpu.memory_space<vmem>> -> memref<1x16x1024xf32, #tpu.memory_space<vmem>>
    %dma_wait3A_365 = tpu.memref_squeeze %dma_wait3A_364 : memref<1x16x1024xf32, #tpu.memory_space<vmem>> -> memref<16x1024xf32, #tpu.memory_space<vmem>>
    %dma_wait3A_366 = arith.constant 0 : i32
    %dma_wait3A_367 = tpu.memref_slice %arg5[%dma_wait3A_361, %add3A_187, %dma_wait3A_366] : memref<4x2048x1024xf32, #tpu.memory_space<hbm>> -> memref<1x16x1024xf32, #tpu.memory_space<hbm>>
    %dma_wait3A_368 = tpu.memref_squeeze %dma_wait3A_367 : memref<1x16x1024xf32, #tpu.memory_space<hbm>> -> memref<16x1024xf32, #tpu.memory_space<hbm>>
    %dma_wait3A_369 = arith.constant 0 : i32
    %dma_wait3A_370 = tpu.memref_slice %arg5[%dma_wait3A_361, %add3A_187, %dma_wait3A_369] : memref<4x2048x1024xf32, #tpu.memory_space<hbm>> -> memref<1x16x1024xf32, #tpu.memory_space<hbm>>
    %dma_wait3A_371 = tpu.memref_squeeze %dma_wait3A_370 : memref<1x16x1024xf32, #tpu.memory_space<hbm>> -> memref<16x1024xf32, #tpu.memory_space<hbm>>
    %dma_wait3A_372 = arith.constant 0 : i32
    %dma_wait3A_373 = arith.constant 0 : i32
    %dma_wait3A_374 = tpu.memref_slice %arg9[%dma_wait3A_360, %dma_wait3A_372, %dma_wait3A_373] : memref<4x16x1024xf32, #tpu.memory_space<vmem>> -> memref<1x16x1024xf32, #tpu.memory_space<vmem>>
    %dma_wait3A_375 = tpu.memref_squeeze %dma_wait3A_374 : memref<1x16x1024xf32, #tpu.memory_space<vmem>> -> memref<16x1024xf32, #tpu.memory_space<vmem>>
    tpu.wait_dma2 semaphore(%arg11 : memref<!tpu.dma_semaphore, #tpu.memory_space<semaphore_mem>>) src(%dma_wait3A_375 : memref<16x1024xf32, #tpu.memory_space<vmem>>) dst(%dma_wait3A_371 : memref<16x1024xf32, #tpu.memory_space<hbm>>)
    %add3A_376 = arith.constant 16 : i32
    %add3A_377 = arith.addi %mul3A_2, %add3A_376 : i32
    %dma_start3A_378 = arith.constant 2 : i32
    %dma_start3A_379 = arith.constant 2 : i32
    %dma_start3A_380 = arith.constant 0 : i32
    %dma_start3A_381 = arith.constant 0 : i32
    %dma_start3A_382 = tpu.memref_slice %arg9[%dma_start3A_379, %dma_start3A_380, %dma_start3A_381] : memref<4x16x1024xf32, #tpu.memory_space<vmem>> -> memref<1x16x1024xf32, #tpu.memory_space<vmem>>
    %dma_start3A_383 = tpu.memref_squeeze %dma_start3A_382 : memref<1x16x1024xf32, #tpu.memory_space<vmem>> -> memref<16x1024xf32, #tpu.memory_space<vmem>>
    %dma_start3A_384 = arith.constant 0 : i32
    %dma_start3A_385 = tpu.memref_slice %arg2[%dma_start3A_378, %add3A_377, %dma_start3A_384] : memref<4x2048x1024xf32, #tpu.memory_space<hbm>> -> memref<1x16x1024xf32, #tpu.memory_space<hbm>>
    %dma_start3A_386 = tpu.memref_squeeze %dma_start3A_385 : memref<1x16x1024xf32, #tpu.memory_space<hbm>> -> memref<16x1024xf32, #tpu.memory_space<hbm>>
    %dma_start3A_387 = arith.constant 0 : i32
    %dma_start3A_388 = arith.constant 0 : i32
    %dma_start3A_389 = tpu.memref_slice %arg9[%dma_start3A_379, %dma_start3A_387, %dma_start3A_388] : memref<4x16x1024xf32, #tpu.memory_space<vmem>> -> memref<1x16x1024xf32, #tpu.memory_space<vmem>>
    %dma_start3A_390 = tpu.memref_squeeze %dma_start3A_389 : memref<1x16x1024xf32, #tpu.memory_space<vmem>> -> memref<16x1024xf32, #tpu.memory_space<vmem>>
    %dma_start3A_391 = arith.constant 0 : i32
    %dma_start3A_392 = tpu.memref_slice %arg2[%dma_start3A_378, %add3A_377, %dma_start3A_391] : memref<4x2048x1024xf32, #tpu.memory_space<hbm>> -> memref<1x16x1024xf32, #tpu.memory_space<hbm>>
    %dma_start3A_393 = tpu.memref_squeeze %dma_start3A_392 : memref<1x16x1024xf32, #tpu.memory_space<hbm>> -> memref<16x1024xf32, #tpu.memory_space<hbm>>
    tpu.enqueue_dma source(%dma_start3A_393 : memref<16x1024xf32, #tpu.memory_space<hbm>>) target(%dma_start3A_390 : memref<16x1024xf32, #tpu.memory_space<vmem>>) target_semaphore(%arg10 : memref<!tpu.dma_semaphore, #tpu.memory_space<semaphore_mem>>)
    %dma_wait3A_394 = arith.constant 1 : i32
    %dma_wait3A_395 = arith.constant 1 : i32
    %dma_wait3A_396 = arith.constant 0 : i32
    %dma_wait3A_397 = arith.constant 0 : i32
    %dma_wait3A_398 = tpu.memref_slice %arg9[%dma_wait3A_395, %dma_wait3A_396, %dma_wait3A_397] : memref<4x16x1024xf32, #tpu.memory_space<vmem>> -> memref<1x16x1024xf32, #tpu.memory_space<vmem>>
    %dma_wait3A_399 = tpu.memref_squeeze %dma_wait3A_398 : memref<1x16x1024xf32, #tpu.memory_space<vmem>> -> memref<16x1024xf32, #tpu.memory_space<vmem>>
    %dma_wait3A_400 = arith.constant 0 : i32
    %dma_wait3A_401 = tpu.memref_slice %arg2[%dma_wait3A_394, %add3A_299, %dma_wait3A_400] : memref<4x2048x1024xf32, #tpu.memory_space<hbm>> -> memref<1x16x1024xf32, #tpu.memory_space<hbm>>
    %dma_wait3A_402 = tpu.memref_squeeze %dma_wait3A_401 : memref<1x16x1024xf32, #tpu.memory_space<hbm>> -> memref<16x1024xf32, #tpu.memory_space<hbm>>
    %dma_wait3A_403 = arith.constant 0 : i32
    %dma_wait3A_404 = arith.constant 0 : i32
    %dma_wait3A_405 = tpu.memref_slice %arg9[%dma_wait3A_395, %dma_wait3A_403, %dma_wait3A_404] : memref<4x16x1024xf32, #tpu.memory_space<vmem>> -> memref<1x16x1024xf32, #tpu.memory_space<vmem>>
    %dma_wait3A_406 = tpu.memref_squeeze %dma_wait3A_405 : memref<1x16x1024xf32, #tpu.memory_space<vmem>> -> memref<16x1024xf32, #tpu.memory_space<vmem>>
    %dma_wait3A_407 = arith.constant 0 : i32
    %dma_wait3A_408 = tpu.memref_slice %arg2[%dma_wait3A_394, %add3A_299, %dma_wait3A_407] : memref<4x2048x1024xf32, #tpu.memory_space<hbm>> -> memref<1x16x1024xf32, #tpu.memory_space<hbm>>
    %dma_wait3A_409 = tpu.memref_squeeze %dma_wait3A_408 : memref<1x16x1024xf32, #tpu.memory_space<hbm>> -> memref<16x1024xf32, #tpu.memory_space<hbm>>
    tpu.wait_dma2 semaphore(%arg10 : memref<!tpu.dma_semaphore, #tpu.memory_space<semaphore_mem>>) src(%dma_wait3A_409 : memref<16x1024xf32, #tpu.memory_space<hbm>>) dst(%dma_wait3A_406 : memref<16x1024xf32, #tpu.memory_space<vmem>>)
    %scan3A_410 = arith.constant 0 : i32
    %scan3A_411 = arith.constant 16 : i32
    %scan3A_412 = arith.addi %scan3A_410, %scan3A_411 : i32
    %scan3A_413 = arith.constant 1 : i32
    scf.for %scan3A_1208 = %scan3A_410 to %scan3A_412 step %scan3A_413  : i32 {
      %mul3A_1209 = arith.constant 1 : i32
      %mul3A_1210 = arith.muli %scan3A_1208, %mul3A_1209 : i32
      %add3A_1211 = arith.constant 0 : i32
      %add3A_1212 = arith.addi %add3A_1211, %mul3A_1210 : i32
      %parallel_loop3A = arith.constant 0 : i32
      %parallel_loop3A_1213 = arith.constant 1024 : i32
      %parallel_loop3A_1214 = arith.constant 16 : i32
      scf.for %parallel_loop3A_1215 = %parallel_loop3A to %parallel_loop3A_1213 step %parallel_loop3A_1214  : i32 {
        %parallel_loop3A_1216 = arith.index_cast %add3A_1212 : i32 to index
        %parallel_loop3A_1217 = arith.index_cast %parallel_loop3A_1215 : i32 to index
        %parallel_loop3A_1218 = tpu.vector_load %arg8[%parallel_loop3A_1216, %parallel_loop3A_1217] {strides = array<i32>} : memref<16x1024xf32, #tpu.memory_space<vmem>>, vector<1x16xf32>,
        %parallel_loop3A_1219 = vector.shape_cast %parallel_loop3A_1218 : vector<1x16xf32> to vector<16xf32>
        %parallel_loop3A_1220 = arith.constant 1 : i32
        %parallel_loop3A_1221 = arith.index_cast %parallel_loop3A_1220 : i32 to index
        %parallel_loop3A_1222 = arith.index_cast %add3A_1212 : i32 to index
        %parallel_loop3A_1223 = arith.index_cast %parallel_loop3A_1215 : i32 to index
        %parallel_loop3A_1224 = tpu.vector_load %arg9[%parallel_loop3A_1221, %parallel_loop3A_1222, %parallel_loop3A_1223] {strides = array<i32>} : memref<4x16x1024xf32, #tpu.memory_space<vmem>>, vector<1x1x16xf32>,
        %parallel_loop3A_1225 = vector.shape_cast %parallel_loop3A_1224 : vector<1x1x16xf32> to vector<16xf32>
        %parallel_loop3A_1226 = vector.shape_cast %parallel_loop3A_1219 : vector<16xf32> to vector<1x1x16xf32>
        tpu.vector_store %arg9[%parallel_loop3A_1221, %parallel_loop3A_1222, %parallel_loop3A_1223], %parallel_loop3A_1226 {add = true, strides = array<i32>} : memref<4x16x1024xf32, #tpu.memory_space<vmem>>, vector<1x1x16xf32>,
      } {sc.loop_unroll_factor = 8 : i64, sc.parallel_access}
    }
    %scan3A_414 = arith.constant 16 : i32
    %add3A_415 = arith.constant 16 : i32
    %add3A_416 = arith.addi %mul3A_2, %add3A_415 : i32
    %dma_start3A_417 = arith.constant 1 : i32
    %dma_start3A_418 = arith.constant 1 : i32
    %dma_start3A_419 = arith.constant 0 : i32
    %dma_start3A_420 = arith.constant 0 : i32
    %dma_start3A_421 = tpu.memref_slice %arg9[%dma_start3A_417, %dma_start3A_419, %dma_start3A_420] : memref<4x16x1024xf32, #tpu.memory_space<vmem>> -> memref<1x16x1024xf32, #tpu.memory_space<vmem>>
    %dma_start3A_422 = tpu.memref_squeeze %dma_start3A_421 : memref<1x16x1024xf32, #tpu.memory_space<vmem>> -> memref<16x1024xf32, #tpu.memory_space<vmem>>
    %dma_start3A_423 = arith.constant 0 : i32
    %dma_start3A_424 = tpu.memref_slice %arg5[%dma_start3A_418, %add3A_416, %dma_start3A_423] : memref<4x2048x1024xf32, #tpu.memory_space<hbm>> -> memref<1x16x1024xf32, #tpu.memory_space<hbm>>
    %dma_start3A_425 = tpu.memref_squeeze %dma_start3A_424 : memref<1x16x1024xf32, #tpu.memory_space<hbm>> -> memref<16x1024xf32, #tpu.memory_space<hbm>>
    %dma_start3A_426 = arith.constant 0 : i32
    %dma_start3A_427 = tpu.memref_slice %arg5[%dma_start3A_418, %add3A_416, %dma_start3A_426] : memref<4x2048x1024xf32, #tpu.memory_space<hbm>> -> memref<1x16x1024xf32, #tpu.memory_space<hbm>>
    %dma_start3A_428 = tpu.memref_squeeze %dma_start3A_427 : memref<1x16x1024xf32, #tpu.memory_space<hbm>> -> memref<16x1024xf32, #tpu.memory_space<hbm>>
    %dma_start3A_429 = arith.constant 0 : i32
    %dma_start3A_430 = arith.constant 0 : i32
    %dma_start3A_431 = tpu.memref_slice %arg9[%dma_start3A_417, %dma_start3A_429, %dma_start3A_430] : memref<4x16x1024xf32, #tpu.memory_space<vmem>> -> memref<1x16x1024xf32, #tpu.memory_space<vmem>>
    %dma_start3A_432 = tpu.memref_squeeze %dma_start3A_431 : memref<1x16x1024xf32, #tpu.memory_space<vmem>> -> memref<16x1024xf32, #tpu.memory_space<vmem>>
    tpu.enqueue_dma source(%dma_start3A_432 : memref<16x1024xf32, #tpu.memory_space<vmem>>) target(%dma_start3A_428 : memref<16x1024xf32, #tpu.memory_space<hbm>>) target_semaphore(%arg11 : memref<!tpu.dma_semaphore, #tpu.memory_space<semaphore_mem>>)
    %dma_wait3A_433 = arith.constant 3 : i32
    %dma_wait3A_434 = arith.constant 3 : i32
    %dma_wait3A_435 = arith.constant 0 : i32
    %dma_wait3A_436 = arith.constant 0 : i32
    %dma_wait3A_437 = tpu.memref_slice %arg9[%dma_wait3A_433, %dma_wait3A_435, %dma_wait3A_436] : memref<4x16x1024xf32, #tpu.memory_space<vmem>> -> memref<1x16x1024xf32, #tpu.memory_space<vmem>>
    %dma_wait3A_438 = tpu.memref_squeeze %dma_wait3A_437 : memref<1x16x1024xf32, #tpu.memory_space<vmem>> -> memref<16x1024xf32, #tpu.memory_space<vmem>>
    %dma_wait3A_439 = arith.constant 0 : i32
    %dma_wait3A_440 = tpu.memref_slice %arg5[%dma_wait3A_434, %add3A_265, %dma_wait3A_439] : memref<4x2048x1024xf32, #tpu.memory_space<hbm>> -> memref<1x16x1024xf32, #tpu.memory_space<hbm>>
    %dma_wait3A_441 = tpu.memref_squeeze %dma_wait3A_440 : memref<1x16x1024xf32, #tpu.memory_space<hbm>> -> memref<16x1024xf32, #tpu.memory_space<hbm>>
    %dma_wait3A_442 = arith.constant 0 : i32
    %dma_wait3A_443 = tpu.memref_slice %arg5[%dma_wait3A_434, %add3A_265, %dma_wait3A_442] : memref<4x2048x1024xf32, #tpu.memory_space<hbm>> -> memref<1x16x1024xf32, #tpu.memory_space<hbm>>
    %dma_wait3A_444 = tpu.memref_squeeze %dma_wait3A_443 : memref<1x16x1024xf32, #tpu.memory_space<hbm>> -> memref<16x1024xf32, #tpu.memory_space<hbm>>
    %dma_wait3A_445 = arith.constant 0 : i32
    %dma_wait3A_446 = arith.constant 0 : i32
    %dma_wait3A_447 = tpu.memref_slice %arg9[%dma_wait3A_433, %dma_wait3A_445, %dma_wait3A_446] : memref<4x16x1024xf32, #tpu.memory_space<vmem>> -> memref<1x16x1024xf32, #tpu.memory_space<vmem>>
    %dma_wait3A_448 = tpu.memref_squeeze %dma_wait3A_447 : memref<1x16x1024xf32, #tpu.memory_space<vmem>> -> memref<16x1024xf32, #tpu.memory_space<vmem>>
    tpu.wait_dma2 semaphore(%arg11 : memref<!tpu.dma_semaphore, #tpu.memory_space<semaphore_mem>>) src(%dma_wait3A_448 : memref<16x1024xf32, #tpu.memory_space<vmem>>) dst(%dma_wait3A_444 : memref<16x1024xf32, #tpu.memory_space<hbm>>)
    %add3A_449 = arith.constant 16 : i32
    %add3A_450 = arith.addi %mul3A_2, %add3A_449 : i32
    %dma_start3A_451 = arith.constant 3 : i32
    %dma_start3A_452 = arith.constant 3 : i32
    %dma_start3A_453 = arith.constant 0 : i32
    %dma_start3A_454 = arith.constant 0 : i32
    %dma_start3A_455 = tpu.memref_slice %arg9[%dma_start3A_452, %dma_start3A_453, %dma_start3A_454] : memref<4x16x1024xf32, #tpu.memory_space<vmem>> -> memref<1x16x1024xf32, #tpu.memory_space<vmem>>
    %dma_start3A_456 = tpu.memref_squeeze %dma_start3A_455 : memref<1x16x1024xf32, #tpu.memory_space<vmem>> -> memref<16x1024xf32, #tpu.memory_space<vmem>>
    %dma_start3A_457 = arith.constant 0 : i32
    %dma_start3A_458 = tpu.memref_slice %arg2[%dma_start3A_451, %add3A_450, %dma_start3A_457] : memref<4x2048x1024xf32, #tpu.memory_space<hbm>> -> memref<1x16x1024xf32, #tpu.memory_space<hbm>>
    %dma_start3A_459 = tpu.memref_squeeze %dma_start3A_458 : memref<1x16x1024xf32, #tpu.memory_space<hbm>> -> memref<16x1024xf32, #tpu.memory_space<hbm>>
    %dma_start3A_460 = arith.constant 0 : i32
    %dma_start3A_461 = arith.constant 0 : i32
    %dma_start3A_462 = tpu.memref_slice %arg9[%dma_start3A_452, %dma_start3A_460, %dma_start3A_461] : memref<4x16x1024xf32, #tpu.memory_space<vmem>> -> memref<1x16x1024xf32, #tpu.memory_space<vmem>>
    %dma_start3A_463 = tpu.memref_squeeze %dma_start3A_462 : memref<1x16x1024xf32, #tpu.memory_space<vmem>> -> memref<16x1024xf32, #tpu.memory_space<vmem>>
    %dma_start3A_464 = arith.constant 0 : i32
    %dma_start3A_465 = tpu.memref_slice %arg2[%dma_start3A_451, %add3A_450, %dma_start3A_464] : memref<4x2048x1024xf32, #tpu.memory_space<hbm>> -> memref<1x16x1024xf32, #tpu.memory_space<hbm>>
    %dma_start3A_466 = tpu.memref_squeeze %dma_start3A_465 : memref<1x16x1024xf32, #tpu.memory_space<hbm>> -> memref<16x1024xf32, #tpu.memory_space<hbm>>
    tpu.enqueue_dma source(%dma_start3A_466 : memref<16x1024xf32, #tpu.memory_space<hbm>>) target(%dma_start3A_463 : memref<16x1024xf32, #tpu.memory_space<vmem>>) target_semaphore(%arg10 : memref<!tpu.dma_semaphore, #tpu.memory_space<semaphore_mem>>)
    %dma_wait3A_467 = arith.constant 2 : i32
    %dma_wait3A_468 = arith.constant 2 : i32
    %dma_wait3A_469 = arith.constant 0 : i32
    %dma_wait3A_470 = arith.constant 0 : i32
    %dma_wait3A_471 = tpu.memref_slice %arg9[%dma_wait3A_468, %dma_wait3A_469, %dma_wait3A_470] : memref<4x16x1024xf32, #tpu.memory_space<vmem>> -> memref<1x16x1024xf32, #tpu.memory_space<vmem>>
    %dma_wait3A_472 = tpu.memref_squeeze %dma_wait3A_471 : memref<1x16x1024xf32, #tpu.memory_space<vmem>> -> memref<16x1024xf32, #tpu.memory_space<vmem>>
    %dma_wait3A_473 = arith.constant 0 : i32
    %dma_wait3A_474 = tpu.memref_slice %arg2[%dma_wait3A_467, %add3A_377, %dma_wait3A_473] : memref<4x2048x1024xf32, #tpu.memory_space<hbm>> -> memref<1x16x1024xf32, #tpu.memory_space<hbm>>
    %dma_wait3A_475 = tpu.memref_squeeze %dma_wait3A_474 : memref<1x16x1024xf32, #tpu.memory_space<hbm>> -> memref<16x1024xf32, #tpu.memory_space<hbm>>
    %dma_wait3A_476 = arith.constant 0 : i32
    %dma_wait3A_477 = arith.constant 0 : i32
    %dma_wait3A_478 = tpu.memref_slice %arg9[%dma_wait3A_468, %dma_wait3A_476, %dma_wait3A_477] : memref<4x16x1024xf32, #tpu.memory_space<vmem>> -> memref<1x16x1024xf32, #tpu.memory_space<vmem>>
    %dma_wait3A_479 = tpu.memref_squeeze %dma_wait3A_478 : memref<1x16x1024xf32, #tpu.memory_space<vmem>> -> memref<16x1024xf32, #tpu.memory_space<vmem>>
    %dma_wait3A_480 = arith.constant 0 : i32
    %dma_wait3A_481 = tpu.memref_slice %arg2[%dma_wait3A_467, %add3A_377, %dma_wait3A_480] : memref<4x2048x1024xf32, #tpu.memory_space<hbm>> -> memref<1x16x1024xf32, #tpu.memory_space<hbm>>
    %dma_wait3A_482 = tpu.memref_squeeze %dma_wait3A_481 : memref<1x16x1024xf32, #tpu.memory_space<hbm>> -> memref<16x1024xf32, #tpu.memory_space<hbm>>
    tpu.wait_dma2 semaphore(%arg10 : memref<!tpu.dma_semaphore, #tpu.memory_space<semaphore_mem>>) src(%dma_wait3A_482 : memref<16x1024xf32, #tpu.memory_space<hbm>>) dst(%dma_wait3A_479 : memref<16x1024xf32, #tpu.memory_space<vmem>>)
    %scan3A_483 = arith.constant 0 : i32
    %scan3A_484 = arith.constant 16 : i32
    %scan3A_485 = arith.addi %scan3A_483, %scan3A_484 : i32
    %scan3A_486 = arith.constant 1 : i32
    scf.for %scan3A_1208 = %scan3A_483 to %scan3A_485 step %scan3A_486  : i32 {
      %mul3A_1209 = arith.constant 1 : i32
      %mul3A_1210 = arith.muli %scan3A_1208, %mul3A_1209 : i32
      %add3A_1211 = arith.constant 0 : i32
      %add3A_1212 = arith.addi %add3A_1211, %mul3A_1210 : i32
      %parallel_loop3A = arith.constant 0 : i32
      %parallel_loop3A_1213 = arith.constant 1024 : i32
      %parallel_loop3A_1214 = arith.constant 16 : i32
      scf.for %parallel_loop3A_1215 = %parallel_loop3A to %parallel_loop3A_1213 step %parallel_loop3A_1214  : i32 {
        %parallel_loop3A_1216 = arith.index_cast %add3A_1212 : i32 to index
        %parallel_loop3A_1217 = arith.index_cast %parallel_loop3A_1215 : i32 to index
        %parallel_loop3A_1218 = tpu.vector_load %arg8[%parallel_loop3A_1216, %parallel_loop3A_1217] {strides = array<i32>} : memref<16x1024xf32, #tpu.memory_space<vmem>>, vector<1x16xf32>,
        %parallel_loop3A_1219 = vector.shape_cast %parallel_loop3A_1218 : vector<1x16xf32> to vector<16xf32>
        %parallel_loop3A_1220 = arith.constant 2 : i32
        %parallel_loop3A_1221 = arith.index_cast %parallel_loop3A_1220 : i32 to index
        %parallel_loop3A_1222 = arith.index_cast %add3A_1212 : i32 to index
        %parallel_loop3A_1223 = arith.index_cast %parallel_loop3A_1215 : i32 to index
        %parallel_loop3A_1224 = tpu.vector_load %arg9[%parallel_loop3A_1221, %parallel_loop3A_1222, %parallel_loop3A_1223] {strides = array<i32>} : memref<4x16x1024xf32, #tpu.memory_space<vmem>>, vector<1x1x16xf32>,
        %parallel_loop3A_1225 = vector.shape_cast %parallel_loop3A_1224 : vector<1x1x16xf32> to vector<16xf32>
        %parallel_loop3A_1226 = vector.shape_cast %parallel_loop3A_1219 : vector<16xf32> to vector<1x1x16xf32>
        tpu.vector_store %arg9[%parallel_loop3A_1221, %parallel_loop3A_1222, %parallel_loop3A_1223], %parallel_loop3A_1226 {add = true, strides = array<i32>} : memref<4x16x1024xf32, #tpu.memory_space<vmem>>, vector<1x1x16xf32>,
      } {sc.loop_unroll_factor = 8 : i64, sc.parallel_access}
    }
    %scan3A_487 = arith.constant 16 : i32
    %add3A_488 = arith.constant 16 : i32
    %add3A_489 = arith.addi %mul3A_2, %add3A_488 : i32
    %dma_start3A_490 = arith.constant 2 : i32
    %dma_start3A_491 = arith.constant 2 : i32
    %dma_start3A_492 = arith.constant 0 : i32
    %dma_start3A_493 = arith.constant 0 : i32
    %dma_start3A_494 = tpu.memref_slice %arg9[%dma_start3A_490, %dma_start3A_492, %dma_start3A_493] : memref<4x16x1024xf32, #tpu.memory_space<vmem>> -> memref<1x16x1024xf32, #tpu.memory_space<vmem>>
    %dma_start3A_495 = tpu.memref_squeeze %dma_start3A_494 : memref<1x16x1024xf32, #tpu.memory_space<vmem>> -> memref<16x1024xf32, #tpu.memory_space<vmem>>
    %dma_start3A_496 = arith.constant 0 : i32
    %dma_start3A_497 = tpu.memref_slice %arg5[%dma_start3A_491, %add3A_489, %dma_start3A_496] : memref<4x2048x1024xf32, #tpu.memory_space<hbm>> -> memref<1x16x1024xf32, #tpu.memory_space<hbm>>
    %dma_start3A_498 = tpu.memref_squeeze %dma_start3A_497 : memref<1x16x1024xf32, #tpu.memory_space<hbm>> -> memref<16x1024xf32, #tpu.memory_space<hbm>>
    %dma_start3A_499 = arith.constant 0 : i32
    %dma_start3A_500 = tpu.memref_slice %arg5[%dma_start3A_491, %add3A_489, %dma_start3A_499] : memref<4x2048x1024xf32, #tpu.memory_space<hbm>> -> memref<1x16x1024xf32, #tpu.memory_space<hbm>>
    %dma_start3A_501 = tpu.memref_squeeze %dma_start3A_500 : memref<1x16x1024xf32, #tpu.memory_space<hbm>> -> memref<16x1024xf32, #tpu.memory_space<hbm>>
    %dma_start3A_502 = arith.constant 0 : i32
    %dma_start3A_503 = arith.constant 0 : i32
    %dma_start3A_504 = tpu.memref_slice %arg9[%dma_start3A_490, %dma_start3A_502, %dma_start3A_503] : memref<4x16x1024xf32, #tpu.memory_space<vmem>> -> memref<1x16x1024xf32, #tpu.memory_space<vmem>>
    %dma_start3A_505 = tpu.memref_squeeze %dma_start3A_504 : memref<1x16x1024xf32, #tpu.memory_space<vmem>> -> memref<16x1024xf32, #tpu.memory_space<vmem>>
    tpu.enqueue_dma source(%dma_start3A_505 : memref<16x1024xf32, #tpu.memory_space<vmem>>) target(%dma_start3A_501 : memref<16x1024xf32, #tpu.memory_space<hbm>>) target_semaphore(%arg11 : memref<!tpu.dma_semaphore, #tpu.memory_space<semaphore_mem>>)
    %dma_wait3A_506 = arith.constant 0 : i32
    %dma_wait3A_507 = arith.constant 0 : i32
    %dma_wait3A_508 = arith.constant 0 : i32
    %dma_wait3A_509 = arith.constant 0 : i32
    %dma_wait3A_510 = tpu.memref_slice %arg9[%dma_wait3A_506, %dma_wait3A_508, %dma_wait3A_509] : memref<4x16x1024xf32, #tpu.memory_space<vmem>> -> memref<1x16x1024xf32, #tpu.memory_space<vmem>>
    %dma_wait3A_511 = tpu.memref_squeeze %dma_wait3A_510 : memref<1x16x1024xf32, #tpu.memory_space<vmem>> -> memref<16x1024xf32, #tpu.memory_space<vmem>>
    %dma_wait3A_512 = arith.constant 0 : i32
    %dma_wait3A_513 = tpu.memref_slice %arg5[%dma_wait3A_507, %add3A_343, %dma_wait3A_512] : memref<4x2048x1024xf32, #tpu.memory_space<hbm>> -> memref<1x16x1024xf32, #tpu.memory_space<hbm>>
    %dma_wait3A_514 = tpu.memref_squeeze %dma_wait3A_513 : memref<1x16x1024xf32, #tpu.memory_space<hbm>> -> memref<16x1024xf32, #tpu.memory_space<hbm>>
    %dma_wait3A_515 = arith.constant 0 : i32
    %dma_wait3A_516 = tpu.memref_slice %arg5[%dma_wait3A_507, %add3A_343, %dma_wait3A_515] : memref<4x2048x1024xf32, #tpu.memory_space<hbm>> -> memref<1x16x1024xf32, #tpu.memory_space<hbm>>
    %dma_wait3A_517 = tpu.memref_squeeze %dma_wait3A_516 : memref<1x16x1024xf32, #tpu.memory_space<hbm>> -> memref<16x1024xf32, #tpu.memory_space<hbm>>
    %dma_wait3A_518 = arith.constant 0 : i32
    %dma_wait3A_519 = arith.constant 0 : i32
    %dma_wait3A_520 = tpu.memref_slice %arg9[%dma_wait3A_506, %dma_wait3A_518, %dma_wait3A_519] : memref<4x16x1024xf32, #tpu.memory_space<vmem>> -> memref<1x16x1024xf32, #tpu.memory_space<vmem>>
    %dma_wait3A_521 = tpu.memref_squeeze %dma_wait3A_520 : memref<1x16x1024xf32, #tpu.memory_space<vmem>> -> memref<16x1024xf32, #tpu.memory_space<vmem>>
    tpu.wait_dma2 semaphore(%arg11 : memref<!tpu.dma_semaphore, #tpu.memory_space<semaphore_mem>>) src(%dma_wait3A_521 : memref<16x1024xf32, #tpu.memory_space<vmem>>) dst(%dma_wait3A_517 : memref<16x1024xf32, #tpu.memory_space<hbm>>)
    %add3A_522 = arith.constant 32 : i32
    %add3A_523 = arith.addi %mul3A_2, %add3A_522 : i32
    %dma_start3A_524 = arith.constant 0 : i32
    %dma_start3A_525 = arith.constant 0 : i32
    %dma_start3A_526 = arith.constant 0 : i32
    %dma_start3A_527 = arith.constant 0 : i32
    %dma_start3A_528 = tpu.memref_slice %arg9[%dma_start3A_525, %dma_start3A_526, %dma_start3A_527] : memref<4x16x1024xf32, #tpu.memory_space<vmem>> -> memref<1x16x1024xf32, #tpu.memory_space<vmem>>
    %dma_start3A_529 = tpu.memref_squeeze %dma_start3A_528 : memref<1x16x1024xf32, #tpu.memory_space<vmem>> -> memref<16x1024xf32, #tpu.memory_space<vmem>>
    %dma_start3A_530 = arith.constant 0 : i32
    %dma_start3A_531 = tpu.memref_slice %arg2[%dma_start3A_524, %add3A_523, %dma_start3A_530] : memref<4x2048x1024xf32, #tpu.memory_space<hbm>> -> memref<1x16x1024xf32, #tpu.memory_space<hbm>>
    %dma_start3A_532 = tpu.memref_squeeze %dma_start3A_531 : memref<1x16x1024xf32, #tpu.memory_space<hbm>> -> memref<16x1024xf32, #tpu.memory_space<hbm>>
    %dma_start3A_533 = arith.constant 0 : i32
    %dma_start3A_534 = arith.constant 0 : i32
    %dma_start3A_535 = tpu.memref_slice %arg9[%dma_start3A_525, %dma_start3A_533, %dma_start3A_534] : memref<4x16x1024xf32, #tpu.memory_space<vmem>> -> memref<1x16x1024xf32, #tpu.memory_space<vmem>>
    %dma_start3A_536 = tpu.memref_squeeze %dma_start3A_535 : memref<1x16x1024xf32, #tpu.memory_space<vmem>> -> memref<16x1024xf32, #tpu.memory_space<vmem>>
    %dma_start3A_537 = arith.constant 0 : i32
    %dma_start3A_538 = tpu.memref_slice %arg2[%dma_start3A_524, %add3A_523, %dma_start3A_537] : memref<4x2048x1024xf32, #tpu.memory_space<hbm>> -> memref<1x16x1024xf32, #tpu.memory_space<hbm>>
    %dma_start3A_539 = tpu.memref_squeeze %dma_start3A_538 : memref<1x16x1024xf32, #tpu.memory_space<hbm>> -> memref<16x1024xf32, #tpu.memory_space<hbm>>
    tpu.enqueue_dma source(%dma_start3A_539 : memref<16x1024xf32, #tpu.memory_space<hbm>>) target(%dma_start3A_536 : memref<16x1024xf32, #tpu.memory_space<vmem>>) target_semaphore(%arg10 : memref<!tpu.dma_semaphore, #tpu.memory_space<semaphore_mem>>)
    %dma_wait3A_540 = arith.constant 3 : i32
    %dma_wait3A_541 = arith.constant 3 : i32
    %dma_wait3A_542 = arith.constant 0 : i32
    %dma_wait3A_543 = arith.constant 0 : i32
    %dma_wait3A_544 = tpu.memref_slice %arg9[%dma_wait3A_541, %dma_wait3A_542, %dma_wait3A_543] : memref<4x16x1024xf32, #tpu.memory_space<vmem>> -> memref<1x16x1024xf32, #tpu.memory_space<vmem>>
    %dma_wait3A_545 = tpu.memref_squeeze %dma_wait3A_544 : memref<1x16x1024xf32, #tpu.memory_space<vmem>> -> memref<16x1024xf32, #tpu.memory_space<vmem>>
    %dma_wait3A_546 = arith.constant 0 : i32
    %dma_wait3A_547 = tpu.memref_slice %arg2[%dma_wait3A_540, %add3A_450, %dma_wait3A_546] : memref<4x2048x1024xf32, #tpu.memory_space<hbm>> -> memref<1x16x1024xf32, #tpu.memory_space<hbm>>
    %dma_wait3A_548 = tpu.memref_squeeze %dma_wait3A_547 : memref<1x16x1024xf32, #tpu.memory_space<hbm>> -> memref<16x1024xf32, #tpu.memory_space<hbm>>
    %dma_wait3A_549 = arith.constant 0 : i32
    %dma_wait3A_550 = arith.constant 0 : i32
    %dma_wait3A_551 = tpu.memref_slice %arg9[%dma_wait3A_541, %dma_wait3A_549, %dma_wait3A_550] : memref<4x16x1024xf32, #tpu.memory_space<vmem>> -> memref<1x16x1024xf32, #tpu.memory_space<vmem>>
    %dma_wait3A_552 = tpu.memref_squeeze %dma_wait3A_551 : memref<1x16x1024xf32, #tpu.memory_space<vmem>> -> memref<16x1024xf32, #tpu.memory_space<vmem>>
    %dma_wait3A_553 = arith.constant 0 : i32
    %dma_wait3A_554 = tpu.memref_slice %arg2[%dma_wait3A_540, %add3A_450, %dma_wait3A_553] : memref<4x2048x1024xf32, #tpu.memory_space<hbm>> -> memref<1x16x1024xf32, #tpu.memory_space<hbm>>
    %dma_wait3A_555 = tpu.memref_squeeze %dma_wait3A_554 : memref<1x16x1024xf32, #tpu.memory_space<hbm>> -> memref<16x1024xf32, #tpu.memory_space<hbm>>
    tpu.wait_dma2 semaphore(%arg10 : memref<!tpu.dma_semaphore, #tpu.memory_space<semaphore_mem>>) src(%dma_wait3A_555 : memref<16x1024xf32, #tpu.memory_space<hbm>>) dst(%dma_wait3A_552 : memref<16x1024xf32, #tpu.memory_space<vmem>>)
    %scan3A_556 = arith.constant 0 : i32
    %scan3A_557 = arith.constant 16 : i32
    %scan3A_558 = arith.addi %scan3A_556, %scan3A_557 : i32
    %scan3A_559 = arith.constant 1 : i32
    scf.for %scan3A_1208 = %scan3A_556 to %scan3A_558 step %scan3A_559  : i32 {
      %mul3A_1209 = arith.constant 1 : i32
      %mul3A_1210 = arith.muli %scan3A_1208, %mul3A_1209 : i32
      %add3A_1211 = arith.constant 0 : i32
      %add3A_1212 = arith.addi %add3A_1211, %mul3A_1210 : i32
      %parallel_loop3A = arith.constant 0 : i32
      %parallel_loop3A_1213 = arith.constant 1024 : i32
      %parallel_loop3A_1214 = arith.constant 16 : i32
      scf.for %parallel_loop3A_1215 = %parallel_loop3A to %parallel_loop3A_1213 step %parallel_loop3A_1214  : i32 {
        %parallel_loop3A_1216 = arith.index_cast %add3A_1212 : i32 to index
        %parallel_loop3A_1217 = arith.index_cast %parallel_loop3A_1215 : i32 to index
        %parallel_loop3A_1218 = tpu.vector_load %arg8[%parallel_loop3A_1216, %parallel_loop3A_1217] {strides = array<i32>} : memref<16x1024xf32, #tpu.memory_space<vmem>>, vector<1x16xf32>,
        %parallel_loop3A_1219 = vector.shape_cast %parallel_loop3A_1218 : vector<1x16xf32> to vector<16xf32>
        %parallel_loop3A_1220 = arith.constant 3 : i32
        %parallel_loop3A_1221 = arith.index_cast %parallel_loop3A_1220 : i32 to index
        %parallel_loop3A_1222 = arith.index_cast %add3A_1212 : i32 to index
        %parallel_loop3A_1223 = arith.index_cast %parallel_loop3A_1215 : i32 to index
        %parallel_loop3A_1224 = tpu.vector_load %arg9[%parallel_loop3A_1221, %parallel_loop3A_1222, %parallel_loop3A_1223] {strides = array<i32>} : memref<4x16x1024xf32, #tpu.memory_space<vmem>>, vector<1x1x16xf32>,
        %parallel_loop3A_1225 = vector.shape_cast %parallel_loop3A_1224 : vector<1x1x16xf32> to vector<16xf32>
        %parallel_loop3A_1226 = vector.shape_cast %parallel_loop3A_1219 : vector<16xf32> to vector<1x1x16xf32>
        tpu.vector_store %arg9[%parallel_loop3A_1221, %parallel_loop3A_1222, %parallel_loop3A_1223], %parallel_loop3A_1226 {add = true, strides = array<i32>} : memref<4x16x1024xf32, #tpu.memory_space<vmem>>, vector<1x1x16xf32>,
      } {sc.loop_unroll_factor = 8 : i64, sc.parallel_access}
    }
    %scan3A_560 = arith.constant 16 : i32
    %dma_start3A_561 = arith.constant 48 : i32
    %dma_start3A_562 = tpu.memref_slice %arg6[%dma_start3A_561] : memref<64xi32, #tpu.memory_space<vmem>> -> memref<16xi32, #tpu.memory_space<vmem>>
    %dma_start3A_563 = arith.constant 0 : i32
    %dma_start3A_564 = arith.constant 0 : i32
    %dma_start3A_565 = tpu.memref_slice %arg4[%dma_start3A_563, %dma_start3A_564] : memref<512x1024xf32, #tpu.memory_space<hbm>> -> memref<512x1024xf32, #tpu.memory_space<hbm>>
    tpu.enqueue_indirect_dma source(%dma_start3A_565 : memref<512x1024xf32, #tpu.memory_space<hbm>>) target(%arg8 : memref<16x1024xf32, #tpu.memory_space<vmem>>) offsets(%dma_start3A_562 : memref<16xi32, #tpu.memory_space<vmem>>) semaphore(%arg13 : memref<!tpu.dma_semaphore, #tpu.memory_space<semaphore_mem>>)
    %add3A_566 = arith.constant 16 : i32
    %add3A_567 = arith.addi %mul3A_2, %add3A_566 : i32
    %dma_start3A_568 = arith.constant 3 : i32
    %dma_start3A_569 = arith.constant 3 : i32
    %dma_start3A_570 = arith.constant 0 : i32
    %dma_start3A_571 = arith.constant 0 : i32
    %dma_start3A_572 = tpu.memref_slice %arg9[%dma_start3A_568, %dma_start3A_570, %dma_start3A_571] : memref<4x16x1024xf32, #tpu.memory_space<vmem>> -> memref<1x16x1024xf32, #tpu.memory_space<vmem>>
    %dma_start3A_573 = tpu.memref_squeeze %dma_start3A_572 : memref<1x16x1024xf32, #tpu.memory_space<vmem>> -> memref<16x1024xf32, #tpu.memory_space<vmem>>
    %dma_start3A_574 = arith.constant 0 : i32
    %dma_start3A_575 = tpu.memref_slice %arg5[%dma_start3A_569, %add3A_567, %dma_start3A_574] : memref<4x2048x1024xf32, #tpu.memory_space<hbm>> -> memref<1x16x1024xf32, #tpu.memory_space<hbm>>
    %dma_start3A_576 = tpu.memref_squeeze %dma_start3A_575 : memref<1x16x1024xf32, #tpu.memory_space<hbm>> -> memref<16x1024xf32, #tpu.memory_space<hbm>>
    %dma_start3A_577 = arith.constant 0 : i32
    %dma_start3A_578 = tpu.memref_slice %arg5[%dma_start3A_569, %add3A_567, %dma_start3A_577] : memref<4x2048x1024xf32, #tpu.memory_space<hbm>> -> memref<1x16x1024xf32, #tpu.memory_space<hbm>>
    %dma_start3A_579 = tpu.memref_squeeze %dma_start3A_578 : memref<1x16x1024xf32, #tpu.memory_space<hbm>> -> memref<16x1024xf32, #tpu.memory_space<hbm>>
    %dma_start3A_580 = arith.constant 0 : i32
    %dma_start3A_581 = arith.constant 0 : i32
    %dma_start3A_582 = tpu.memref_slice %arg9[%dma_start3A_568, %dma_start3A_580, %dma_start3A_581] : memref<4x16x1024xf32, #tpu.memory_space<vmem>> -> memref<1x16x1024xf32, #tpu.memory_space<vmem>>
    %dma_start3A_583 = tpu.memref_squeeze %dma_start3A_582 : memref<1x16x1024xf32, #tpu.memory_space<vmem>> -> memref<16x1024xf32, #tpu.memory_space<vmem>>
    tpu.enqueue_dma source(%dma_start3A_583 : memref<16x1024xf32, #tpu.memory_space<vmem>>) target(%dma_start3A_579 : memref<16x1024xf32, #tpu.memory_space<hbm>>) target_semaphore(%arg11 : memref<!tpu.dma_semaphore, #tpu.memory_space<semaphore_mem>>)
    %dma_wait3A_584 = arith.constant 1 : i32
    %dma_wait3A_585 = arith.constant 1 : i32
    %dma_wait3A_586 = arith.constant 0 : i32
    %dma_wait3A_587 = arith.constant 0 : i32
    %dma_wait3A_588 = tpu.memref_slice %arg9[%dma_wait3A_584, %dma_wait3A_586, %dma_wait3A_587] : memref<4x16x1024xf32, #tpu.memory_space<vmem>> -> memref<1x16x1024xf32, #tpu.memory_space<vmem>>
    %dma_wait3A_589 = tpu.memref_squeeze %dma_wait3A_588 : memref<1x16x1024xf32, #tpu.memory_space<vmem>> -> memref<16x1024xf32, #tpu.memory_space<vmem>>
    %dma_wait3A_590 = arith.constant 0 : i32
    %dma_wait3A_591 = tpu.memref_slice %arg5[%dma_wait3A_585, %add3A_416, %dma_wait3A_590] : memref<4x2048x1024xf32, #tpu.memory_space<hbm>> -> memref<1x16x1024xf32, #tpu.memory_space<hbm>>
    %dma_wait3A_592 = tpu.memref_squeeze %dma_wait3A_591 : memref<1x16x1024xf32, #tpu.memory_space<hbm>> -> memref<16x1024xf32, #tpu.memory_space<hbm>>
    %dma_wait3A_593 = arith.constant 0 : i32
    %dma_wait3A_594 = tpu.memref_slice %arg5[%dma_wait3A_585, %add3A_416, %dma_wait3A_593] : memref<4x2048x1024xf32, #tpu.memory_space<hbm>> -> memref<1x16x1024xf32, #tpu.memory_space<hbm>>
    %dma_wait3A_595 = tpu.memref_squeeze %dma_wait3A_594 : memref<1x16x1024xf32, #tpu.memory_space<hbm>> -> memref<16x1024xf32, #tpu.memory_space<hbm>>
    %dma_wait3A_596 = arith.constant 0 : i32
    %dma_wait3A_597 = arith.constant 0 : i32
    %dma_wait3A_598 = tpu.memref_slice %arg9[%dma_wait3A_584, %dma_wait3A_596, %dma_wait3A_597] : memref<4x16x1024xf32, #tpu.memory_space<vmem>> -> memref<1x16x1024xf32, #tpu.memory_space<vmem>>
    %dma_wait3A_599 = tpu.memref_squeeze %dma_wait3A_598 : memref<1x16x1024xf32, #tpu.memory_space<vmem>> -> memref<16x1024xf32, #tpu.memory_space<vmem>>
    tpu.wait_dma2 semaphore(%arg11 : memref<!tpu.dma_semaphore, #tpu.memory_space<semaphore_mem>>) src(%dma_wait3A_599 : memref<16x1024xf32, #tpu.memory_space<vmem>>) dst(%dma_wait3A_595 : memref<16x1024xf32, #tpu.memory_space<hbm>>)
    %add3A_600 = arith.constant 32 : i32
    %add3A_601 = arith.addi %mul3A_2, %add3A_600 : i32
    %dma_start3A_602 = arith.constant 1 : i32
    %dma_start3A_603 = arith.constant 1 : i32
    %dma_start3A_604 = arith.constant 0 : i32
    %dma_start3A_605 = arith.constant 0 : i32
    %dma_start3A_606 = tpu.memref_slice %arg9[%dma_start3A_603, %dma_start3A_604, %dma_start3A_605] : memref<4x16x1024xf32, #tpu.memory_space<vmem>> -> memref<1x16x1024xf32, #tpu.memory_space<vmem>>
    %dma_start3A_607 = tpu.memref_squeeze %dma_start3A_606 : memref<1x16x1024xf32, #tpu.memory_space<vmem>> -> memref<16x1024xf32, #tpu.memory_space<vmem>>
    %dma_start3A_608 = arith.constant 0 : i32
    %dma_start3A_609 = tpu.memref_slice %arg2[%dma_start3A_602, %add3A_601, %dma_start3A_608] : memref<4x2048x1024xf32, #tpu.memory_space<hbm>> -> memref<1x16x1024xf32, #tpu.memory_space<hbm>>
    %dma_start3A_610 = tpu.memref_squeeze %dma_start3A_609 : memref<1x16x1024xf32, #tpu.memory_space<hbm>> -> memref<16x1024xf32, #tpu.memory_space<hbm>>
    %dma_start3A_611 = arith.constant 0 : i32
    %dma_start3A_612 = arith.constant 0 : i32
    %dma_start3A_613 = tpu.memref_slice %arg9[%dma_start3A_603, %dma_start3A_611, %dma_start3A_612] : memref<4x16x1024xf32, #tpu.memory_space<vmem>> -> memref<1x16x1024xf32, #tpu.memory_space<vmem>>
    %dma_start3A_614 = tpu.memref_squeeze %dma_start3A_613 : memref<1x16x1024xf32, #tpu.memory_space<vmem>> -> memref<16x1024xf32, #tpu.memory_space<vmem>>
    %dma_start3A_615 = arith.constant 0 : i32
    %dma_start3A_616 = tpu.memref_slice %arg2[%dma_start3A_602, %add3A_601, %dma_start3A_615] : memref<4x2048x1024xf32, #tpu.memory_space<hbm>> -> memref<1x16x1024xf32, #tpu.memory_space<hbm>>
    %dma_start3A_617 = tpu.memref_squeeze %dma_start3A_616 : memref<1x16x1024xf32, #tpu.memory_space<hbm>> -> memref<16x1024xf32, #tpu.memory_space<hbm>>
    tpu.enqueue_dma source(%dma_start3A_617 : memref<16x1024xf32, #tpu.memory_space<hbm>>) target(%dma_start3A_614 : memref<16x1024xf32, #tpu.memory_space<vmem>>) target_semaphore(%arg10 : memref<!tpu.dma_semaphore, #tpu.memory_space<semaphore_mem>>)
    %dma_wait3A_618 = arith.constant 32 : i32
    %dma_wait3A_619 = tpu.memref_slice %arg6[%dma_wait3A_618] : memref<64xi32, #tpu.memory_space<vmem>> -> memref<16xi32, #tpu.memory_space<vmem>>
    %dma_wait3A_620 = arith.constant 0 : i32
    %dma_wait3A_621 = arith.constant 0 : i32
    %dma_wait3A_622 = tpu.memref_slice %arg4[%dma_wait3A_620, %dma_wait3A_621] : memref<512x1024xf32, #tpu.memory_space<hbm>> -> memref<512x1024xf32, #tpu.memory_space<hbm>>
    tpu.wait_indirect_dma semaphore(%arg12 : memref<!tpu.dma_semaphore, #tpu.memory_space<semaphore_mem>>) src(%dma_wait3A_622 : memref<512x1024xf32, #tpu.memory_space<hbm>>) dst(%arg7 : memref<16x1024xf32, #tpu.memory_space<vmem>>)
    %dma_wait3A_623 = arith.constant 0 : i32
    %dma_wait3A_624 = arith.constant 0 : i32
    %dma_wait3A_625 = arith.constant 0 : i32
    %dma_wait3A_626 = arith.constant 0 : i32
    %dma_wait3A_627 = tpu.memref_slice %arg9[%dma_wait3A_624, %dma_wait3A_625, %dma_wait3A_626] : memref<4x16x1024xf32, #tpu.memory_space<vmem>> -> memref<1x16x1024xf32, #tpu.memory_space<vmem>>
    %dma_wait3A_628 = tpu.memref_squeeze %dma_wait3A_627 : memref<1x16x1024xf32, #tpu.memory_space<vmem>> -> memref<16x1024xf32, #tpu.memory_space<vmem>>
    %dma_wait3A_629 = arith.constant 0 : i32
    %dma_wait3A_630 = tpu.memref_slice %arg2[%dma_wait3A_623, %add3A_523, %dma_wait3A_629] : memref<4x2048x1024xf32, #tpu.memory_space<hbm>> -> memref<1x16x1024xf32, #tpu.memory_space<hbm>>
    %dma_wait3A_631 = tpu.memref_squeeze %dma_wait3A_630 : memref<1x16x1024xf32, #tpu.memory_space<hbm>> -> memref<16x1024xf32, #tpu.memory_space<hbm>>
    %dma_wait3A_632 = arith.constant 0 : i32
    %dma_wait3A_633 = arith.constant 0 : i32
    %dma_wait3A_634 = tpu.memref_slice %arg9[%dma_wait3A_624, %dma_wait3A_632, %dma_wait3A_633] : memref<4x16x1024xf32, #tpu.memory_space<vmem>> -> memref<1x16x1024xf32, #tpu.memory_space<vmem>>
    %dma_wait3A_635 = tpu.memref_squeeze %dma_wait3A_634 : memref<1x16x1024xf32, #tpu.memory_space<vmem>> -> memref<16x1024xf32, #tpu.memory_space<vmem>>
    %dma_wait3A_636 = arith.constant 0 : i32
    %dma_wait3A_637 = tpu.memref_slice %arg2[%dma_wait3A_623, %add3A_523, %dma_wait3A_636] : memref<4x2048x1024xf32, #tpu.memory_space<hbm>> -> memref<1x16x1024xf32, #tpu.memory_space<hbm>>
    %dma_wait3A_638 = tpu.memref_squeeze %dma_wait3A_637 : memref<1x16x1024xf32, #tpu.memory_space<hbm>> -> memref<16x1024xf32, #tpu.memory_space<hbm>>
    tpu.wait_dma2 semaphore(%arg10 : memref<!tpu.dma_semaphore, #tpu.memory_space<semaphore_mem>>) src(%dma_wait3A_638 : memref<16x1024xf32, #tpu.memory_space<hbm>>) dst(%dma_wait3A_635 : memref<16x1024xf32, #tpu.memory_space<vmem>>)
    %scan3A_639 = arith.constant 0 : i32
    %scan3A_640 = arith.constant 16 : i32
    %scan3A_641 = arith.addi %scan3A_639, %scan3A_640 : i32
    %scan3A_642 = arith.constant 1 : i32
    scf.for %scan3A_1208 = %scan3A_639 to %scan3A_641 step %scan3A_642  : i32 {
      %mul3A_1209 = arith.constant 1 : i32
      %mul3A_1210 = arith.muli %scan3A_1208, %mul3A_1209 : i32
      %add3A_1211 = arith.constant 0 : i32
      %add3A_1212 = arith.addi %add3A_1211, %mul3A_1210 : i32
      %parallel_loop3A = arith.constant 0 : i32
      %parallel_loop3A_1213 = arith.constant 1024 : i32
      %parallel_loop3A_1214 = arith.constant 16 : i32
      scf.for %parallel_loop3A_1215 = %parallel_loop3A to %parallel_loop3A_1213 step %parallel_loop3A_1214  : i32 {
        %parallel_loop3A_1216 = arith.index_cast %add3A_1212 : i32 to index
        %parallel_loop3A_1217 = arith.index_cast %parallel_loop3A_1215 : i32 to index
        %parallel_loop3A_1218 = tpu.vector_load %arg7[%parallel_loop3A_1216, %parallel_loop3A_1217] {strides = array<i32>} : memref<16x1024xf32, #tpu.memory_space<vmem>>, vector<1x16xf32>,
        %parallel_loop3A_1219 = vector.shape_cast %parallel_loop3A_1218 : vector<1x16xf32> to vector<16xf32>
        %parallel_loop3A_1220 = arith.constant 0 : i32
        %parallel_loop3A_1221 = arith.index_cast %parallel_loop3A_1220 : i32 to index
        %parallel_loop3A_1222 = arith.index_cast %add3A_1212 : i32 to index
        %parallel_loop3A_1223 = arith.index_cast %parallel_loop3A_1215 : i32 to index
        %parallel_loop3A_1224 = tpu.vector_load %arg9[%parallel_loop3A_1221, %parallel_loop3A_1222, %parallel_loop3A_1223] {strides = array<i32>} : memref<4x16x1024xf32, #tpu.memory_space<vmem>>, vector<1x1x16xf32>,
        %parallel_loop3A_1225 = vector.shape_cast %parallel_loop3A_1224 : vector<1x1x16xf32> to vector<16xf32>
        %parallel_loop3A_1226 = vector.shape_cast %parallel_loop3A_1219 : vector<16xf32> to vector<1x1x16xf32>
        tpu.vector_store %arg9[%parallel_loop3A_1221, %parallel_loop3A_1222, %parallel_loop3A_1223], %parallel_loop3A_1226 {add = true, strides = array<i32>} : memref<4x16x1024xf32, #tpu.memory_space<vmem>>, vector<1x1x16xf32>,
      } {sc.loop_unroll_factor = 8 : i64, sc.parallel_access}
    }
    %scan3A_643 = arith.constant 16 : i32
    %add3A_644 = arith.constant 32 : i32
    %add3A_645 = arith.addi %mul3A_2, %add3A_644 : i32
    %dma_start3A_646 = arith.constant 0 : i32
    %dma_start3A_647 = arith.constant 0 : i32
    %dma_start3A_648 = arith.constant 0 : i32
    %dma_start3A_649 = arith.constant 0 : i32
    %dma_start3A_650 = tpu.memref_slice %arg9[%dma_start3A_646, %dma_start3A_648, %dma_start3A_649] : memref<4x16x1024xf32, #tpu.memory_space<vmem>> -> memref<1x16x1024xf32, #tpu.memory_space<vmem>>
    %dma_start3A_651 = tpu.memref_squeeze %dma_start3A_650 : memref<1x16x1024xf32, #tpu.memory_space<vmem>> -> memref<16x1024xf32, #tpu.memory_space<vmem>>
    %dma_start3A_652 = arith.constant 0 : i32
    %dma_start3A_653 = tpu.memref_slice %arg5[%dma_start3A_647, %add3A_645, %dma_start3A_652] : memref<4x2048x1024xf32, #tpu.memory_space<hbm>> -> memref<1x16x1024xf32, #tpu.memory_space<hbm>>
    %dma_start3A_654 = tpu.memref_squeeze %dma_start3A_653 : memref<1x16x1024xf32, #tpu.memory_space<hbm>> -> memref<16x1024xf32, #tpu.memory_space<hbm>>
    %dma_start3A_655 = arith.constant 0 : i32
    %dma_start3A_656 = tpu.memref_slice %arg5[%dma_start3A_647, %add3A_645, %dma_start3A_655] : memref<4x2048x1024xf32, #tpu.memory_space<hbm>> -> memref<1x16x1024xf32, #tpu.memory_space<hbm>>
    %dma_start3A_657 = tpu.memref_squeeze %dma_start3A_656 : memref<1x16x1024xf32, #tpu.memory_space<hbm>> -> memref<16x1024xf32, #tpu.memory_space<hbm>>
    %dma_start3A_658 = arith.constant 0 : i32
    %dma_start3A_659 = arith.constant 0 : i32
    %dma_start3A_660 = tpu.memref_slice %arg9[%dma_start3A_646, %dma_start3A_658, %dma_start3A_659] : memref<4x16x1024xf32, #tpu.memory_space<vmem>> -> memref<1x16x1024xf32, #tpu.memory_space<vmem>>
    %dma_start3A_661 = tpu.memref_squeeze %dma_start3A_660 : memref<1x16x1024xf32, #tpu.memory_space<vmem>> -> memref<16x1024xf32, #tpu.memory_space<vmem>>
    tpu.enqueue_dma source(%dma_start3A_661 : memref<16x1024xf32, #tpu.memory_space<vmem>>) target(%dma_start3A_657 : memref<16x1024xf32, #tpu.memory_space<hbm>>) target_semaphore(%arg11 : memref<!tpu.dma_semaphore, #tpu.memory_space<semaphore_mem>>)
    %dma_wait3A_662 = arith.constant 2 : i32
    %dma_wait3A_663 = arith.constant 2 : i32
    %dma_wait3A_664 = arith.constant 0 : i32
    %dma_wait3A_665 = arith.constant 0 : i32
    %dma_wait3A_666 = tpu.memref_slice %arg9[%dma_wait3A_662, %dma_wait3A_664, %dma_wait3A_665] : memref<4x16x1024xf32, #tpu.memory_space<vmem>> -> memref<1x16x1024xf32, #tpu.memory_space<vmem>>
    %dma_wait3A_667 = tpu.memref_squeeze %dma_wait3A_666 : memref<1x16x1024xf32, #tpu.memory_space<vmem>> -> memref<16x1024xf32, #tpu.memory_space<vmem>>
    %dma_wait3A_668 = arith.constant 0 : i32
    %dma_wait3A_669 = tpu.memref_slice %arg5[%dma_wait3A_663, %add3A_489, %dma_wait3A_668] : memref<4x2048x1024xf32, #tpu.memory_space<hbm>> -> memref<1x16x1024xf32, #tpu.memory_space<hbm>>
    %dma_wait3A_670 = tpu.memref_squeeze %dma_wait3A_669 : memref<1x16x1024xf32, #tpu.memory_space<hbm>> -> memref<16x1024xf32, #tpu.memory_space<hbm>>
    %dma_wait3A_671 = arith.constant 0 : i32
    %dma_wait3A_672 = tpu.memref_slice %arg5[%dma_wait3A_663, %add3A_489, %dma_wait3A_671] : memref<4x2048x1024xf32, #tpu.memory_space<hbm>> -> memref<1x16x1024xf32, #tpu.memory_space<hbm>>
    %dma_wait3A_673 = tpu.memref_squeeze %dma_wait3A_672 : memref<1x16x1024xf32, #tpu.memory_space<hbm>> -> memref<16x1024xf32, #tpu.memory_space<hbm>>
    %dma_wait3A_674 = arith.constant 0 : i32
    %dma_wait3A_675 = arith.constant 0 : i32
    %dma_wait3A_676 = tpu.memref_slice %arg9[%dma_wait3A_662, %dma_wait3A_674, %dma_wait3A_675] : memref<4x16x1024xf32, #tpu.memory_space<vmem>> -> memref<1x16x1024xf32, #tpu.memory_space<vmem>>
    %dma_wait3A_677 = tpu.memref_squeeze %dma_wait3A_676 : memref<1x16x1024xf32, #tpu.memory_space<vmem>> -> memref<16x1024xf32, #tpu.memory_space<vmem>>
    tpu.wait_dma2 semaphore(%arg11 : memref<!tpu.dma_semaphore, #tpu.memory_space<semaphore_mem>>) src(%dma_wait3A_677 : memref<16x1024xf32, #tpu.memory_space<vmem>>) dst(%dma_wait3A_673 : memref<16x1024xf32, #tpu.memory_space<hbm>>)
    %add3A_678 = arith.constant 32 : i32
    %add3A_679 = arith.addi %mul3A_2, %add3A_678 : i32
    %dma_start3A_680 = arith.constant 2 : i32
    %dma_start3A_681 = arith.constant 2 : i32
    %dma_start3A_682 = arith.constant 0 : i32
    %dma_start3A_683 = arith.constant 0 : i32
    %dma_start3A_684 = tpu.memref_slice %arg9[%dma_start3A_681, %dma_start3A_682, %dma_start3A_683] : memref<4x16x1024xf32, #tpu.memory_space<vmem>> -> memref<1x16x1024xf32, #tpu.memory_space<vmem>>
    %dma_start3A_685 = tpu.memref_squeeze %dma_start3A_684 : memref<1x16x1024xf32, #tpu.memory_space<vmem>> -> memref<16x1024xf32, #tpu.memory_space<vmem>>
    %dma_start3A_686 = arith.constant 0 : i32
    %dma_start3A_687 = tpu.memref_slice %arg2[%dma_start3A_680, %add3A_679, %dma_start3A_686] : memref<4x2048x1024xf32, #tpu.memory_space<hbm>> -> memref<1x16x1024xf32, #tpu.memory_space<hbm>>
    %dma_start3A_688 = tpu.memref_squeeze %dma_start3A_687 : memref<1x16x1024xf32, #tpu.memory_space<hbm>> -> memref<16x1024xf32, #tpu.memory_space<hbm>>
    %dma_start3A_689 = arith.constant 0 : i32
    %dma_start3A_690 = arith.constant 0 : i32
    %dma_start3A_691 = tpu.memref_slice %arg9[%dma_start3A_681, %dma_start3A_689, %dma_start3A_690] : memref<4x16x1024xf32, #tpu.memory_space<vmem>> -> memref<1x16x1024xf32, #tpu.memory_space<vmem>>
    %dma_start3A_692 = tpu.memref_squeeze %dma_start3A_691 : memref<1x16x1024xf32, #tpu.memory_space<vmem>> -> memref<16x1024xf32, #tpu.memory_space<vmem>>
    %dma_start3A_693 = arith.constant 0 : i32
    %dma_start3A_694 = tpu.memref_slice %arg2[%dma_start3A_680, %add3A_679, %dma_start3A_693] : memref<4x2048x1024xf32, #tpu.memory_space<hbm>> -> memref<1x16x1024xf32, #tpu.memory_space<hbm>>
    %dma_start3A_695 = tpu.memref_squeeze %dma_start3A_694 : memref<1x16x1024xf32, #tpu.memory_space<hbm>> -> memref<16x1024xf32, #tpu.memory_space<hbm>>
    tpu.enqueue_dma source(%dma_start3A_695 : memref<16x1024xf32, #tpu.memory_space<hbm>>) target(%dma_start3A_692 : memref<16x1024xf32, #tpu.memory_space<vmem>>) target_semaphore(%arg10 : memref<!tpu.dma_semaphore, #tpu.memory_space<semaphore_mem>>)
    %dma_wait3A_696 = arith.constant 1 : i32
    %dma_wait3A_697 = arith.constant 1 : i32
    %dma_wait3A_698 = arith.constant 0 : i32
    %dma_wait3A_699 = arith.constant 0 : i32
    %dma_wait3A_700 = tpu.memref_slice %arg9[%dma_wait3A_697, %dma_wait3A_698, %dma_wait3A_699] : memref<4x16x1024xf32, #tpu.memory_space<vmem>> -> memref<1x16x1024xf32, #tpu.memory_space<vmem>>
    %dma_wait3A_701 = tpu.memref_squeeze %dma_wait3A_700 : memref<1x16x1024xf32, #tpu.memory_space<vmem>> -> memref<16x1024xf32, #tpu.memory_space<vmem>>
    %dma_wait3A_702 = arith.constant 0 : i32
    %dma_wait3A_703 = tpu.memref_slice %arg2[%dma_wait3A_696, %add3A_601, %dma_wait3A_702] : memref<4x2048x1024xf32, #tpu.memory_space<hbm>> -> memref<1x16x1024xf32, #tpu.memory_space<hbm>>
    %dma_wait3A_704 = tpu.memref_squeeze %dma_wait3A_703 : memref<1x16x1024xf32, #tpu.memory_space<hbm>> -> memref<16x1024xf32, #tpu.memory_space<hbm>>
    %dma_wait3A_705 = arith.constant 0 : i32
    %dma_wait3A_706 = arith.constant 0 : i32
    %dma_wait3A_707 = tpu.memref_slice %arg9[%dma_wait3A_697, %dma_wait3A_705, %dma_wait3A_706] : memref<4x16x1024xf32, #tpu.memory_space<vmem>> -> memref<1x16x1024xf32, #tpu.memory_space<vmem>>
    %dma_wait3A_708 = tpu.memref_squeeze %dma_wait3A_707 : memref<1x16x1024xf32, #tpu.memory_space<vmem>> -> memref<16x1024xf32, #tpu.memory_space<vmem>>
    %dma_wait3A_709 = arith.constant 0 : i32
    %dma_wait3A_710 = tpu.memref_slice %arg2[%dma_wait3A_696, %add3A_601, %dma_wait3A_709] : memref<4x2048x1024xf32, #tpu.memory_space<hbm>> -> memref<1x16x1024xf32, #tpu.memory_space<hbm>>
    %dma_wait3A_711 = tpu.memref_squeeze %dma_wait3A_710 : memref<1x16x1024xf32, #tpu.memory_space<hbm>> -> memref<16x1024xf32, #tpu.memory_space<hbm>>
    tpu.wait_dma2 semaphore(%arg10 : memref<!tpu.dma_semaphore, #tpu.memory_space<semaphore_mem>>) src(%dma_wait3A_711 : memref<16x1024xf32, #tpu.memory_space<hbm>>) dst(%dma_wait3A_708 : memref<16x1024xf32, #tpu.memory_space<vmem>>)
    %scan3A_712 = arith.constant 0 : i32
    %scan3A_713 = arith.constant 16 : i32
    %scan3A_714 = arith.addi %scan3A_712, %scan3A_713 : i32
    %scan3A_715 = arith.constant 1 : i32
    scf.for %scan3A_1208 = %scan3A_712 to %scan3A_714 step %scan3A_715  : i32 {
      %mul3A_1209 = arith.constant 1 : i32
      %mul3A_1210 = arith.muli %scan3A_1208, %mul3A_1209 : i32
      %add3A_1211 = arith.constant 0 : i32
      %add3A_1212 = arith.addi %add3A_1211, %mul3A_1210 : i32
      %parallel_loop3A = arith.constant 0 : i32
      %parallel_loop3A_1213 = arith.constant 1024 : i32
      %parallel_loop3A_1214 = arith.constant 16 : i32
      scf.for %parallel_loop3A_1215 = %parallel_loop3A to %parallel_loop3A_1213 step %parallel_loop3A_1214  : i32 {
        %parallel_loop3A_1216 = arith.index_cast %add3A_1212 : i32 to index
        %parallel_loop3A_1217 = arith.index_cast %parallel_loop3A_1215 : i32 to index
        %parallel_loop3A_1218 = tpu.vector_load %arg7[%parallel_loop3A_1216, %parallel_loop3A_1217] {strides = array<i32>} : memref<16x1024xf32, #tpu.memory_space<vmem>>, vector<1x16xf32>,
        %parallel_loop3A_1219 = vector.shape_cast %parallel_loop3A_1218 : vector<1x16xf32> to vector<16xf32>
        %parallel_loop3A_1220 = arith.constant 1 : i32
        %parallel_loop3A_1221 = arith.index_cast %parallel_loop3A_1220 : i32 to index
        %parallel_loop3A_1222 = arith.index_cast %add3A_1212 : i32 to index
        %parallel_loop3A_1223 = arith.index_cast %parallel_loop3A_1215 : i32 to index
        %parallel_loop3A_1224 = tpu.vector_load %arg9[%parallel_loop3A_1221, %parallel_loop3A_1222, %parallel_loop3A_1223] {strides = array<i32>} : memref<4x16x1024xf32, #tpu.memory_space<vmem>>, vector<1x1x16xf32>,
        %parallel_loop3A_1225 = vector.shape_cast %parallel_loop3A_1224 : vector<1x1x16xf32> to vector<16xf32>
        %parallel_loop3A_1226 = vector.shape_cast %parallel_loop3A_1219 : vector<16xf32> to vector<1x1x16xf32>
        tpu.vector_store %arg9[%parallel_loop3A_1221, %parallel_loop3A_1222, %parallel_loop3A_1223], %parallel_loop3A_1226 {add = true, strides = array<i32>} : memref<4x16x1024xf32, #tpu.memory_space<vmem>>, vector<1x1x16xf32>,
      } {sc.loop_unroll_factor = 8 : i64, sc.parallel_access}
    }
    %scan3A_716 = arith.constant 16 : i32
    %add3A_717 = arith.constant 32 : i32
    %add3A_718 = arith.addi %mul3A_2, %add3A_717 : i32
    %dma_start3A_719 = arith.constant 1 : i32
    %dma_start3A_720 = arith.constant 1 : i32
    %dma_start3A_721 = arith.constant 0 : i32
    %dma_start3A_722 = arith.constant 0 : i32
    %dma_start3A_723 = tpu.memref_slice %arg9[%dma_start3A_719, %dma_start3A_721, %dma_start3A_722] : memref<4x16x1024xf32, #tpu.memory_space<vmem>> -> memref<1x16x1024xf32, #tpu.memory_space<vmem>>
    %dma_start3A_724 = tpu.memref_squeeze %dma_start3A_723 : memref<1x16x1024xf32, #tpu.memory_space<vmem>> -> memref<16x1024xf32, #tpu.memory_space<vmem>>
    %dma_start3A_725 = arith.constant 0 : i32
    %dma_start3A_726 = tpu.memref_slice %arg5[%dma_start3A_720, %add3A_718, %dma_start3A_725] : memref<4x2048x1024xf32, #tpu.memory_space<hbm>> -> memref<1x16x1024xf32, #tpu.memory_space<hbm>>
    %dma_start3A_727 = tpu.memref_squeeze %dma_start3A_726 : memref<1x16x1024xf32, #tpu.memory_space<hbm>> -> memref<16x1024xf32, #tpu.memory_space<hbm>>
    %dma_start3A_728 = arith.constant 0 : i32
    %dma_start3A_729 = tpu.memref_slice %arg5[%dma_start3A_720, %add3A_718, %dma_start3A_728] : memref<4x2048x1024xf32, #tpu.memory_space<hbm>> -> memref<1x16x1024xf32, #tpu.memory_space<hbm>>
    %dma_start3A_730 = tpu.memref_squeeze %dma_start3A_729 : memref<1x16x1024xf32, #tpu.memory_space<hbm>> -> memref<16x1024xf32, #tpu.memory_space<hbm>>
    %dma_start3A_731 = arith.constant 0 : i32
    %dma_start3A_732 = arith.constant 0 : i32
    %dma_start3A_733 = tpu.memref_slice %arg9[%dma_start3A_719, %dma_start3A_731, %dma_start3A_732] : memref<4x16x1024xf32, #tpu.memory_space<vmem>> -> memref<1x16x1024xf32, #tpu.memory_space<vmem>>
    %dma_start3A_734 = tpu.memref_squeeze %dma_start3A_733 : memref<1x16x1024xf32, #tpu.memory_space<vmem>> -> memref<16x1024xf32, #tpu.memory_space<vmem>>
    tpu.enqueue_dma source(%dma_start3A_734 : memref<16x1024xf32, #tpu.memory_space<vmem>>) target(%dma_start3A_730 : memref<16x1024xf32, #tpu.memory_space<hbm>>) target_semaphore(%arg11 : memref<!tpu.dma_semaphore, #tpu.memory_space<semaphore_mem>>)
    %dma_wait3A_735 = arith.constant 3 : i32
    %dma_wait3A_736 = arith.constant 3 : i32
    %dma_wait3A_737 = arith.constant 0 : i32
    %dma_wait3A_738 = arith.constant 0 : i32
    %dma_wait3A_739 = tpu.memref_slice %arg9[%dma_wait3A_735, %dma_wait3A_737, %dma_wait3A_738] : memref<4x16x1024xf32, #tpu.memory_space<vmem>> -> memref<1x16x1024xf32, #tpu.memory_space<vmem>>
    %dma_wait3A_740 = tpu.memref_squeeze %dma_wait3A_739 : memref<1x16x1024xf32, #tpu.memory_space<vmem>> -> memref<16x1024xf32, #tpu.memory_space<vmem>>
    %dma_wait3A_741 = arith.constant 0 : i32
    %dma_wait3A_742 = tpu.memref_slice %arg5[%dma_wait3A_736, %add3A_567, %dma_wait3A_741] : memref<4x2048x1024xf32, #tpu.memory_space<hbm>> -> memref<1x16x1024xf32, #tpu.memory_space<hbm>>
    %dma_wait3A_743 = tpu.memref_squeeze %dma_wait3A_742 : memref<1x16x1024xf32, #tpu.memory_space<hbm>> -> memref<16x1024xf32, #tpu.memory_space<hbm>>
    %dma_wait3A_744 = arith.constant 0 : i32
    %dma_wait3A_745 = tpu.memref_slice %arg5[%dma_wait3A_736, %add3A_567, %dma_wait3A_744] : memref<4x2048x1024xf32, #tpu.memory_space<hbm>> -> memref<1x16x1024xf32, #tpu.memory_space<hbm>>
    %dma_wait3A_746 = tpu.memref_squeeze %dma_wait3A_745 : memref<1x16x1024xf32, #tpu.memory_space<hbm>> -> memref<16x1024xf32, #tpu.memory_space<hbm>>
    %dma_wait3A_747 = arith.constant 0 : i32
    %dma_wait3A_748 = arith.constant 0 : i32
    %dma_wait3A_749 = tpu.memref_slice %arg9[%dma_wait3A_735, %dma_wait3A_747, %dma_wait3A_748] : memref<4x16x1024xf32, #tpu.memory_space<vmem>> -> memref<1x16x1024xf32, #tpu.memory_space<vmem>>
    %dma_wait3A_750 = tpu.memref_squeeze %dma_wait3A_749 : memref<1x16x1024xf32, #tpu.memory_space<vmem>> -> memref<16x1024xf32, #tpu.memory_space<vmem>>
    tpu.wait_dma2 semaphore(%arg11 : memref<!tpu.dma_semaphore, #tpu.memory_space<semaphore_mem>>) src(%dma_wait3A_750 : memref<16x1024xf32, #tpu.memory_space<vmem>>) dst(%dma_wait3A_746 : memref<16x1024xf32, #tpu.memory_space<hbm>>)
    %add3A_751 = arith.constant 32 : i32
    %add3A_752 = arith.addi %mul3A_2, %add3A_751 : i32
    %dma_start3A_753 = arith.constant 3 : i32
    %dma_start3A_754 = arith.constant 3 : i32
    %dma_start3A_755 = arith.constant 0 : i32
    %dma_start3A_756 = arith.constant 0 : i32
    %dma_start3A_757 = tpu.memref_slice %arg9[%dma_start3A_754, %dma_start3A_755, %dma_start3A_756] : memref<4x16x1024xf32, #tpu.memory_space<vmem>> -> memref<1x16x1024xf32, #tpu.memory_space<vmem>>
    %dma_start3A_758 = tpu.memref_squeeze %dma_start3A_757 : memref<1x16x1024xf32, #tpu.memory_space<vmem>> -> memref<16x1024xf32, #tpu.memory_space<vmem>>
    %dma_start3A_759 = arith.constant 0 : i32
    %dma_start3A_760 = tpu.memref_slice %arg2[%dma_start3A_753, %add3A_752, %dma_start3A_759] : memref<4x2048x1024xf32, #tpu.memory_space<hbm>> -> memref<1x16x1024xf32, #tpu.memory_space<hbm>>
    %dma_start3A_761 = tpu.memref_squeeze %dma_start3A_760 : memref<1x16x1024xf32, #tpu.memory_space<hbm>> -> memref<16x1024xf32, #tpu.memory_space<hbm>>
    %dma_start3A_762 = arith.constant 0 : i32
    %dma_start3A_763 = arith.constant 0 : i32
    %dma_start3A_764 = tpu.memref_slice %arg9[%dma_start3A_754, %dma_start3A_762, %dma_start3A_763] : memref<4x16x1024xf32, #tpu.memory_space<vmem>> -> memref<1x16x1024xf32, #tpu.memory_space<vmem>>
    %dma_start3A_765 = tpu.memref_squeeze %dma_start3A_764 : memref<1x16x1024xf32, #tpu.memory_space<vmem>> -> memref<16x1024xf32, #tpu.memory_space<vmem>>
    %dma_start3A_766 = arith.constant 0 : i32
    %dma_start3A_767 = tpu.memref_slice %arg2[%dma_start3A_753, %add3A_752, %dma_start3A_766] : memref<4x2048x1024xf32, #tpu.memory_space<hbm>> -> memref<1x16x1024xf32, #tpu.memory_space<hbm>>
    %dma_start3A_768 = tpu.memref_squeeze %dma_start3A_767 : memref<1x16x1024xf32, #tpu.memory_space<hbm>> -> memref<16x1024xf32, #tpu.memory_space<hbm>>
    tpu.enqueue_dma source(%dma_start3A_768 : memref<16x1024xf32, #tpu.memory_space<hbm>>) target(%dma_start3A_765 : memref<16x1024xf32, #tpu.memory_space<vmem>>) target_semaphore(%arg10 : memref<!tpu.dma_semaphore, #tpu.memory_space<semaphore_mem>>)
    %dma_wait3A_769 = arith.constant 2 : i32
    %dma_wait3A_770 = arith.constant 2 : i32
    %dma_wait3A_771 = arith.constant 0 : i32
    %dma_wait3A_772 = arith.constant 0 : i32
    %dma_wait3A_773 = tpu.memref_slice %arg9[%dma_wait3A_770, %dma_wait3A_771, %dma_wait3A_772] : memref<4x16x1024xf32, #tpu.memory_space<vmem>> -> memref<1x16x1024xf32, #tpu.memory_space<vmem>>
    %dma_wait3A_774 = tpu.memref_squeeze %dma_wait3A_773 : memref<1x16x1024xf32, #tpu.memory_space<vmem>> -> memref<16x1024xf32, #tpu.memory_space<vmem>>
    %dma_wait3A_775 = arith.constant 0 : i32
    %dma_wait3A_776 = tpu.memref_slice %arg2[%dma_wait3A_769, %add3A_679, %dma_wait3A_775] : memref<4x2048x1024xf32, #tpu.memory_space<hbm>> -> memref<1x16x1024xf32, #tpu.memory_space<hbm>>
    %dma_wait3A_777 = tpu.memref_squeeze %dma_wait3A_776 : memref<1x16x1024xf32, #tpu.memory_space<hbm>> -> memref<16x1024xf32, #tpu.memory_space<hbm>>
    %dma_wait3A_778 = arith.constant 0 : i32
    %dma_wait3A_779 = arith.constant 0 : i32
    %dma_wait3A_780 = tpu.memref_slice %arg9[%dma_wait3A_770, %dma_wait3A_778, %dma_wait3A_779] : memref<4x16x1024xf32, #tpu.memory_space<vmem>> -> memref<1x16x1024xf32, #tpu.memory_space<vmem>>
    %dma_wait3A_781 = tpu.memref_squeeze %dma_wait3A_780 : memref<1x16x1024xf32, #tpu.memory_space<vmem>> -> memref<16x1024xf32, #tpu.memory_space<vmem>>
    %dma_wait3A_782 = arith.constant 0 : i32
    %dma_wait3A_783 = tpu.memref_slice %arg2[%dma_wait3A_769, %add3A_679, %dma_wait3A_782] : memref<4x2048x1024xf32, #tpu.memory_space<hbm>> -> memref<1x16x1024xf32, #tpu.memory_space<hbm>>
    %dma_wait3A_784 = tpu.memref_squeeze %dma_wait3A_783 : memref<1x16x1024xf32, #tpu.memory_space<hbm>> -> memref<16x1024xf32, #tpu.memory_space<hbm>>
    tpu.wait_dma2 semaphore(%arg10 : memref<!tpu.dma_semaphore, #tpu.memory_space<semaphore_mem>>) src(%dma_wait3A_784 : memref<16x1024xf32, #tpu.memory_space<hbm>>) dst(%dma_wait3A_781 : memref<16x1024xf32, #tpu.memory_space<vmem>>)
    %scan3A_785 = arith.constant 0 : i32
    %scan3A_786 = arith.constant 16 : i32
    %scan3A_787 = arith.addi %scan3A_785, %scan3A_786 : i32
    %scan3A_788 = arith.constant 1 : i32
    scf.for %scan3A_1208 = %scan3A_785 to %scan3A_787 step %scan3A_788  : i32 {
      %mul3A_1209 = arith.constant 1 : i32
      %mul3A_1210 = arith.muli %scan3A_1208, %mul3A_1209 : i32
      %add3A_1211 = arith.constant 0 : i32
      %add3A_1212 = arith.addi %add3A_1211, %mul3A_1210 : i32
      %parallel_loop3A = arith.constant 0 : i32
      %parallel_loop3A_1213 = arith.constant 1024 : i32
      %parallel_loop3A_1214 = arith.constant 16 : i32
      scf.for %parallel_loop3A_1215 = %parallel_loop3A to %parallel_loop3A_1213 step %parallel_loop3A_1214  : i32 {
        %parallel_loop3A_1216 = arith.index_cast %add3A_1212 : i32 to index
        %parallel_loop3A_1217 = arith.index_cast %parallel_loop3A_1215 : i32 to index
        %parallel_loop3A_1218 = tpu.vector_load %arg7[%parallel_loop3A_1216, %parallel_loop3A_1217] {strides = array<i32>} : memref<16x1024xf32, #tpu.memory_space<vmem>>, vector<1x16xf32>,
        %parallel_loop3A_1219 = vector.shape_cast %parallel_loop3A_1218 : vector<1x16xf32> to vector<16xf32>
        %parallel_loop3A_1220 = arith.constant 2 : i32
        %parallel_loop3A_1221 = arith.index_cast %parallel_loop3A_1220 : i32 to index
        %parallel_loop3A_1222 = arith.index_cast %add3A_1212 : i32 to index
        %parallel_loop3A_1223 = arith.index_cast %parallel_loop3A_1215 : i32 to index
        %parallel_loop3A_1224 = tpu.vector_load %arg9[%parallel_loop3A_1221, %parallel_loop3A_1222, %parallel_loop3A_1223] {strides = array<i32>} : memref<4x16x1024xf32, #tpu.memory_space<vmem>>, vector<1x1x16xf32>,
        %parallel_loop3A_1225 = vector.shape_cast %parallel_loop3A_1224 : vector<1x1x16xf32> to vector<16xf32>
        %parallel_loop3A_1226 = vector.shape_cast %parallel_loop3A_1219 : vector<16xf32> to vector<1x1x16xf32>
        tpu.vector_store %arg9[%parallel_loop3A_1221, %parallel_loop3A_1222, %parallel_loop3A_1223], %parallel_loop3A_1226 {add = true, strides = array<i32>} : memref<4x16x1024xf32, #tpu.memory_space<vmem>>, vector<1x1x16xf32>,
      } {sc.loop_unroll_factor = 8 : i64, sc.parallel_access}
    }
    %scan3A_789 = arith.constant 16 : i32
    %add3A_790 = arith.constant 32 : i32
    %add3A_791 = arith.addi %mul3A_2, %add3A_790 : i32
    %dma_start3A_792 = arith.constant 2 : i32
    %dma_start3A_793 = arith.constant 2 : i32
    %dma_start3A_794 = arith.constant 0 : i32
    %dma_start3A_795 = arith.constant 0 : i32
    %dma_start3A_796 = tpu.memref_slice %arg9[%dma_start3A_792, %dma_start3A_794, %dma_start3A_795] : memref<4x16x1024xf32, #tpu.memory_space<vmem>> -> memref<1x16x1024xf32, #tpu.memory_space<vmem>>
    %dma_start3A_797 = tpu.memref_squeeze %dma_start3A_796 : memref<1x16x1024xf32, #tpu.memory_space<vmem>> -> memref<16x1024xf32, #tpu.memory_space<vmem>>
    %dma_start3A_798 = arith.constant 0 : i32
    %dma_start3A_799 = tpu.memref_slice %arg5[%dma_start3A_793, %add3A_791, %dma_start3A_798] : memref<4x2048x1024xf32, #tpu.memory_space<hbm>> -> memref<1x16x1024xf32, #tpu.memory_space<hbm>>
    %dma_start3A_800 = tpu.memref_squeeze %dma_start3A_799 : memref<1x16x1024xf32, #tpu.memory_space<hbm>> -> memref<16x1024xf32, #tpu.memory_space<hbm>>
    %dma_start3A_801 = arith.constant 0 : i32
    %dma_start3A_802 = tpu.memref_slice %arg5[%dma_start3A_793, %add3A_791, %dma_start3A_801] : memref<4x2048x1024xf32, #tpu.memory_space<hbm>> -> memref<1x16x1024xf32, #tpu.memory_space<hbm>>
    %dma_start3A_803 = tpu.memref_squeeze %dma_start3A_802 : memref<1x16x1024xf32, #tpu.memory_space<hbm>> -> memref<16x1024xf32, #tpu.memory_space<hbm>>
    %dma_start3A_804 = arith.constant 0 : i32
    %dma_start3A_805 = arith.constant 0 : i32
    %dma_start3A_806 = tpu.memref_slice %arg9[%dma_start3A_792, %dma_start3A_804, %dma_start3A_805] : memref<4x16x1024xf32, #tpu.memory_space<vmem>> -> memref<1x16x1024xf32, #tpu.memory_space<vmem>>
    %dma_start3A_807 = tpu.memref_squeeze %dma_start3A_806 : memref<1x16x1024xf32, #tpu.memory_space<vmem>> -> memref<16x1024xf32, #tpu.memory_space<vmem>>
    tpu.enqueue_dma source(%dma_start3A_807 : memref<16x1024xf32, #tpu.memory_space<vmem>>) target(%dma_start3A_803 : memref<16x1024xf32, #tpu.memory_space<hbm>>) target_semaphore(%arg11 : memref<!tpu.dma_semaphore, #tpu.memory_space<semaphore_mem>>)
    %dma_wait3A_808 = arith.constant 0 : i32
    %dma_wait3A_809 = arith.constant 0 : i32
    %dma_wait3A_810 = arith.constant 0 : i32
    %dma_wait3A_811 = arith.constant 0 : i32
    %dma_wait3A_812 = tpu.memref_slice %arg9[%dma_wait3A_808, %dma_wait3A_810, %dma_wait3A_811] : memref<4x16x1024xf32, #tpu.memory_space<vmem>> -> memref<1x16x1024xf32, #tpu.memory_space<vmem>>
    %dma_wait3A_813 = tpu.memref_squeeze %dma_wait3A_812 : memref<1x16x1024xf32, #tpu.memory_space<vmem>> -> memref<16x1024xf32, #tpu.memory_space<vmem>>
    %dma_wait3A_814 = arith.constant 0 : i32
    %dma_wait3A_815 = tpu.memref_slice %arg5[%dma_wait3A_809, %add3A_645, %dma_wait3A_814] : memref<4x2048x1024xf32, #tpu.memory_space<hbm>> -> memref<1x16x1024xf32, #tpu.memory_space<hbm>>
    %dma_wait3A_816 = tpu.memref_squeeze %dma_wait3A_815 : memref<1x16x1024xf32, #tpu.memory_space<hbm>> -> memref<16x1024xf32, #tpu.memory_space<hbm>>
    %dma_wait3A_817 = arith.constant 0 : i32
    %dma_wait3A_818 = tpu.memref_slice %arg5[%dma_wait3A_809, %add3A_645, %dma_wait3A_817] : memref<4x2048x1024xf32, #tpu.memory_space<hbm>> -> memref<1x16x1024xf32, #tpu.memory_space<hbm>>
    %dma_wait3A_819 = tpu.memref_squeeze %dma_wait3A_818 : memref<1x16x1024xf32, #tpu.memory_space<hbm>> -> memref<16x1024xf32, #tpu.memory_space<hbm>>
    %dma_wait3A_820 = arith.constant 0 : i32
    %dma_wait3A_821 = arith.constant 0 : i32
    %dma_wait3A_822 = tpu.memref_slice %arg9[%dma_wait3A_808, %dma_wait3A_820, %dma_wait3A_821] : memref<4x16x1024xf32, #tpu.memory_space<vmem>> -> memref<1x16x1024xf32, #tpu.memory_space<vmem>>
    %dma_wait3A_823 = tpu.memref_squeeze %dma_wait3A_822 : memref<1x16x1024xf32, #tpu.memory_space<vmem>> -> memref<16x1024xf32, #tpu.memory_space<vmem>>
    tpu.wait_dma2 semaphore(%arg11 : memref<!tpu.dma_semaphore, #tpu.memory_space<semaphore_mem>>) src(%dma_wait3A_823 : memref<16x1024xf32, #tpu.memory_space<vmem>>) dst(%dma_wait3A_819 : memref<16x1024xf32, #tpu.memory_space<hbm>>)
    %add3A_824 = arith.constant 48 : i32
    %add3A_825 = arith.addi %mul3A_2, %add3A_824 : i32
    %dma_start3A_826 = arith.constant 0 : i32
    %dma_start3A_827 = arith.constant 0 : i32
    %dma_start3A_828 = arith.constant 0 : i32
    %dma_start3A_829 = arith.constant 0 : i32
    %dma_start3A_830 = tpu.memref_slice %arg9[%dma_start3A_827, %dma_start3A_828, %dma_start3A_829] : memref<4x16x1024xf32, #tpu.memory_space<vmem>> -> memref<1x16x1024xf32, #tpu.memory_space<vmem>>
    %dma_start3A_831 = tpu.memref_squeeze %dma_start3A_830 : memref<1x16x1024xf32, #tpu.memory_space<vmem>> -> memref<16x1024xf32, #tpu.memory_space<vmem>>
    %dma_start3A_832 = arith.constant 0 : i32
    %dma_start3A_833 = tpu.memref_slice %arg2[%dma_start3A_826, %add3A_825, %dma_start3A_832] : memref<4x2048x1024xf32, #tpu.memory_space<hbm>> -> memref<1x16x1024xf32, #tpu.memory_space<hbm>>
    %dma_start3A_834 = tpu.memref_squeeze %dma_start3A_833 : memref<1x16x1024xf32, #tpu.memory_space<hbm>> -> memref<16x1024xf32, #tpu.memory_space<hbm>>
    %dma_start3A_835 = arith.constant 0 : i32
    %dma_start3A_836 = arith.constant 0 : i32
    %dma_start3A_837 = tpu.memref_slice %arg9[%dma_start3A_827, %dma_start3A_835, %dma_start3A_836] : memref<4x16x1024xf32, #tpu.memory_space<vmem>> -> memref<1x16x1024xf32, #tpu.memory_space<vmem>>
    %dma_start3A_838 = tpu.memref_squeeze %dma_start3A_837 : memref<1x16x1024xf32, #tpu.memory_space<vmem>> -> memref<16x1024xf32, #tpu.memory_space<vmem>>
    %dma_start3A_839 = arith.constant 0 : i32
    %dma_start3A_840 = tpu.memref_slice %arg2[%dma_start3A_826, %add3A_825, %dma_start3A_839] : memref<4x2048x1024xf32, #tpu.memory_space<hbm>> -> memref<1x16x1024xf32, #tpu.memory_space<hbm>>
    %dma_start3A_841 = tpu.memref_squeeze %dma_start3A_840 : memref<1x16x1024xf32, #tpu.memory_space<hbm>> -> memref<16x1024xf32, #tpu.memory_space<hbm>>
    tpu.enqueue_dma source(%dma_start3A_841 : memref<16x1024xf32, #tpu.memory_space<hbm>>) target(%dma_start3A_838 : memref<16x1024xf32, #tpu.memory_space<vmem>>) target_semaphore(%arg10 : memref<!tpu.dma_semaphore, #tpu.memory_space<semaphore_mem>>)
    %dma_wait3A_842 = arith.constant 3 : i32
    %dma_wait3A_843 = arith.constant 3 : i32
    %dma_wait3A_844 = arith.constant 0 : i32
    %dma_wait3A_845 = arith.constant 0 : i32
    %dma_wait3A_846 = tpu.memref_slice %arg9[%dma_wait3A_843, %dma_wait3A_844, %dma_wait3A_845] : memref<4x16x1024xf32, #tpu.memory_space<vmem>> -> memref<1x16x1024xf32, #tpu.memory_space<vmem>>
    %dma_wait3A_847 = tpu.memref_squeeze %dma_wait3A_846 : memref<1x16x1024xf32, #tpu.memory_space<vmem>> -> memref<16x1024xf32, #tpu.memory_space<vmem>>
    %dma_wait3A_848 = arith.constant 0 : i32
    %dma_wait3A_849 = tpu.memref_slice %arg2[%dma_wait3A_842, %add3A_752, %dma_wait3A_848] : memref<4x2048x1024xf32, #tpu.memory_space<hbm>> -> memref<1x16x1024xf32, #tpu.memory_space<hbm>>
    %dma_wait3A_850 = tpu.memref_squeeze %dma_wait3A_849 : memref<1x16x1024xf32, #tpu.memory_space<hbm>> -> memref<16x1024xf32, #tpu.memory_space<hbm>>
    %dma_wait3A_851 = arith.constant 0 : i32
    %dma_wait3A_852 = arith.constant 0 : i32
    %dma_wait3A_853 = tpu.memref_slice %arg9[%dma_wait3A_843, %dma_wait3A_851, %dma_wait3A_852] : memref<4x16x1024xf32, #tpu.memory_space<vmem>> -> memref<1x16x1024xf32, #tpu.memory_space<vmem>>
    %dma_wait3A_854 = tpu.memref_squeeze %dma_wait3A_853 : memref<1x16x1024xf32, #tpu.memory_space<vmem>> -> memref<16x1024xf32, #tpu.memory_space<vmem>>
    %dma_wait3A_855 = arith.constant 0 : i32
    %dma_wait3A_856 = tpu.memref_slice %arg2[%dma_wait3A_842, %add3A_752, %dma_wait3A_855] : memref<4x2048x1024xf32, #tpu.memory_space<hbm>> -> memref<1x16x1024xf32, #tpu.memory_space<hbm>>
    %dma_wait3A_857 = tpu.memref_squeeze %dma_wait3A_856 : memref<1x16x1024xf32, #tpu.memory_space<hbm>> -> memref<16x1024xf32, #tpu.memory_space<hbm>>
    tpu.wait_dma2 semaphore(%arg10 : memref<!tpu.dma_semaphore, #tpu.memory_space<semaphore_mem>>) src(%dma_wait3A_857 : memref<16x1024xf32, #tpu.memory_space<hbm>>) dst(%dma_wait3A_854 : memref<16x1024xf32, #tpu.memory_space<vmem>>)
    %scan3A_858 = arith.constant 0 : i32
    %scan3A_859 = arith.constant 16 : i32
    %scan3A_860 = arith.addi %scan3A_858, %scan3A_859 : i32
    %scan3A_861 = arith.constant 1 : i32
    scf.for %scan3A_1208 = %scan3A_858 to %scan3A_860 step %scan3A_861  : i32 {
      %mul3A_1209 = arith.constant 1 : i32
      %mul3A_1210 = arith.muli %scan3A_1208, %mul3A_1209 : i32
      %add3A_1211 = arith.constant 0 : i32
      %add3A_1212 = arith.addi %add3A_1211, %mul3A_1210 : i32
      %parallel_loop3A = arith.constant 0 : i32
      %parallel_loop3A_1213 = arith.constant 1024 : i32
      %parallel_loop3A_1214 = arith.constant 16 : i32
      scf.for %parallel_loop3A_1215 = %parallel_loop3A to %parallel_loop3A_1213 step %parallel_loop3A_1214  : i32 {
        %parallel_loop3A_1216 = arith.index_cast %add3A_1212 : i32 to index
        %parallel_loop3A_1217 = arith.index_cast %parallel_loop3A_1215 : i32 to index
        %parallel_loop3A_1218 = tpu.vector_load %arg7[%parallel_loop3A_1216, %parallel_loop3A_1217] {strides = array<i32>} : memref<16x1024xf32, #tpu.memory_space<vmem>>, vector<1x16xf32>,
        %parallel_loop3A_1219 = vector.shape_cast %parallel_loop3A_1218 : vector<1x16xf32> to vector<16xf32>
        %parallel_loop3A_1220 = arith.constant 3 : i32
        %parallel_loop3A_1221 = arith.index_cast %parallel_loop3A_1220 : i32 to index
        %parallel_loop3A_1222 = arith.index_cast %add3A_1212 : i32 to index
        %parallel_loop3A_1223 = arith.index_cast %parallel_loop3A_1215 : i32 to index
        %parallel_loop3A_1224 = tpu.vector_load %arg9[%parallel_loop3A_1221, %parallel_loop3A_1222, %parallel_loop3A_1223] {strides = array<i32>} : memref<4x16x1024xf32, #tpu.memory_space<vmem>>, vector<1x1x16xf32>,
        %parallel_loop3A_1225 = vector.shape_cast %parallel_loop3A_1224 : vector<1x1x16xf32> to vector<16xf32>
        %parallel_loop3A_1226 = vector.shape_cast %parallel_loop3A_1219 : vector<16xf32> to vector<1x1x16xf32>
        tpu.vector_store %arg9[%parallel_loop3A_1221, %parallel_loop3A_1222, %parallel_loop3A_1223], %parallel_loop3A_1226 {add = true, strides = array<i32>} : memref<4x16x1024xf32, #tpu.memory_space<vmem>>, vector<1x1x16xf32>,
      } {sc.loop_unroll_factor = 8 : i64, sc.parallel_access}
    }
    %scan3A_862 = arith.constant 16 : i32
    %add3A_863 = arith.constant 32 : i32
    %add3A_864 = arith.addi %mul3A_2, %add3A_863 : i32
    %dma_start3A_865 = arith.constant 3 : i32
    %dma_start3A_866 = arith.constant 3 : i32
    %dma_start3A_867 = arith.constant 0 : i32
    %dma_start3A_868 = arith.constant 0 : i32
    %dma_start3A_869 = tpu.memref_slice %arg9[%dma_start3A_865, %dma_start3A_867, %dma_start3A_868] : memref<4x16x1024xf32, #tpu.memory_space<vmem>> -> memref<1x16x1024xf32, #tpu.memory_space<vmem>>
    %dma_start3A_870 = tpu.memref_squeeze %dma_start3A_869 : memref<1x16x1024xf32, #tpu.memory_space<vmem>> -> memref<16x1024xf32, #tpu.memory_space<vmem>>
    %dma_start3A_871 = arith.constant 0 : i32
    %dma_start3A_872 = tpu.memref_slice %arg5[%dma_start3A_866, %add3A_864, %dma_start3A_871] : memref<4x2048x1024xf32, #tpu.memory_space<hbm>> -> memref<1x16x1024xf32, #tpu.memory_space<hbm>>
    %dma_start3A_873 = tpu.memref_squeeze %dma_start3A_872 : memref<1x16x1024xf32, #tpu.memory_space<hbm>> -> memref<16x1024xf32, #tpu.memory_space<hbm>>
    %dma_start3A_874 = arith.constant 0 : i32
    %dma_start3A_875 = tpu.memref_slice %arg5[%dma_start3A_866, %add3A_864, %dma_start3A_874] : memref<4x2048x1024xf32, #tpu.memory_space<hbm>> -> memref<1x16x1024xf32, #tpu.memory_space<hbm>>
    %dma_start3A_876 = tpu.memref_squeeze %dma_start3A_875 : memref<1x16x1024xf32, #tpu.memory_space<hbm>> -> memref<16x1024xf32, #tpu.memory_space<hbm>>
    %dma_start3A_877 = arith.constant 0 : i32
    %dma_start3A_878 = arith.constant 0 : i32
    %dma_start3A_879 = tpu.memref_slice %arg9[%dma_start3A_865, %dma_start3A_877, %dma_start3A_878] : memref<4x16x1024xf32, #tpu.memory_space<vmem>> -> memref<1x16x1024xf32, #tpu.memory_space<vmem>>
    %dma_start3A_880 = tpu.memref_squeeze %dma_start3A_879 : memref<1x16x1024xf32, #tpu.memory_space<vmem>> -> memref<16x1024xf32, #tpu.memory_space<vmem>>
    tpu.enqueue_dma source(%dma_start3A_880 : memref<16x1024xf32, #tpu.memory_space<vmem>>) target(%dma_start3A_876 : memref<16x1024xf32, #tpu.memory_space<hbm>>) target_semaphore(%arg11 : memref<!tpu.dma_semaphore, #tpu.memory_space<semaphore_mem>>)
    %dma_wait3A_881 = arith.constant 1 : i32
    %dma_wait3A_882 = arith.constant 1 : i32
    %dma_wait3A_883 = arith.constant 0 : i32
    %dma_wait3A_884 = arith.constant 0 : i32
    %dma_wait3A_885 = tpu.memref_slice %arg9[%dma_wait3A_881, %dma_wait3A_883, %dma_wait3A_884] : memref<4x16x1024xf32, #tpu.memory_space<vmem>> -> memref<1x16x1024xf32, #tpu.memory_space<vmem>>
    %dma_wait3A_886 = tpu.memref_squeeze %dma_wait3A_885 : memref<1x16x1024xf32, #tpu.memory_space<vmem>> -> memref<16x1024xf32, #tpu.memory_space<vmem>>
    %dma_wait3A_887 = arith.constant 0 : i32
    %dma_wait3A_888 = tpu.memref_slice %arg5[%dma_wait3A_882, %add3A_718, %dma_wait3A_887] : memref<4x2048x1024xf32, #tpu.memory_space<hbm>> -> memref<1x16x1024xf32, #tpu.memory_space<hbm>>
    %dma_wait3A_889 = tpu.memref_squeeze %dma_wait3A_888 : memref<1x16x1024xf32, #tpu.memory_space<hbm>> -> memref<16x1024xf32, #tpu.memory_space<hbm>>
    %dma_wait3A_890 = arith.constant 0 : i32
    %dma_wait3A_891 = tpu.memref_slice %arg5[%dma_wait3A_882, %add3A_718, %dma_wait3A_890] : memref<4x2048x1024xf32, #tpu.memory_space<hbm>> -> memref<1x16x1024xf32, #tpu.memory_space<hbm>>
    %dma_wait3A_892 = tpu.memref_squeeze %dma_wait3A_891 : memref<1x16x1024xf32, #tpu.memory_space<hbm>> -> memref<16x1024xf32, #tpu.memory_space<hbm>>
    %dma_wait3A_893 = arith.constant 0 : i32
    %dma_wait3A_894 = arith.constant 0 : i32
    %dma_wait3A_895 = tpu.memref_slice %arg9[%dma_wait3A_881, %dma_wait3A_893, %dma_wait3A_894] : memref<4x16x1024xf32, #tpu.memory_space<vmem>> -> memref<1x16x1024xf32, #tpu.memory_space<vmem>>
    %dma_wait3A_896 = tpu.memref_squeeze %dma_wait3A_895 : memref<1x16x1024xf32, #tpu.memory_space<vmem>> -> memref<16x1024xf32, #tpu.memory_space<vmem>>
    tpu.wait_dma2 semaphore(%arg11 : memref<!tpu.dma_semaphore, #tpu.memory_space<semaphore_mem>>) src(%dma_wait3A_896 : memref<16x1024xf32, #tpu.memory_space<vmem>>) dst(%dma_wait3A_892 : memref<16x1024xf32, #tpu.memory_space<hbm>>)
    %add3A_897 = arith.constant 48 : i32
    %add3A_898 = arith.addi %mul3A_2, %add3A_897 : i32
    %dma_start3A_899 = arith.constant 1 : i32
    %dma_start3A_900 = arith.constant 1 : i32
    %dma_start3A_901 = arith.constant 0 : i32
    %dma_start3A_902 = arith.constant 0 : i32
    %dma_start3A_903 = tpu.memref_slice %arg9[%dma_start3A_900, %dma_start3A_901, %dma_start3A_902] : memref<4x16x1024xf32, #tpu.memory_space<vmem>> -> memref<1x16x1024xf32, #tpu.memory_space<vmem>>
    %dma_start3A_904 = tpu.memref_squeeze %dma_start3A_903 : memref<1x16x1024xf32, #tpu.memory_space<vmem>> -> memref<16x1024xf32, #tpu.memory_space<vmem>>
    %dma_start3A_905 = arith.constant 0 : i32
    %dma_start3A_906 = tpu.memref_slice %arg2[%dma_start3A_899, %add3A_898, %dma_start3A_905] : memref<4x2048x1024xf32, #tpu.memory_space<hbm>> -> memref<1x16x1024xf32, #tpu.memory_space<hbm>>
    %dma_start3A_907 = tpu.memref_squeeze %dma_start3A_906 : memref<1x16x1024xf32, #tpu.memory_space<hbm>> -> memref<16x1024xf32, #tpu.memory_space<hbm>>
    %dma_start3A_908 = arith.constant 0 : i32
    %dma_start3A_909 = arith.constant 0 : i32
    %dma_start3A_910 = tpu.memref_slice %arg9[%dma_start3A_900, %dma_start3A_908, %dma_start3A_909] : memref<4x16x1024xf32, #tpu.memory_space<vmem>> -> memref<1x16x1024xf32, #tpu.memory_space<vmem>>
    %dma_start3A_911 = tpu.memref_squeeze %dma_start3A_910 : memref<1x16x1024xf32, #tpu.memory_space<vmem>> -> memref<16x1024xf32, #tpu.memory_space<vmem>>
    %dma_start3A_912 = arith.constant 0 : i32
    %dma_start3A_913 = tpu.memref_slice %arg2[%dma_start3A_899, %add3A_898, %dma_start3A_912] : memref<4x2048x1024xf32, #tpu.memory_space<hbm>> -> memref<1x16x1024xf32, #tpu.memory_space<hbm>>
    %dma_start3A_914 = tpu.memref_squeeze %dma_start3A_913 : memref<1x16x1024xf32, #tpu.memory_space<hbm>> -> memref<16x1024xf32, #tpu.memory_space<hbm>>
    tpu.enqueue_dma source(%dma_start3A_914 : memref<16x1024xf32, #tpu.memory_space<hbm>>) target(%dma_start3A_911 : memref<16x1024xf32, #tpu.memory_space<vmem>>) target_semaphore(%arg10 : memref<!tpu.dma_semaphore, #tpu.memory_space<semaphore_mem>>)
    %dma_wait3A_915 = arith.constant 48 : i32
    %dma_wait3A_916 = tpu.memref_slice %arg6[%dma_wait3A_915] : memref<64xi32, #tpu.memory_space<vmem>> -> memref<16xi32, #tpu.memory_space<vmem>>
    %dma_wait3A_917 = arith.constant 0 : i32
    %dma_wait3A_918 = arith.constant 0 : i32
    %dma_wait3A_919 = tpu.memref_slice %arg4[%dma_wait3A_917, %dma_wait3A_918] : memref<512x1024xf32, #tpu.memory_space<hbm>> -> memref<512x1024xf32, #tpu.memory_space<hbm>>
    tpu.wait_indirect_dma semaphore(%arg13 : memref<!tpu.dma_semaphore, #tpu.memory_space<semaphore_mem>>) src(%dma_wait3A_919 : memref<512x1024xf32, #tpu.memory_space<hbm>>) dst(%arg8 : memref<16x1024xf32, #tpu.memory_space<vmem>>)
    %dma_wait3A_920 = arith.constant 0 : i32
    %dma_wait3A_921 = arith.constant 0 : i32
    %dma_wait3A_922 = arith.constant 0 : i32
    %dma_wait3A_923 = arith.constant 0 : i32
    %dma_wait3A_924 = tpu.memref_slice %arg9[%dma_wait3A_921, %dma_wait3A_922, %dma_wait3A_923] : memref<4x16x1024xf32, #tpu.memory_space<vmem>> -> memref<1x16x1024xf32, #tpu.memory_space<vmem>>
    %dma_wait3A_925 = tpu.memref_squeeze %dma_wait3A_924 : memref<1x16x1024xf32, #tpu.memory_space<vmem>> -> memref<16x1024xf32, #tpu.memory_space<vmem>>
    %dma_wait3A_926 = arith.constant 0 : i32
    %dma_wait3A_927 = tpu.memref_slice %arg2[%dma_wait3A_920, %add3A_825, %dma_wait3A_926] : memref<4x2048x1024xf32, #tpu.memory_space<hbm>> -> memref<1x16x1024xf32, #tpu.memory_space<hbm>>
    %dma_wait3A_928 = tpu.memref_squeeze %dma_wait3A_927 : memref<1x16x1024xf32, #tpu.memory_space<hbm>> -> memref<16x1024xf32, #tpu.memory_space<hbm>>
    %dma_wait3A_929 = arith.constant 0 : i32
    %dma_wait3A_930 = arith.constant 0 : i32
    %dma_wait3A_931 = tpu.memref_slice %arg9[%dma_wait3A_921, %dma_wait3A_929, %dma_wait3A_930] : memref<4x16x1024xf32, #tpu.memory_space<vmem>> -> memref<1x16x1024xf32, #tpu.memory_space<vmem>>
    %dma_wait3A_932 = tpu.memref_squeeze %dma_wait3A_931 : memref<1x16x1024xf32, #tpu.memory_space<vmem>> -> memref<16x1024xf32, #tpu.memory_space<vmem>>
    %dma_wait3A_933 = arith.constant 0 : i32
    %dma_wait3A_934 = tpu.memref_slice %arg2[%dma_wait3A_920, %add3A_825, %dma_wait3A_933] : memref<4x2048x1024xf32, #tpu.memory_space<hbm>> -> memref<1x16x1024xf32, #tpu.memory_space<hbm>>
    %dma_wait3A_935 = tpu.memref_squeeze %dma_wait3A_934 : memref<1x16x1024xf32, #tpu.memory_space<hbm>> -> memref<16x1024xf32, #tpu.memory_space<hbm>>
    tpu.wait_dma2 semaphore(%arg10 : memref<!tpu.dma_semaphore, #tpu.memory_space<semaphore_mem>>) src(%dma_wait3A_935 : memref<16x1024xf32, #tpu.memory_space<hbm>>) dst(%dma_wait3A_932 : memref<16x1024xf32, #tpu.memory_space<vmem>>)
    %scan3A_936 = arith.constant 0 : i32
    %scan3A_937 = arith.constant 16 : i32
    %scan3A_938 = arith.addi %scan3A_936, %scan3A_937 : i32
    %scan3A_939 = arith.constant 1 : i32
    scf.for %scan3A_1208 = %scan3A_936 to %scan3A_938 step %scan3A_939  : i32 {
      %mul3A_1209 = arith.constant 1 : i32
      %mul3A_1210 = arith.muli %scan3A_1208, %mul3A_1209 : i32
      %add3A_1211 = arith.constant 0 : i32
      %add3A_1212 = arith.addi %add3A_1211, %mul3A_1210 : i32
      %parallel_loop3A = arith.constant 0 : i32
      %parallel_loop3A_1213 = arith.constant 1024 : i32
      %parallel_loop3A_1214 = arith.constant 16 : i32
      scf.for %parallel_loop3A_1215 = %parallel_loop3A to %parallel_loop3A_1213 step %parallel_loop3A_1214  : i32 {
        %parallel_loop3A_1216 = arith.index_cast %add3A_1212 : i32 to index
        %parallel_loop3A_1217 = arith.index_cast %parallel_loop3A_1215 : i32 to index
        %parallel_loop3A_1218 = tpu.vector_load %arg8[%parallel_loop3A_1216, %parallel_loop3A_1217] {strides = array<i32>} : memref<16x1024xf32, #tpu.memory_space<vmem>>, vector<1x16xf32>,
        %parallel_loop3A_1219 = vector.shape_cast %parallel_loop3A_1218 : vector<1x16xf32> to vector<16xf32>
        %parallel_loop3A_1220 = arith.constant 0 : i32
        %parallel_loop3A_1221 = arith.index_cast %parallel_loop3A_1220 : i32 to index
        %parallel_loop3A_1222 = arith.index_cast %add3A_1212 : i32 to index
        %parallel_loop3A_1223 = arith.index_cast %parallel_loop3A_1215 : i32 to index
        %parallel_loop3A_1224 = tpu.vector_load %arg9[%parallel_loop3A_1221, %parallel_loop3A_1222, %parallel_loop3A_1223] {strides = array<i32>} : memref<4x16x1024xf32, #tpu.memory_space<vmem>>, vector<1x1x16xf32>,
        %parallel_loop3A_1225 = vector.shape_cast %parallel_loop3A_1224 : vector<1x1x16xf32> to vector<16xf32>
        %parallel_loop3A_1226 = vector.shape_cast %parallel_loop3A_1219 : vector<16xf32> to vector<1x1x16xf32>
        tpu.vector_store %arg9[%parallel_loop3A_1221, %parallel_loop3A_1222, %parallel_loop3A_1223], %parallel_loop3A_1226 {add = true, strides = array<i32>} : memref<4x16x1024xf32, #tpu.memory_space<vmem>>, vector<1x1x16xf32>,
      } {sc.loop_unroll_factor = 8 : i64, sc.parallel_access}
    }
    %scan3A_940 = arith.constant 16 : i32
    %add3A_941 = arith.constant 48 : i32
    %add3A_942 = arith.addi %mul3A_2, %add3A_941 : i32
    %dma_start3A_943 = arith.constant 0 : i32
    %dma_start3A_944 = arith.constant 0 : i32
    %dma_start3A_945 = arith.constant 0 : i32
    %dma_start3A_946 = arith.constant 0 : i32
    %dma_start3A_947 = tpu.memref_slice %arg9[%dma_start3A_943, %dma_start3A_945, %dma_start3A_946] : memref<4x16x1024xf32, #tpu.memory_space<vmem>> -> memref<1x16x1024xf32, #tpu.memory_space<vmem>>
    %dma_start3A_948 = tpu.memref_squeeze %dma_start3A_947 : memref<1x16x1024xf32, #tpu.memory_space<vmem>> -> memref<16x1024xf32, #tpu.memory_space<vmem>>
    %dma_start3A_949 = arith.constant 0 : i32
    %dma_start3A_950 = tpu.memref_slice %arg5[%dma_start3A_944, %add3A_942, %dma_start3A_949] : memref<4x2048x1024xf32, #tpu.memory_space<hbm>> -> memref<1x16x1024xf32, #tpu.memory_space<hbm>>
    %dma_start3A_951 = tpu.memref_squeeze %dma_start3A_950 : memref<1x16x1024xf32, #tpu.memory_space<hbm>> -> memref<16x1024xf32, #tpu.memory_space<hbm>>
    %dma_start3A_952 = arith.constant 0 : i32
    %dma_start3A_953 = tpu.memref_slice %arg5[%dma_start3A_944, %add3A_942, %dma_start3A_952] : memref<4x2048x1024xf32, #tpu.memory_space<hbm>> -> memref<1x16x1024xf32, #tpu.memory_space<hbm>>
    %dma_start3A_954 = tpu.memref_squeeze %dma_start3A_953 : memref<1x16x1024xf32, #tpu.memory_space<hbm>> -> memref<16x1024xf32, #tpu.memory_space<hbm>>
    %dma_start3A_955 = arith.constant 0 : i32
    %dma_start3A_956 = arith.constant 0 : i32
    %dma_start3A_957 = tpu.memref_slice %arg9[%dma_start3A_943, %dma_start3A_955, %dma_start3A_956] : memref<4x16x1024xf32, #tpu.memory_space<vmem>> -> memref<1x16x1024xf32, #tpu.memory_space<vmem>>
    %dma_start3A_958 = tpu.memref_squeeze %dma_start3A_957 : memref<1x16x1024xf32, #tpu.memory_space<vmem>> -> memref<16x1024xf32, #tpu.memory_space<vmem>>
    tpu.enqueue_dma source(%dma_start3A_958 : memref<16x1024xf32, #tpu.memory_space<vmem>>) target(%dma_start3A_954 : memref<16x1024xf32, #tpu.memory_space<hbm>>) target_semaphore(%arg11 : memref<!tpu.dma_semaphore, #tpu.memory_space<semaphore_mem>>)
    %dma_wait3A_959 = arith.constant 2 : i32
    %dma_wait3A_960 = arith.constant 2 : i32
    %dma_wait3A_961 = arith.constant 0 : i32
    %dma_wait3A_962 = arith.constant 0 : i32
    %dma_wait3A_963 = tpu.memref_slice %arg9[%dma_wait3A_959, %dma_wait3A_961, %dma_wait3A_962] : memref<4x16x1024xf32, #tpu.memory_space<vmem>> -> memref<1x16x1024xf32, #tpu.memory_space<vmem>>
    %dma_wait3A_964 = tpu.memref_squeeze %dma_wait3A_963 : memref<1x16x1024xf32, #tpu.memory_space<vmem>> -> memref<16x1024xf32, #tpu.memory_space<vmem>>
    %dma_wait3A_965 = arith.constant 0 : i32
    %dma_wait3A_966 = tpu.memref_slice %arg5[%dma_wait3A_960, %add3A_791, %dma_wait3A_965] : memref<4x2048x1024xf32, #tpu.memory_space<hbm>> -> memref<1x16x1024xf32, #tpu.memory_space<hbm>>
    %dma_wait3A_967 = tpu.memref_squeeze %dma_wait3A_966 : memref<1x16x1024xf32, #tpu.memory_space<hbm>> -> memref<16x1024xf32, #tpu.memory_space<hbm>>
    %dma_wait3A_968 = arith.constant 0 : i32
    %dma_wait3A_969 = tpu.memref_slice %arg5[%dma_wait3A_960, %add3A_791, %dma_wait3A_968] : memref<4x2048x1024xf32, #tpu.memory_space<hbm>> -> memref<1x16x1024xf32, #tpu.memory_space<hbm>>
    %dma_wait3A_970 = tpu.memref_squeeze %dma_wait3A_969 : memref<1x16x1024xf32, #tpu.memory_space<hbm>> -> memref<16x1024xf32, #tpu.memory_space<hbm>>
    %dma_wait3A_971 = arith.constant 0 : i32
    %dma_wait3A_972 = arith.constant 0 : i32
    %dma_wait3A_973 = tpu.memref_slice %arg9[%dma_wait3A_959, %dma_wait3A_971, %dma_wait3A_972] : memref<4x16x1024xf32, #tpu.memory_space<vmem>> -> memref<1x16x1024xf32, #tpu.memory_space<vmem>>
    %dma_wait3A_974 = tpu.memref_squeeze %dma_wait3A_973 : memref<1x16x1024xf32, #tpu.memory_space<vmem>> -> memref<16x1024xf32, #tpu.memory_space<vmem>>
    tpu.wait_dma2 semaphore(%arg11 : memref<!tpu.dma_semaphore, #tpu.memory_space<semaphore_mem>>) src(%dma_wait3A_974 : memref<16x1024xf32, #tpu.memory_space<vmem>>) dst(%dma_wait3A_970 : memref<16x1024xf32, #tpu.memory_space<hbm>>)
    %add3A_975 = arith.constant 48 : i32
    %add3A_976 = arith.addi %mul3A_2, %add3A_975 : i32
    %dma_start3A_977 = arith.constant 2 : i32
    %dma_start3A_978 = arith.constant 2 : i32
    %dma_start3A_979 = arith.constant 0 : i32
    %dma_start3A_980 = arith.constant 0 : i32
    %dma_start3A_981 = tpu.memref_slice %arg9[%dma_start3A_978, %dma_start3A_979, %dma_start3A_980] : memref<4x16x1024xf32, #tpu.memory_space<vmem>> -> memref<1x16x1024xf32, #tpu.memory_space<vmem>>
    %dma_start3A_982 = tpu.memref_squeeze %dma_start3A_981 : memref<1x16x1024xf32, #tpu.memory_space<vmem>> -> memref<16x1024xf32, #tpu.memory_space<vmem>>
    %dma_start3A_983 = arith.constant 0 : i32
    %dma_start3A_984 = tpu.memref_slice %arg2[%dma_start3A_977, %add3A_976, %dma_start3A_983] : memref<4x2048x1024xf32, #tpu.memory_space<hbm>> -> memref<1x16x1024xf32, #tpu.memory_space<hbm>>
    %dma_start3A_985 = tpu.memref_squeeze %dma_start3A_984 : memref<1x16x1024xf32, #tpu.memory_space<hbm>> -> memref<16x1024xf32, #tpu.memory_space<hbm>>
    %dma_start3A_986 = arith.constant 0 : i32
    %dma_start3A_987 = arith.constant 0 : i32
    %dma_start3A_988 = tpu.memref_slice %arg9[%dma_start3A_978, %dma_start3A_986, %dma_start3A_987] : memref<4x16x1024xf32, #tpu.memory_space<vmem>> -> memref<1x16x1024xf32, #tpu.memory_space<vmem>>
    %dma_start3A_989 = tpu.memref_squeeze %dma_start3A_988 : memref<1x16x1024xf32, #tpu.memory_space<vmem>> -> memref<16x1024xf32, #tpu.memory_space<vmem>>
    %dma_start3A_990 = arith.constant 0 : i32
    %dma_start3A_991 = tpu.memref_slice %arg2[%dma_start3A_977, %add3A_976, %dma_start3A_990] : memref<4x2048x1024xf32, #tpu.memory_space<hbm>> -> memref<1x16x1024xf32, #tpu.memory_space<hbm>>
    %dma_start3A_992 = tpu.memref_squeeze %dma_start3A_991 : memref<1x16x1024xf32, #tpu.memory_space<hbm>> -> memref<16x1024xf32, #tpu.memory_space<hbm>>
    tpu.enqueue_dma source(%dma_start3A_992 : memref<16x1024xf32, #tpu.memory_space<hbm>>) target(%dma_start3A_989 : memref<16x1024xf32, #tpu.memory_space<vmem>>) target_semaphore(%arg10 : memref<!tpu.dma_semaphore, #tpu.memory_space<semaphore_mem>>)
    %dma_wait3A_993 = arith.constant 1 : i32
    %dma_wait3A_994 = arith.constant 1 : i32
    %dma_wait3A_995 = arith.constant 0 : i32
    %dma_wait3A_996 = arith.constant 0 : i32
    %dma_wait3A_997 = tpu.memref_slice %arg9[%dma_wait3A_994, %dma_wait3A_995, %dma_wait3A_996] : memref<4x16x1024xf32, #tpu.memory_space<vmem>> -> memref<1x16x1024xf32, #tpu.memory_space<vmem>>
    %dma_wait3A_998 = tpu.memref_squeeze %dma_wait3A_997 : memref<1x16x1024xf32, #tpu.memory_space<vmem>> -> memref<16x1024xf32, #tpu.memory_space<vmem>>
    %dma_wait3A_999 = arith.constant 0 : i32
    %dma_wait3A_1000 = tpu.memref_slice %arg2[%dma_wait3A_993, %add3A_898, %dma_wait3A_999] : memref<4x2048x1024xf32, #tpu.memory_space<hbm>> -> memref<1x16x1024xf32, #tpu.memory_space<hbm>>
    %dma_wait3A_1001 = tpu.memref_squeeze %dma_wait3A_1000 : memref<1x16x1024xf32, #tpu.memory_space<hbm>> -> memref<16x1024xf32, #tpu.memory_space<hbm>>
    %dma_wait3A_1002 = arith.constant 0 : i32
    %dma_wait3A_1003 = arith.constant 0 : i32
    %dma_wait3A_1004 = tpu.memref_slice %arg9[%dma_wait3A_994, %dma_wait3A_1002, %dma_wait3A_1003] : memref<4x16x1024xf32, #tpu.memory_space<vmem>> -> memref<1x16x1024xf32, #tpu.memory_space<vmem>>
    %dma_wait3A_1005 = tpu.memref_squeeze %dma_wait3A_1004 : memref<1x16x1024xf32, #tpu.memory_space<vmem>> -> memref<16x1024xf32, #tpu.memory_space<vmem>>
    %dma_wait3A_1006 = arith.constant 0 : i32
    %dma_wait3A_1007 = tpu.memref_slice %arg2[%dma_wait3A_993, %add3A_898, %dma_wait3A_1006] : memref<4x2048x1024xf32, #tpu.memory_space<hbm>> -> memref<1x16x1024xf32, #tpu.memory_space<hbm>>
    %dma_wait3A_1008 = tpu.memref_squeeze %dma_wait3A_1007 : memref<1x16x1024xf32, #tpu.memory_space<hbm>> -> memref<16x1024xf32, #tpu.memory_space<hbm>>
    tpu.wait_dma2 semaphore(%arg10 : memref<!tpu.dma_semaphore, #tpu.memory_space<semaphore_mem>>) src(%dma_wait3A_1008 : memref<16x1024xf32, #tpu.memory_space<hbm>>) dst(%dma_wait3A_1005 : memref<16x1024xf32, #tpu.memory_space<vmem>>)
    %scan3A_1009 = arith.constant 0 : i32
    %scan3A_1010 = arith.constant 16 : i32
    %scan3A_1011 = arith.addi %scan3A_1009, %scan3A_1010 : i32
    %scan3A_1012 = arith.constant 1 : i32
    scf.for %scan3A_1208 = %scan3A_1009 to %scan3A_1011 step %scan3A_1012  : i32 {
      %mul3A_1209 = arith.constant 1 : i32
      %mul3A_1210 = arith.muli %scan3A_1208, %mul3A_1209 : i32
      %add3A_1211 = arith.constant 0 : i32
      %add3A_1212 = arith.addi %add3A_1211, %mul3A_1210 : i32
      %parallel_loop3A = arith.constant 0 : i32
      %parallel_loop3A_1213 = arith.constant 1024 : i32
      %parallel_loop3A_1214 = arith.constant 16 : i32
      scf.for %parallel_loop3A_1215 = %parallel_loop3A to %parallel_loop3A_1213 step %parallel_loop3A_1214  : i32 {
        %parallel_loop3A_1216 = arith.index_cast %add3A_1212 : i32 to index
        %parallel_loop3A_1217 = arith.index_cast %parallel_loop3A_1215 : i32 to index
        %parallel_loop3A_1218 = tpu.vector_load %arg8[%parallel_loop3A_1216, %parallel_loop3A_1217] {strides = array<i32>} : memref<16x1024xf32, #tpu.memory_space<vmem>>, vector<1x16xf32>,
        %parallel_loop3A_1219 = vector.shape_cast %parallel_loop3A_1218 : vector<1x16xf32> to vector<16xf32>
        %parallel_loop3A_1220 = arith.constant 1 : i32
        %parallel_loop3A_1221 = arith.index_cast %parallel_loop3A_1220 : i32 to index
        %parallel_loop3A_1222 = arith.index_cast %add3A_1212 : i32 to index
        %parallel_loop3A_1223 = arith.index_cast %parallel_loop3A_1215 : i32 to index
        %parallel_loop3A_1224 = tpu.vector_load %arg9[%parallel_loop3A_1221, %parallel_loop3A_1222, %parallel_loop3A_1223] {strides = array<i32>} : memref<4x16x1024xf32, #tpu.memory_space<vmem>>, vector<1x1x16xf32>,
        %parallel_loop3A_1225 = vector.shape_cast %parallel_loop3A_1224 : vector<1x1x16xf32> to vector<16xf32>
        %parallel_loop3A_1226 = vector.shape_cast %parallel_loop3A_1219 : vector<16xf32> to vector<1x1x16xf32>
        tpu.vector_store %arg9[%parallel_loop3A_1221, %parallel_loop3A_1222, %parallel_loop3A_1223], %parallel_loop3A_1226 {add = true, strides = array<i32>} : memref<4x16x1024xf32, #tpu.memory_space<vmem>>, vector<1x1x16xf32>,
      } {sc.loop_unroll_factor = 8 : i64, sc.parallel_access}
    }
    %scan3A_1013 = arith.constant 16 : i32
    %add3A_1014 = arith.constant 48 : i32
    %add3A_1015 = arith.addi %mul3A_2, %add3A_1014 : i32
    %dma_start3A_1016 = arith.constant 1 : i32
    %dma_start3A_1017 = arith.constant 1 : i32
    %dma_start3A_1018 = arith.constant 0 : i32
    %dma_start3A_1019 = arith.constant 0 : i32
    %dma_start3A_1020 = tpu.memref_slice %arg9[%dma_start3A_1016, %dma_start3A_1018, %dma_start3A_1019] : memref<4x16x1024xf32, #tpu.memory_space<vmem>> -> memref<1x16x1024xf32, #tpu.memory_space<vmem>>
    %dma_start3A_1021 = tpu.memref_squeeze %dma_start3A_1020 : memref<1x16x1024xf32, #tpu.memory_space<vmem>> -> memref<16x1024xf32, #tpu.memory_space<vmem>>
    %dma_start3A_1022 = arith.constant 0 : i32
    %dma_start3A_1023 = tpu.memref_slice %arg5[%dma_start3A_1017, %add3A_1015, %dma_start3A_1022] : memref<4x2048x1024xf32, #tpu.memory_space<hbm>> -> memref<1x16x1024xf32, #tpu.memory_space<hbm>>
    %dma_start3A_1024 = tpu.memref_squeeze %dma_start3A_1023 : memref<1x16x1024xf32, #tpu.memory_space<hbm>> -> memref<16x1024xf32, #tpu.memory_space<hbm>>
    %dma_start3A_1025 = arith.constant 0 : i32
    %dma_start3A_1026 = tpu.memref_slice %arg5[%dma_start3A_1017, %add3A_1015, %dma_start3A_1025] : memref<4x2048x1024xf32, #tpu.memory_space<hbm>> -> memref<1x16x1024xf32, #tpu.memory_space<hbm>>
    %dma_start3A_1027 = tpu.memref_squeeze %dma_start3A_1026 : memref<1x16x1024xf32, #tpu.memory_space<hbm>> -> memref<16x1024xf32, #tpu.memory_space<hbm>>
    %dma_start3A_1028 = arith.constant 0 : i32
    %dma_start3A_1029 = arith.constant 0 : i32
    %dma_start3A_1030 = tpu.memref_slice %arg9[%dma_start3A_1016, %dma_start3A_1028, %dma_start3A_1029] : memref<4x16x1024xf32, #tpu.memory_space<vmem>> -> memref<1x16x1024xf32, #tpu.memory_space<vmem>>
    %dma_start3A_1031 = tpu.memref_squeeze %dma_start3A_1030 : memref<1x16x1024xf32, #tpu.memory_space<vmem>> -> memref<16x1024xf32, #tpu.memory_space<vmem>>
    tpu.enqueue_dma source(%dma_start3A_1031 : memref<16x1024xf32, #tpu.memory_space<vmem>>) target(%dma_start3A_1027 : memref<16x1024xf32, #tpu.memory_space<hbm>>) target_semaphore(%arg11 : memref<!tpu.dma_semaphore, #tpu.memory_space<semaphore_mem>>)
    %dma_wait3A_1032 = arith.constant 3 : i32
    %dma_wait3A_1033 = arith.constant 3 : i32
    %dma_wait3A_1034 = arith.constant 0 : i32
    %dma_wait3A_1035 = arith.constant 0 : i32
    %dma_wait3A_1036 = tpu.memref_slice %arg9[%dma_wait3A_1032, %dma_wait3A_1034, %dma_wait3A_1035] : memref<4x16x1024xf32, #tpu.memory_space<vmem>> -> memref<1x16x1024xf32, #tpu.memory_space<vmem>>
    %dma_wait3A_1037 = tpu.memref_squeeze %dma_wait3A_1036 : memref<1x16x1024xf32, #tpu.memory_space<vmem>> -> memref<16x1024xf32, #tpu.memory_space<vmem>>
    %dma_wait3A_1038 = arith.constant 0 : i32
    %dma_wait3A_1039 = tpu.memref_slice %arg5[%dma_wait3A_1033, %add3A_864, %dma_wait3A_1038] : memref<4x2048x1024xf32, #tpu.memory_space<hbm>> -> memref<1x16x1024xf32, #tpu.memory_space<hbm>>
    %dma_wait3A_1040 = tpu.memref_squeeze %dma_wait3A_1039 : memref<1x16x1024xf32, #tpu.memory_space<hbm>> -> memref<16x1024xf32, #tpu.memory_space<hbm>>
    %dma_wait3A_1041 = arith.constant 0 : i32
    %dma_wait3A_1042 = tpu.memref_slice %arg5[%dma_wait3A_1033, %add3A_864, %dma_wait3A_1041] : memref<4x2048x1024xf32, #tpu.memory_space<hbm>> -> memref<1x16x1024xf32, #tpu.memory_space<hbm>>
    %dma_wait3A_1043 = tpu.memref_squeeze %dma_wait3A_1042 : memref<1x16x1024xf32, #tpu.memory_space<hbm>> -> memref<16x1024xf32, #tpu.memory_space<hbm>>
    %dma_wait3A_1044 = arith.constant 0 : i32
    %dma_wait3A_1045 = arith.constant 0 : i32
    %dma_wait3A_1046 = tpu.memref_slice %arg9[%dma_wait3A_1032, %dma_wait3A_1044, %dma_wait3A_1045] : memref<4x16x1024xf32, #tpu.memory_space<vmem>> -> memref<1x16x1024xf32, #tpu.memory_space<vmem>>
    %dma_wait3A_1047 = tpu.memref_squeeze %dma_wait3A_1046 : memref<1x16x1024xf32, #tpu.memory_space<vmem>> -> memref<16x1024xf32, #tpu.memory_space<vmem>>
    tpu.wait_dma2 semaphore(%arg11 : memref<!tpu.dma_semaphore, #tpu.memory_space<semaphore_mem>>) src(%dma_wait3A_1047 : memref<16x1024xf32, #tpu.memory_space<vmem>>) dst(%dma_wait3A_1043 : memref<16x1024xf32, #tpu.memory_space<hbm>>)
    %add3A_1048 = arith.constant 48 : i32
    %add3A_1049 = arith.addi %mul3A_2, %add3A_1048 : i32
    %dma_start3A_1050 = arith.constant 3 : i32
    %dma_start3A_1051 = arith.constant 3 : i32
    %dma_start3A_1052 = arith.constant 0 : i32
    %dma_start3A_1053 = arith.constant 0 : i32
    %dma_start3A_1054 = tpu.memref_slice %arg9[%dma_start3A_1051, %dma_start3A_1052, %dma_start3A_1053] : memref<4x16x1024xf32, #tpu.memory_space<vmem>> -> memref<1x16x1024xf32, #tpu.memory_space<vmem>>
    %dma_start3A_1055 = tpu.memref_squeeze %dma_start3A_1054 : memref<1x16x1024xf32, #tpu.memory_space<vmem>> -> memref<16x1024xf32, #tpu.memory_space<vmem>>
    %dma_start3A_1056 = arith.constant 0 : i32
    %dma_start3A_1057 = tpu.memref_slice %arg2[%dma_start3A_1050, %add3A_1049, %dma_start3A_1056] : memref<4x2048x1024xf32, #tpu.memory_space<hbm>> -> memref<1x16x1024xf32, #tpu.memory_space<hbm>>
    %dma_start3A_1058 = tpu.memref_squeeze %dma_start3A_1057 : memref<1x16x1024xf32, #tpu.memory_space<hbm>> -> memref<16x1024xf32, #tpu.memory_space<hbm>>
    %dma_start3A_1059 = arith.constant 0 : i32
    %dma_start3A_1060 = arith.constant 0 : i32
    %dma_start3A_1061 = tpu.memref_slice %arg9[%dma_start3A_1051, %dma_start3A_1059, %dma_start3A_1060] : memref<4x16x1024xf32, #tpu.memory_space<vmem>> -> memref<1x16x1024xf32, #tpu.memory_space<vmem>>
    %dma_start3A_1062 = tpu.memref_squeeze %dma_start3A_1061 : memref<1x16x1024xf32, #tpu.memory_space<vmem>> -> memref<16x1024xf32, #tpu.memory_space<vmem>>
    %dma_start3A_1063 = arith.constant 0 : i32
    %dma_start3A_1064 = tpu.memref_slice %arg2[%dma_start3A_1050, %add3A_1049, %dma_start3A_1063] : memref<4x2048x1024xf32, #tpu.memory_space<hbm>> -> memref<1x16x1024xf32, #tpu.memory_space<hbm>>
    %dma_start3A_1065 = tpu.memref_squeeze %dma_start3A_1064 : memref<1x16x1024xf32, #tpu.memory_space<hbm>> -> memref<16x1024xf32, #tpu.memory_space<hbm>>
    tpu.enqueue_dma source(%dma_start3A_1065 : memref<16x1024xf32, #tpu.memory_space<hbm>>) target(%dma_start3A_1062 : memref<16x1024xf32, #tpu.memory_space<vmem>>) target_semaphore(%arg10 : memref<!tpu.dma_semaphore, #tpu.memory_space<semaphore_mem>>)
    %dma_wait3A_1066 = arith.constant 2 : i32
    %dma_wait3A_1067 = arith.constant 2 : i32
    %dma_wait3A_1068 = arith.constant 0 : i32
    %dma_wait3A_1069 = arith.constant 0 : i32
    %dma_wait3A_1070 = tpu.memref_slice %arg9[%dma_wait3A_1067, %dma_wait3A_1068, %dma_wait3A_1069] : memref<4x16x1024xf32, #tpu.memory_space<vmem>> -> memref<1x16x1024xf32, #tpu.memory_space<vmem>>
    %dma_wait3A_1071 = tpu.memref_squeeze %dma_wait3A_1070 : memref<1x16x1024xf32, #tpu.memory_space<vmem>> -> memref<16x1024xf32, #tpu.memory_space<vmem>>
    %dma_wait3A_1072 = arith.constant 0 : i32
    %dma_wait3A_1073 = tpu.memref_slice %arg2[%dma_wait3A_1066, %add3A_976, %dma_wait3A_1072] : memref<4x2048x1024xf32, #tpu.memory_space<hbm>> -> memref<1x16x1024xf32, #tpu.memory_space<hbm>>
    %dma_wait3A_1074 = tpu.memref_squeeze %dma_wait3A_1073 : memref<1x16x1024xf32, #tpu.memory_space<hbm>> -> memref<16x1024xf32, #tpu.memory_space<hbm>>
    %dma_wait3A_1075 = arith.constant 0 : i32
    %dma_wait3A_1076 = arith.constant 0 : i32
    %dma_wait3A_1077 = tpu.memref_slice %arg9[%dma_wait3A_1067, %dma_wait3A_1075, %dma_wait3A_1076] : memref<4x16x1024xf32, #tpu.memory_space<vmem>> -> memref<1x16x1024xf32, #tpu.memory_space<vmem>>
    %dma_wait3A_1078 = tpu.memref_squeeze %dma_wait3A_1077 : memref<1x16x1024xf32, #tpu.memory_space<vmem>> -> memref<16x1024xf32, #tpu.memory_space<vmem>>
    %dma_wait3A_1079 = arith.constant 0 : i32
    %dma_wait3A_1080 = tpu.memref_slice %arg2[%dma_wait3A_1066, %add3A_976, %dma_wait3A_1079] : memref<4x2048x1024xf32, #tpu.memory_space<hbm>> -> memref<1x16x1024xf32, #tpu.memory_space<hbm>>
    %dma_wait3A_1081 = tpu.memref_squeeze %dma_wait3A_1080 : memref<1x16x1024xf32, #tpu.memory_space<hbm>> -> memref<16x1024xf32, #tpu.memory_space<hbm>>
    tpu.wait_dma2 semaphore(%arg10 : memref<!tpu.dma_semaphore, #tpu.memory_space<semaphore_mem>>) src(%dma_wait3A_1081 : memref<16x1024xf32, #tpu.memory_space<hbm>>) dst(%dma_wait3A_1078 : memref<16x1024xf32, #tpu.memory_space<vmem>>)
    %scan3A_1082 = arith.constant 0 : i32
    %scan3A_1083 = arith.constant 16 : i32
    %scan3A_1084 = arith.addi %scan3A_1082, %scan3A_1083 : i32
    %scan3A_1085 = arith.constant 1 : i32
    scf.for %scan3A_1208 = %scan3A_1082 to %scan3A_1084 step %scan3A_1085  : i32 {
      %mul3A_1209 = arith.constant 1 : i32
      %mul3A_1210 = arith.muli %scan3A_1208, %mul3A_1209 : i32
      %add3A_1211 = arith.constant 0 : i32
      %add3A_1212 = arith.addi %add3A_1211, %mul3A_1210 : i32
      %parallel_loop3A = arith.constant 0 : i32
      %parallel_loop3A_1213 = arith.constant 1024 : i32
      %parallel_loop3A_1214 = arith.constant 16 : i32
      scf.for %parallel_loop3A_1215 = %parallel_loop3A to %parallel_loop3A_1213 step %parallel_loop3A_1214  : i32 {
        %parallel_loop3A_1216 = arith.index_cast %add3A_1212 : i32 to index
        %parallel_loop3A_1217 = arith.index_cast %parallel_loop3A_1215 : i32 to index
        %parallel_loop3A_1218 = tpu.vector_load %arg8[%parallel_loop3A_1216, %parallel_loop3A_1217] {strides = array<i32>} : memref<16x1024xf32, #tpu.memory_space<vmem>>, vector<1x16xf32>,
        %parallel_loop3A_1219 = vector.shape_cast %parallel_loop3A_1218 : vector<1x16xf32> to vector<16xf32>
        %parallel_loop3A_1220 = arith.constant 2 : i32
        %parallel_loop3A_1221 = arith.index_cast %parallel_loop3A_1220 : i32 to index
        %parallel_loop3A_1222 = arith.index_cast %add3A_1212 : i32 to index
        %parallel_loop3A_1223 = arith.index_cast %parallel_loop3A_1215 : i32 to index
        %parallel_loop3A_1224 = tpu.vector_load %arg9[%parallel_loop3A_1221, %parallel_loop3A_1222, %parallel_loop3A_1223] {strides = array<i32>} : memref<4x16x1024xf32, #tpu.memory_space<vmem>>, vector<1x1x16xf32>,
        %parallel_loop3A_1225 = vector.shape_cast %parallel_loop3A_1224 : vector<1x1x16xf32> to vector<16xf32>
        %parallel_loop3A_1226 = vector.shape_cast %parallel_loop3A_1219 : vector<16xf32> to vector<1x1x16xf32>
        tpu.vector_store %arg9[%parallel_loop3A_1221, %parallel_loop3A_1222, %parallel_loop3A_1223], %parallel_loop3A_1226 {add = true, strides = array<i32>} : memref<4x16x1024xf32, #tpu.memory_space<vmem>>, vector<1x1x16xf32>,
      } {sc.loop_unroll_factor = 8 : i64, sc.parallel_access}
    }
    %scan3A_1086 = arith.constant 16 : i32
    %add3A_1087 = arith.constant 48 : i32
    %add3A_1088 = arith.addi %mul3A_2, %add3A_1087 : i32
    %dma_start3A_1089 = arith.constant 2 : i32
    %dma_start3A_1090 = arith.constant 2 : i32
    %dma_start3A_1091 = arith.constant 0 : i32
    %dma_start3A_1092 = arith.constant 0 : i32
    %dma_start3A_1093 = tpu.memref_slice %arg9[%dma_start3A_1089, %dma_start3A_1091, %dma_start3A_1092] : memref<4x16x1024xf32, #tpu.memory_space<vmem>> -> memref<1x16x1024xf32, #tpu.memory_space<vmem>>
    %dma_start3A_1094 = tpu.memref_squeeze %dma_start3A_1093 : memref<1x16x1024xf32, #tpu.memory_space<vmem>> -> memref<16x1024xf32, #tpu.memory_space<vmem>>
    %dma_start3A_1095 = arith.constant 0 : i32
    %dma_start3A_1096 = tpu.memref_slice %arg5[%dma_start3A_1090, %add3A_1088, %dma_start3A_1095] : memref<4x2048x1024xf32, #tpu.memory_space<hbm>> -> memref<1x16x1024xf32, #tpu.memory_space<hbm>>
    %dma_start3A_1097 = tpu.memref_squeeze %dma_start3A_1096 : memref<1x16x1024xf32, #tpu.memory_space<hbm>> -> memref<16x1024xf32, #tpu.memory_space<hbm>>
    %dma_start3A_1098 = arith.constant 0 : i32
    %dma_start3A_1099 = tpu.memref_slice %arg5[%dma_start3A_1090, %add3A_1088, %dma_start3A_1098] : memref<4x2048x1024xf32, #tpu.memory_space<hbm>> -> memref<1x16x1024xf32, #tpu.memory_space<hbm>>
    %dma_start3A_1100 = tpu.memref_squeeze %dma_start3A_1099 : memref<1x16x1024xf32, #tpu.memory_space<hbm>> -> memref<16x1024xf32, #tpu.memory_space<hbm>>
    %dma_start3A_1101 = arith.constant 0 : i32
    %dma_start3A_1102 = arith.constant 0 : i32
    %dma_start3A_1103 = tpu.memref_slice %arg9[%dma_start3A_1089, %dma_start3A_1101, %dma_start3A_1102] : memref<4x16x1024xf32, #tpu.memory_space<vmem>> -> memref<1x16x1024xf32, #tpu.memory_space<vmem>>
    %dma_start3A_1104 = tpu.memref_squeeze %dma_start3A_1103 : memref<1x16x1024xf32, #tpu.memory_space<vmem>> -> memref<16x1024xf32, #tpu.memory_space<vmem>>
    tpu.enqueue_dma source(%dma_start3A_1104 : memref<16x1024xf32, #tpu.memory_space<vmem>>) target(%dma_start3A_1100 : memref<16x1024xf32, #tpu.memory_space<hbm>>) target_semaphore(%arg11 : memref<!tpu.dma_semaphore, #tpu.memory_space<semaphore_mem>>)
    %dma_wait3A_1105 = arith.constant 3 : i32
    %dma_wait3A_1106 = arith.constant 3 : i32
    %dma_wait3A_1107 = arith.constant 0 : i32
    %dma_wait3A_1108 = arith.constant 0 : i32
    %dma_wait3A_1109 = tpu.memref_slice %arg9[%dma_wait3A_1106, %dma_wait3A_1107, %dma_wait3A_1108] : memref<4x16x1024xf32, #tpu.memory_space<vmem>> -> memref<1x16x1024xf32, #tpu.memory_space<vmem>>
    %dma_wait3A_1110 = tpu.memref_squeeze %dma_wait3A_1109 : memref<1x16x1024xf32, #tpu.memory_space<vmem>> -> memref<16x1024xf32, #tpu.memory_space<vmem>>
    %dma_wait3A_1111 = arith.constant 0 : i32
    %dma_wait3A_1112 = tpu.memref_slice %arg2[%dma_wait3A_1105, %add3A_1049, %dma_wait3A_1111] : memref<4x2048x1024xf32, #tpu.memory_space<hbm>> -> memref<1x16x1024xf32, #tpu.memory_space<hbm>>
    %dma_wait3A_1113 = tpu.memref_squeeze %dma_wait3A_1112 : memref<1x16x1024xf32, #tpu.memory_space<hbm>> -> memref<16x1024xf32, #tpu.memory_space<hbm>>
    %dma_wait3A_1114 = arith.constant 0 : i32
    %dma_wait3A_1115 = arith.constant 0 : i32
    %dma_wait3A_1116 = tpu.memref_slice %arg9[%dma_wait3A_1106, %dma_wait3A_1114, %dma_wait3A_1115] : memref<4x16x1024xf32, #tpu.memory_space<vmem>> -> memref<1x16x1024xf32, #tpu.memory_space<vmem>>
    %dma_wait3A_1117 = tpu.memref_squeeze %dma_wait3A_1116 : memref<1x16x1024xf32, #tpu.memory_space<vmem>> -> memref<16x1024xf32, #tpu.memory_space<vmem>>
    %dma_wait3A_1118 = arith.constant 0 : i32
    %dma_wait3A_1119 = tpu.memref_slice %arg2[%dma_wait3A_1105, %add3A_1049, %dma_wait3A_1118] : memref<4x2048x1024xf32, #tpu.memory_space<hbm>> -> memref<1x16x1024xf32, #tpu.memory_space<hbm>>
    %dma_wait3A_1120 = tpu.memref_squeeze %dma_wait3A_1119 : memref<1x16x1024xf32, #tpu.memory_space<hbm>> -> memref<16x1024xf32, #tpu.memory_space<hbm>>
    tpu.wait_dma2 semaphore(%arg10 : memref<!tpu.dma_semaphore, #tpu.memory_space<semaphore_mem>>) src(%dma_wait3A_1120 : memref<16x1024xf32, #tpu.memory_space<hbm>>) dst(%dma_wait3A_1117 : memref<16x1024xf32, #tpu.memory_space<vmem>>)
    %scan3A_1121 = arith.constant 0 : i32
    %scan3A_1122 = arith.constant 16 : i32
    %scan3A_1123 = arith.addi %scan3A_1121, %scan3A_1122 : i32
    %scan3A_1124 = arith.constant 1 : i32
    scf.for %scan3A_1208 = %scan3A_1121 to %scan3A_1123 step %scan3A_1124  : i32 {
      %mul3A_1209 = arith.constant 1 : i32
      %mul3A_1210 = arith.muli %scan3A_1208, %mul3A_1209 : i32
      %add3A_1211 = arith.constant 0 : i32
      %add3A_1212 = arith.addi %add3A_1211, %mul3A_1210 : i32
      %parallel_loop3A = arith.constant 0 : i32
      %parallel_loop3A_1213 = arith.constant 1024 : i32
      %parallel_loop3A_1214 = arith.constant 16 : i32
      scf.for %parallel_loop3A_1215 = %parallel_loop3A to %parallel_loop3A_1213 step %parallel_loop3A_1214  : i32 {
        %parallel_loop3A_1216 = arith.index_cast %add3A_1212 : i32 to index
        %parallel_loop3A_1217 = arith.index_cast %parallel_loop3A_1215 : i32 to index
        %parallel_loop3A_1218 = tpu.vector_load %arg8[%parallel_loop3A_1216, %parallel_loop3A_1217] {strides = array<i32>} : memref<16x1024xf32, #tpu.memory_space<vmem>>, vector<1x16xf32>,
        %parallel_loop3A_1219 = vector.shape_cast %parallel_loop3A_1218 : vector<1x16xf32> to vector<16xf32>
        %parallel_loop3A_1220 = arith.constant 3 : i32
        %parallel_loop3A_1221 = arith.index_cast %parallel_loop3A_1220 : i32 to index
        %parallel_loop3A_1222 = arith.index_cast %add3A_1212 : i32 to index
        %parallel_loop3A_1223 = arith.index_cast %parallel_loop3A_1215 : i32 to index
        %parallel_loop3A_1224 = tpu.vector_load %arg9[%parallel_loop3A_1221, %parallel_loop3A_1222, %parallel_loop3A_1223] {strides = array<i32>} : memref<4x16x1024xf32, #tpu.memory_space<vmem>>, vector<1x1x16xf32>,
        %parallel_loop3A_1225 = vector.shape_cast %parallel_loop3A_1224 : vector<1x1x16xf32> to vector<16xf32>
        %parallel_loop3A_1226 = vector.shape_cast %parallel_loop3A_1219 : vector<16xf32> to vector<1x1x16xf32>
        tpu.vector_store %arg9[%parallel_loop3A_1221, %parallel_loop3A_1222, %parallel_loop3A_1223], %parallel_loop3A_1226 {add = true, strides = array<i32>} : memref<4x16x1024xf32, #tpu.memory_space<vmem>>, vector<1x1x16xf32>,
      } {sc.loop_unroll_factor = 8 : i64, sc.parallel_access}
    }
    %scan3A_1125 = arith.constant 16 : i32
    %add3A_1126 = arith.constant 48 : i32
    %add3A_1127 = arith.addi %mul3A_2, %add3A_1126 : i32
    %dma_start3A_1128 = arith.constant 3 : i32
    %dma_start3A_1129 = arith.constant 3 : i32
    %dma_start3A_1130 = arith.constant 0 : i32
    %dma_start3A_1131 = arith.constant 0 : i32
    %dma_start3A_1132 = tpu.memref_slice %arg9[%dma_start3A_1128, %dma_start3A_1130, %dma_start3A_1131] : memref<4x16x1024xf32, #tpu.memory_space<vmem>> -> memref<1x16x1024xf32, #tpu.memory_space<vmem>>
    %dma_start3A_1133 = tpu.memref_squeeze %dma_start3A_1132 : memref<1x16x1024xf32, #tpu.memory_space<vmem>> -> memref<16x1024xf32, #tpu.memory_space<vmem>>
    %dma_start3A_1134 = arith.constant 0 : i32
    %dma_start3A_1135 = tpu.memref_slice %arg5[%dma_start3A_1129, %add3A_1127, %dma_start3A_1134] : memref<4x2048x1024xf32, #tpu.memory_space<hbm>> -> memref<1x16x1024xf32, #tpu.memory_space<hbm>>
    %dma_start3A_1136 = tpu.memref_squeeze %dma_start3A_1135 : memref<1x16x1024xf32, #tpu.memory_space<hbm>> -> memref<16x1024xf32, #tpu.memory_space<hbm>>
    %dma_start3A_1137 = arith.constant 0 : i32
    %dma_start3A_1138 = tpu.memref_slice %arg5[%dma_start3A_1129, %add3A_1127, %dma_start3A_1137] : memref<4x2048x1024xf32, #tpu.memory_space<hbm>> -> memref<1x16x1024xf32, #tpu.memory_space<hbm>>
    %dma_start3A_1139 = tpu.memref_squeeze %dma_start3A_1138 : memref<1x16x1024xf32, #tpu.memory_space<hbm>> -> memref<16x1024xf32, #tpu.memory_space<hbm>>
    %dma_start3A_1140 = arith.constant 0 : i32
    %dma_start3A_1141 = arith.constant 0 : i32
    %dma_start3A_1142 = tpu.memref_slice %arg9[%dma_start3A_1128, %dma_start3A_1140, %dma_start3A_1141] : memref<4x16x1024xf32, #tpu.memory_space<vmem>> -> memref<1x16x1024xf32, #tpu.memory_space<vmem>>
    %dma_start3A_1143 = tpu.memref_squeeze %dma_start3A_1142 : memref<1x16x1024xf32, #tpu.memory_space<vmem>> -> memref<16x1024xf32, #tpu.memory_space<vmem>>
    tpu.enqueue_dma source(%dma_start3A_1143 : memref<16x1024xf32, #tpu.memory_space<vmem>>) target(%dma_start3A_1139 : memref<16x1024xf32, #tpu.memory_space<hbm>>) target_semaphore(%arg11 : memref<!tpu.dma_semaphore, #tpu.memory_space<semaphore_mem>>)
    %dma_wait3A_1144 = arith.constant 0 : i32
    %dma_wait3A_1145 = arith.constant 0 : i32
    %dma_wait3A_1146 = arith.constant 0 : i32
    %dma_wait3A_1147 = arith.constant 0 : i32
    %dma_wait3A_1148 = tpu.memref_slice %arg9[%dma_wait3A_1144, %dma_wait3A_1146, %dma_wait3A_1147] : memref<4x16x1024xf32, #tpu.memory_space<vmem>> -> memref<1x16x1024xf32, #tpu.memory_space<vmem>>
    %dma_wait3A_1149 = tpu.memref_squeeze %dma_wait3A_1148 : memref<1x16x1024xf32, #tpu.memory_space<vmem>> -> memref<16x1024xf32, #tpu.memory_space<vmem>>
    %dma_wait3A_1150 = arith.constant 0 : i32
    %dma_wait3A_1151 = tpu.memref_slice %arg5[%dma_wait3A_1145, %add3A_942, %dma_wait3A_1150] : memref<4x2048x1024xf32, #tpu.memory_space<hbm>> -> memref<1x16x1024xf32, #tpu.memory_space<hbm>>
    %dma_wait3A_1152 = tpu.memref_squeeze %dma_wait3A_1151 : memref<1x16x1024xf32, #tpu.memory_space<hbm>> -> memref<16x1024xf32, #tpu.memory_space<hbm>>
    %dma_wait3A_1153 = arith.constant 0 : i32
    %dma_wait3A_1154 = tpu.memref_slice %arg5[%dma_wait3A_1145, %add3A_942, %dma_wait3A_1153] : memref<4x2048x1024xf32, #tpu.memory_space<hbm>> -> memref<1x16x1024xf32, #tpu.memory_space<hbm>>
    %dma_wait3A_1155 = tpu.memref_squeeze %dma_wait3A_1154 : memref<1x16x1024xf32, #tpu.memory_space<hbm>> -> memref<16x1024xf32, #tpu.memory_space<hbm>>
    %dma_wait3A_1156 = arith.constant 0 : i32
    %dma_wait3A_1157 = arith.constant 0 : i32
    %dma_wait3A_1158 = tpu.memref_slice %arg9[%dma_wait3A_1144, %dma_wait3A_1156, %dma_wait3A_1157] : memref<4x16x1024xf32, #tpu.memory_space<vmem>> -> memref<1x16x1024xf32, #tpu.memory_space<vmem>>
    %dma_wait3A_1159 = tpu.memref_squeeze %dma_wait3A_1158 : memref<1x16x1024xf32, #tpu.memory_space<vmem>> -> memref<16x1024xf32, #tpu.memory_space<vmem>>
    tpu.wait_dma2 semaphore(%arg11 : memref<!tpu.dma_semaphore, #tpu.memory_space<semaphore_mem>>) src(%dma_wait3A_1159 : memref<16x1024xf32, #tpu.memory_space<vmem>>) dst(%dma_wait3A_1155 : memref<16x1024xf32, #tpu.memory_space<hbm>>)
    %dma_wait3A_1160 = arith.constant 1 : i32
    %dma_wait3A_1161 = arith.constant 1 : i32
    %dma_wait3A_1162 = arith.constant 0 : i32
    %dma_wait3A_1163 = arith.constant 0 : i32
    %dma_wait3A_1164 = tpu.memref_slice %arg9[%dma_wait3A_1160, %dma_wait3A_1162, %dma_wait3A_1163] : memref<4x16x1024xf32, #tpu.memory_space<vmem>> -> memref<1x16x1024xf32, #tpu.memory_space<vmem>>
    %dma_wait3A_1165 = tpu.memref_squeeze %dma_wait3A_1164 : memref<1x16x1024xf32, #tpu.memory_space<vmem>> -> memref<16x1024xf32, #tpu.memory_space<vmem>>
    %dma_wait3A_1166 = arith.constant 0 : i32
    %dma_wait3A_1167 = tpu.memref_slice %arg5[%dma_wait3A_1161, %add3A_1015, %dma_wait3A_1166] : memref<4x2048x1024xf32, #tpu.memory_space<hbm>> -> memref<1x16x1024xf32, #tpu.memory_space<hbm>>
    %dma_wait3A_1168 = tpu.memref_squeeze %dma_wait3A_1167 : memref<1x16x1024xf32, #tpu.memory_space<hbm>> -> memref<16x1024xf32, #tpu.memory_space<hbm>>
    %dma_wait3A_1169 = arith.constant 0 : i32
    %dma_wait3A_1170 = tpu.memref_slice %arg5[%dma_wait3A_1161, %add3A_1015, %dma_wait3A_1169] : memref<4x2048x1024xf32, #tpu.memory_space<hbm>> -> memref<1x16x1024xf32, #tpu.memory_space<hbm>>
    %dma_wait3A_1171 = tpu.memref_squeeze %dma_wait3A_1170 : memref<1x16x1024xf32, #tpu.memory_space<hbm>> -> memref<16x1024xf32, #tpu.memory_space<hbm>>
    %dma_wait3A_1172 = arith.constant 0 : i32
    %dma_wait3A_1173 = arith.constant 0 : i32
    %dma_wait3A_1174 = tpu.memref_slice %arg9[%dma_wait3A_1160, %dma_wait3A_1172, %dma_wait3A_1173] : memref<4x16x1024xf32, #tpu.memory_space<vmem>> -> memref<1x16x1024xf32, #tpu.memory_space<vmem>>
    %dma_wait3A_1175 = tpu.memref_squeeze %dma_wait3A_1174 : memref<1x16x1024xf32, #tpu.memory_space<vmem>> -> memref<16x1024xf32, #tpu.memory_space<vmem>>
    tpu.wait_dma2 semaphore(%arg11 : memref<!tpu.dma_semaphore, #tpu.memory_space<semaphore_mem>>) src(%dma_wait3A_1175 : memref<16x1024xf32, #tpu.memory_space<vmem>>) dst(%dma_wait3A_1171 : memref<16x1024xf32, #tpu.memory_space<hbm>>)
    %dma_wait3A_1176 = arith.constant 2 : i32
    %dma_wait3A_1177 = arith.constant 2 : i32
    %dma_wait3A_1178 = arith.constant 0 : i32
    %dma_wait3A_1179 = arith.constant 0 : i32
    %dma_wait3A_1180 = tpu.memref_slice %arg9[%dma_wait3A_1176, %dma_wait3A_1178, %dma_wait3A_1179] : memref<4x16x1024xf32, #tpu.memory_space<vmem>> -> memref<1x16x1024xf32, #tpu.memory_space<vmem>>
    %dma_wait3A_1181 = tpu.memref_squeeze %dma_wait3A_1180 : memref<1x16x1024xf32, #tpu.memory_space<vmem>> -> memref<16x1024xf32, #tpu.memory_space<vmem>>
    %dma_wait3A_1182 = arith.constant 0 : i32
    %dma_wait3A_1183 = tpu.memref_slice %arg5[%dma_wait3A_1177, %add3A_1088, %dma_wait3A_1182] : memref<4x2048x1024xf32, #tpu.memory_space<hbm>> -> memref<1x16x1024xf32, #tpu.memory_space<hbm>>
    %dma_wait3A_1184 = tpu.memref_squeeze %dma_wait3A_1183 : memref<1x16x1024xf32, #tpu.memory_space<hbm>> -> memref<16x1024xf32, #tpu.memory_space<hbm>>
    %dma_wait3A_1185 = arith.constant 0 : i32
    %dma_wait3A_1186 = tpu.memref_slice %arg5[%dma_wait3A_1177, %add3A_1088, %dma_wait3A_1185] : memref<4x2048x1024xf32, #tpu.memory_space<hbm>> -> memref<1x16x1024xf32, #tpu.memory_space<hbm>>
    %dma_wait3A_1187 = tpu.memref_squeeze %dma_wait3A_1186 : memref<1x16x1024xf32, #tpu.memory_space<hbm>> -> memref<16x1024xf32, #tpu.memory_space<hbm>>
    %dma_wait3A_1188 = arith.constant 0 : i32
    %dma_wait3A_1189 = arith.constant 0 : i32
    %dma_wait3A_1190 = tpu.memref_slice %arg9[%dma_wait3A_1176, %dma_wait3A_1188, %dma_wait3A_1189] : memref<4x16x1024xf32, #tpu.memory_space<vmem>> -> memref<1x16x1024xf32, #tpu.memory_space<vmem>>
    %dma_wait3A_1191 = tpu.memref_squeeze %dma_wait3A_1190 : memref<1x16x1024xf32, #tpu.memory_space<vmem>> -> memref<16x1024xf32, #tpu.memory_space<vmem>>
    tpu.wait_dma2 semaphore(%arg11 : memref<!tpu.dma_semaphore, #tpu.memory_space<semaphore_mem>>) src(%dma_wait3A_1191 : memref<16x1024xf32, #tpu.memory_space<vmem>>) dst(%dma_wait3A_1187 : memref<16x1024xf32, #tpu.memory_space<hbm>>)
    %dma_wait3A_1192 = arith.constant 3 : i32
    %dma_wait3A_1193 = arith.constant 3 : i32
    %dma_wait3A_1194 = arith.constant 0 : i32
    %dma_wait3A_1195 = arith.constant 0 : i32
    %dma_wait3A_1196 = tpu.memref_slice %arg9[%dma_wait3A_1192, %dma_wait3A_1194, %dma_wait3A_1195] : memref<4x16x1024xf32, #tpu.memory_space<vmem>> -> memref<1x16x1024xf32, #tpu.memory_space<vmem>>
    %dma_wait3A_1197 = tpu.memref_squeeze %dma_wait3A_1196 : memref<1x16x1024xf32, #tpu.memory_space<vmem>> -> memref<16x1024xf32, #tpu.memory_space<vmem>>
    %dma_wait3A_1198 = arith.constant 0 : i32
    %dma_wait3A_1199 = tpu.memref_slice %arg5[%dma_wait3A_1193, %add3A_1127, %dma_wait3A_1198] : memref<4x2048x1024xf32, #tpu.memory_space<hbm>> -> memref<1x16x1024xf32, #tpu.memory_space<hbm>>
    %dma_wait3A_1200 = tpu.memref_squeeze %dma_wait3A_1199 : memref<1x16x1024xf32, #tpu.memory_space<hbm>> -> memref<16x1024xf32, #tpu.memory_space<hbm>>
    %dma_wait3A_1201 = arith.constant 0 : i32
    %dma_wait3A_1202 = tpu.memref_slice %arg5[%dma_wait3A_1193, %add3A_1127, %dma_wait3A_1201] : memref<4x2048x1024xf32, #tpu.memory_space<hbm>> -> memref<1x16x1024xf32, #tpu.memory_space<hbm>>
    %dma_wait3A_1203 = tpu.memref_squeeze %dma_wait3A_1202 : memref<1x16x1024xf32, #tpu.memory_space<hbm>> -> memref<16x1024xf32, #tpu.memory_space<hbm>>
    %dma_wait3A_1204 = arith.constant 0 : i32
    %dma_wait3A_1205 = arith.constant 0 : i32
    %dma_wait3A_1206 = tpu.memref_slice %arg9[%dma_wait3A_1192, %dma_wait3A_1204, %dma_wait3A_1205] : memref<4x16x1024xf32, #tpu.memory_space<vmem>> -> memref<1x16x1024xf32, #tpu.memory_space<vmem>>
    %dma_wait3A_1207 = tpu.memref_squeeze %dma_wait3A_1206 : memref<1x16x1024xf32, #tpu.memory_space<vmem>> -> memref<16x1024xf32, #tpu.memory_space<vmem>>
    tpu.wait_dma2 semaphore(%arg11 : memref<!tpu.dma_semaphore, #tpu.memory_space<semaphore_mem>>) src(%dma_wait3A_1207 : memref<16x1024xf32, #tpu.memory_space<vmem>>) dst(%dma_wait3A_1203 : memref<16x1024xf32, #tpu.memory_space<hbm>>)
    return
  }
}

</mosaic_0001>

<sc_bundles>
// kernel: kernel.3.cloned.1.call-start
scs
__scs_entry_jumppad:
0x0: {  	(pc) =	sbr.rel $0x88, $3  }
0x1: {  	(tag) =	ssettag $0x0;
	lr =	simm.s32 $0x1  }
0x2: {  	[smem:$0x3F9E] =	sst lr;
	_ =	strace $0xD0000000  }
0x3: {  	_ = 	snop  }
0x4: {  	_ = 	snop  }
0x5: {  	_ = 	snop  }
0x6: {  	_ = 	snop  }
0x7: {  	_ = 	snop  }
__scs_overlays_trampoline_lowered:
0x8: {  	[smem:$0x3FAD] =	sst s0  }
0x9: {  	[smem:$0x3FAE] =	sst s1  }
0xa: {  	[smem:$0x3FAF] =	sst s2  }
0xb: {  	[smem:$0x3FB0] =	sst s3  }
0xc: {  	[smem:$0x3FB1] =	sst s4  }
0xd: {  	[smem:$0x3FB2] =	sst s5  }
0xe: {  	[smem:$0x3FB3] =	sst s6  }
0xf: {  	[smem:$0x3FB4] =	sst s7  }
0x10: {  	[smem:$0x3FB5] =	sst s8  }
0x11: {  	[smem:$0x3FB6] =	sst s9;
	s0 =	simm.s32 @!p0 $0x0  }
0x12: {  	s1 =	sld [smem:$0x3F9C];
	s0 =	simm.s32 @p0 $0x1  }
0x13: {  	[smem:$0x3FB7] =	sst s0;
	s0 =	simm.s32 @!p1 $0x0  }
0x14: {  	s2 =	sld [smem:$0x3F9B];
	s0 =	simm.s32 @p1 $0x1  }
0x15: {  	[smem:$0x3FB8] =	sst s0;
	s0 =	simm.s32 @!p2 $0x0  }
0x16: {  	s3 =	sld [smem:$0x3FDB];
	s0 =	simm.s32 @p2 $0x1  }
0x17: {  	s4 =	simm.s32 $0x1BF5;
	[smem:$0x3FBA] =	sst s0  }
0x18: {  	s0 =	sld [smem:$0x3F9D];
	_ =	swait.ge [sflag:s4], $0x0  }
0x19: {  	s7 =	sld [smem:$0x3F9E]  }
0x1a: {  	s8 =	sadd.s32 $0xFFFFE003, lr  }
0x1b: {  	s9 =	sadd.s32 $0xFFFFFEF7, lr;
	s5 =	simm.s32 $0xFFFFFFFF;
	p2 =	slt.u32 s8, $0xFFFFF086  }
0x1c: {  	p1 =	slt.u32 s9, $0xF7A;
	s5 =	simm.s32 @!p2 $0x0  }
0x1d: {  	s5 =	simm.s32 @p1 $0x1;
	p0 =	seq.s32 s7, s2  }
0x1e: {  	s7 =	smul.u32 @!p0 $0xF7A, s2;
	p2 =	seq.s32 @!p0 s5, $0x0  }
0x1f: {  	s9 =	smul.u32 $0xF7A, s1;
	s8 =	simm.s32 @!p0 $0x1BF5;
	p2 =	por !p2, p0  }
0x20: {  	[sflag:s8] =	ssyncset.s32 @!p0 $0xFFFFF086;
	s6 =	sadd.s32 @!p0 s3, s7;
	s7 =	simm.s32 @!p0 $0x108  }
0x21: {  	s3 =	sadd.s32 s3, s9;
	s6 =	sadd.s32 @!p0 $0x88, s6;
	s7 =	simm.s32 @p2 $0x1082  }
0x22: {  	[simem:s7], [sflag:s8] =	dma.local @!p0 [hbm:s6], $0xF7A  }
0x23: {  	s9 =	sor.u32 $0xD0000000, s2;
	s6 =	simm.s32 $0x108;
	_ =	swait.ge @!p0 [sflag:s8], $0x0  }
0x24: {  	s3 =	sadd.s32 $0x88, s3;
	s6 =	simm.s32 @!p1 $0x1082;
	[sflag:s4] =	ssyncset.s32 $0xFFFFF086  }
0x25: {  	[simem:s6], [sflag:s4] =	dma.local [hbm:s3], $0xF7A  }
0x26: {  	[smem:$0x3F9E] =	sst s1;
	(tag) =	ssettag s2;
	_ =	strace s9  }
0x27: {  	s1 =	sld [smem:$0x3FAE]  }
0x28: {  	s2 =	sld [smem:$0x3FAF]  }
0x29: {  	s4 =	sld [smem:$0x3FB1]  }
0x2a: {  	p0 =	seq.s32 s5, $0x0;
	s5 =	sld [smem:$0x3FB2]  }
0x2b: {  	s6 =	sld [smem:$0x3FB3]  }
0x2c: {  	s7 =	sld [smem:$0x3FB4]  }
0x2d: {  	s3 =	simm.s32 $0x108;
	s8 =	sld [smem:$0x3FB5]  }
0x2e: {  	s3 =	simm.s32 @!p0 $0x1082;
	s9 =	sld [smem:$0x3FB6]  }
0x2f: {  	lr =	sadd.s32 s0, s3;
	s0 =	sld [smem:$0x3FAD]  }
0x30: {  	s3 =	sld [smem:$0x3FB0]  }
0x31: {  	[smem:$0x3FB9] =	sst s10  }
0x32: {  	s10 =	sld [smem:$0x3FB7];
	_ =	sdelay $0x3  }
0x33: {  	p0 =	seq.s32 s10, $0x1;
	s10 =	sld [smem:$0x3FB9];
	_ =	sdelay $0x3  }
0x34: {  	[smem:$0x3FB9] =	sst s10  }
0x35: {  	s10 =	sld [smem:$0x3FB8];
	_ =	sdelay $0x3  }
0x36: {  	p1 =	seq.s32 s10, $0x1;
	s10 =	sld [smem:$0x3FB9];
	_ =	sdelay $0x3  }
0x37: {  	[smem:$0x3FB9] =	sst s10  }
0x38: {  	s10 =	sld [smem:$0x3FBA]  }
0x39: {  	_ = 	snop;
	(pc) =	sbr.ind lr, $3  }
0x3a: {  	_ = 	snop  }
0x3b: {  	_ = 	snop  }
0x3c: {  	p2 =	seq.s32 s10, $0x1;
	s10 =	sld [smem:$0x3FB9]  }
0x3d: {  	_ =	shalt  }
0x3e: {  	_ =	shalt  }
0x3f: {  	_ =	shalt  }
0x40: {  	_ =	shalt  }
0x41: {  	_ =	shalt  }
0x42: {  	_ =	shalt  }
0x43: {  	_ =	shalt  }
0x44: {  	_ =	shalt  }
0x45: {  	_ =	shalt  }
0x46: {  	_ =	shalt  }
0x47: {  	_ =	shalt  }
0x48: {  	_ =	shalt  }
0x49: {  	_ =	shalt  }
0x4a: {  	_ =	shalt  }
0x4b: {  	_ =	shalt  }
0x4c: {  	_ =	shalt  }
0x4d: {  	_ =	shalt  }
0x4e: {  	_ =	shalt  }
0x4f: {  	_ =	shalt  }
0x50: {  	_ =	shalt  }
0x51: {  	_ =	shalt  }
0x52: {  	_ =	shalt  }
0x53: {  	_ =	shalt  }
0x54: {  	_ =	shalt  }
0x55: {  	_ =	shalt  }
0x56: {  	_ =	shalt  }
0x57: {  	_ =	shalt  }
0x58: {  	_ =	shalt  }
0x59: {  	_ =	shalt  }
0x5a: {  	_ =	shalt  }
0x5b: {  	_ =	shalt  }
0x5c: {  	_ =	shalt  }
0x5d: {  	_ =	shalt  }
0x5e: {  	_ =	shalt  }
0x5f: {  	_ =	shalt  }
0x60: {  	_ =	shalt  }
0x61: {  	_ =	shalt  }
0x62: {  	_ =	shalt  }
0x63: {  	_ =	shalt  }
0x64: {  	_ =	shalt  }
0x65: {  	_ =	shalt  }
0x66: {  	_ =	shalt  }
0x67: {  	_ =	shalt  }
0x68: {  	_ =	shalt  }
0x69: {  	_ =	shalt  }
0x6a: {  	_ =	shalt  }
0x6b: {  	_ =	shalt  }
0x6c: {  	_ =	shalt  }
0x6d: {  	_ =	shalt  }
0x6e: {  	_ =	shalt  }
0x6f: {  	_ =	shalt  }
0x70: {  	_ =	shalt  }
0x71: {  	_ =	shalt  }
0x72: {  	_ =	shalt  }
0x73: {  	_ =	shalt  }
0x74: {  	_ =	shalt  }
0x75: {  	_ =	shalt  }
0x76: {  	_ =	shalt  }
0x77: {  	_ =	shalt  }
0x78: {  	_ =	shalt  }
0x79: {  	_ =	shalt  }
0x7a: {  	_ =	shalt  }
0x7b: {  	_ =	shalt  }
0x7c: {  	_ =	shalt  }
0x7d: {  	_ =	shalt  }
0x7e: {  	_ =	shalt  }
0x7f: {  	_ =	shalt  }
0x80: {  	_ =	shalt  }
0x81: {  	_ =	shalt  }
0x82: {  	_ =	shalt  }
0x83: {  	_ =	shalt  }
0x84: {  	_ =	shalt  }
0x85: {  	_ =	shalt  }
0x86: {  	_ =	shalt  }
0x87: {  	_ =	shalt  }
.Lfunc_end0:
.L_simem_size_0:
called_computation_lowered:
.L_overlay_start_0:
0x88: {  	s2 =	sld [smem:$0x3FD9]  }
0x89: {  	s3 =	sld [smem:$0x3FFE];
	_ =	sdelay $0x1  }
0x8a: {  	s1 =	srdreg.scid  }
0x8b: {  	s0 =	sand.u32 $0x1, s1  }
0x8c: {  	s18 =	sshll.u32 s0, $0xA;
	s2 =	sadd.s32 s3, s2  }
0x8d: {  	s2 =	sadd.s32 s2, s18  }
0x8e: {  	[smem:$0x3FC5] =	sst s2  }
0x8f: {  	_ = 	snop  }
0x90: {  	s2 =	sld [smem:$0x3FC9]  }
0x91: {  	s19 =	sld [smem:$0x3FC8]  }
0x92: {  	s4 =	sld [smem:$0x3FC7]  }
0x93: {  	s5 =	sld [smem:$0x3FD0];
	(tm) =	ssettm $0x1  }
0x94: {  	s6 =	sld [smem:$0x3FFB];
	_ =	sdelay $0x3  }
0x95: {  	_ =	strace s6  }
0x96: {  	s6 =	sld [smem:$0x3FFC];
	_ =	sdelay $0x3  }
0x97: {  	_ =	strace s6  }
0x98: {  	s6 =	sld [smem:$0x3FFD];
	_ =	sdelay $0x3  }
0x99: {  	_ =	strace s6  }
0x9a: {  	_ =	strace $0x8FFFFFFF  }
0x9b: {  	s20 =	sld [smem:$0x3FDB];
	_ =	sdelay $0x1  }
0x9c: {  	s7 =	simm.s32 $_scs_section_size  }
0x9d: {  	s8 =	simm.s32 $_size__tile_overlayer_lowered;
	s9 =	simm.s32 $_tile_overlayer_lowered  }
0x9e: {  	s23 =	simm.s32 $0x1BFF;
	s22 =	sshll.u32 s9, $0x1;
	s6 =	sadd.s32 s7, s20  }
0x9f: {  	s10 =	simm.s32 $0x0;
	s21 =	sshll.u32 s8, $0x1;
	s8 =	sadd.s32 s22, s6  }
0xa0: {  	[timem:s10], [sflag:s23] =	dma.local [hbm:s8], s21  }
0xa1: {  	_ =	swait.ge [sflag:s23], s21  }
0xa2: {  	s7 =	ssub.s32 $0x0, s21;
	[sflag:s23] =	ssyncset.done $0x0  }
0xa3: {  	[sflag:s23] =	ssyncadd.s32 s7;
	_ =	sdelay $0x1  }
0xa4: {  	s24 =	simm.s32 $0x1B8B  }
0xa5: {  	_ =	swait.ge [sflag:s24], $0x1  }
0xa6: {  	[sflag:s24] =	ssyncset.done $0x0  }
0xa7: {  	s25 =	simm.s32 $0x1B8E;
	[sflag:s24] =	ssyncadd.s32 $0xFFFFFFFF  }
0xa8: {  	s26 =	simm.s32 $execute0_lowered;
	[smem:$0x3FD2] =	sst s25  }
0xa9: {  	s7 =	sshll.u32 s26, $0x1;
	_ =	strace $0x80000046;
	[dreg:$0x1] =	wrdreg $0xFFFFFFFF  }
0xaa: {  	s28 =	simm.s32 $_size_execute0_lowered;
	s6 =	sadd.s32 s6, s7;
	[dreg:$0x0] =	wrdreg $0x0  }
0xab: {  	s7 =	sshll.u32 s28, $0x1;
	[dreg:$0x2] =	wrdreg s6  }
0xac: {  	[dreg:$0x3] =	wrdreg s7  }
0xad: {  	[dreg:$0x4] =	wrdreg $0xC0  }
0xae: {  	_ =	task [dreg:s10], $0x5FFFF  }
0xaf: {  	[dreg:$0x1] =	wrdreg $0xFFFFFFFF  }
0xb0: {  	[dreg:$0x0] =	wrdreg $0x60  }
0xb1: {  	[dreg:$0x2] =	wrdreg s2  }
0xb2: {  	[dreg:$0x3] =	wrdreg s19  }
0xb3: {  	[dreg:$0x4] =	wrdreg s4  }
0xb4: {  	[dreg:$0x5] =	wrdreg s5  }
0xb5: {  	[dreg:$0x6] =	wrdreg $0x9  }
0xb6: {  	_ =	task.clear_ibuf [dreg:s10], $0x7FFFF;
	_ =	strace $0x90000046  }
0xb7: {  	s29 =	simm.s32 $0x9;
	_ =	strace $0x80000048  }
0xb8: {  	_ =	swait.ge [sflag:s29], $0x1  }
0xb9: {  	[sflag:s29] =	ssyncadd.s32 $0xFFFFFFFF  }
0xba: {  	_ =	strace $0x90000048  }
0xbb: {  	_ =	sfence  }
0xbc: {  	s30 =	sld [smem:$0x0];
	_ =	sdelay $0x2  }
0xbd: {  	s31 =	sshll.u32 s1, $0xD;
	s1 =	sshrl.u32 s1, $0x2  }
0xbe: {  	s3 =	sand.u32 $0x4000, s31;
	s1 =	sadd.s32 s1, s30  }
0xbf: {  	s0 =	sor.u32 s3, s0;
	s1 =	sshll.u32 s1, $0x11  }
0xc0: {  	s0 =	sor.u32 s1, s0  }
0xc1: {  	s0 =	sadd.s32 $0x8F2B, s0  }
0xc2: {  	[sflag:s0] =	ssyncadd.remote.s32 $0x1  }
0xc3: {  	_ =	sfence.sel $0xFFFF  }
0xc4: {  	[dreg:$0x0] =	wrdreg $0xFFFFFFFF;
	(pc) =	sbr.abs _section_cstart, $3  }
0xc5: {  	[dreg:$0x1] =	wrdreg $0xFFFFFFFF  }
0xc6: {  	_ =	task.clear_ibuf [dreg:s10], $0x2FFFF;
	_ =	strace $0x9FFFFFFF  }
0xc7: {  	(tm) =	ssettm $0x7FFFFFFF  }
tec
execute0_lowered:
.L_overlay_start_1:
0x0: {  	(tag) =	ssettag $0x1  }
0x1: {  	s3 =	rddreg [dreg:$0x0]  }
0x2: {  	s0 =	rddreg [dreg:$0x1]  }
0x3: {  	s5 =	rddreg [dreg:$0x3];
	s2 =	srdreg.scid  }
0x4: {  	s1 =	simm.s32 $0x0;
	s6 =	stileid.u32;
	s2 =	sand.u32 $0x1, s2  }
0x5: {  	s6 =	sshll.u32 s6, $0x7;
	s4 =	ssub.s32 $0x2, s2;
	s2 =	sshll.u32 s2, $0x6  }
0x6: {  	s28 =	simm.s32 $0x2;
	s29 =	simm.s32 $0x0;
	s2 =	sor.u32 s2, s6  }
0x7: {  	[smem:$0x7FF] =	sst s1;
	s15 =	sshrl.u32 s2, $0x3;
	s2 =	sshll.u32 s2, $0x7  }
0x8: {  	s7 =	sshrl.u32 s4, $0x1;
	s0 =	sadd.s32 s0, s15;
	s16 =	sor.u32 $0x40000, s2  }
0x9: {  	s17 =	sor.u32 $0x80000, s2;
	[dreg:$0x5] =	wrdreg s0;
	s18 =	sadd.s32 s3, s16  }
0xa: {  	s6 =	ssub.s32 s4, s7;
	s19 =	sadd.s32 s3, s17;
	[dreg:$0x6] =	wrdreg s18  }
0xb: {  	s20 =	sor.u32 $0xC0000, s2;
	s0 =	sadd.s32 s5, s16;
	[dreg:$0x7] =	wrdreg s19  }
0xc: {  	s22 =	sor.u32 $0x800, s2;
	s21 =	sadd.s32 s3, s20;
	[dreg:$0x8] =	wrdreg s0  }
0xd: {  	s24 =	sor.u32 $0x40800, s2;
	s4 =	sadd.s32 s5, s17;
	[dreg:$0x9] =	wrdreg s21  }
0xe: {  	s26 =	sor.u32 $0x80800, s2;
	s23 =	sadd.s32 s3, s22;
	[dreg:$0xa] =	wrdreg s4  }
0xf: {  	s31 =	sor.u32 $0xC0800, s2;
	s7 =	sadd.s32 s5, s20;
	[dreg:$0xb] =	wrdreg s23  }
0x10: {  	s9 =	sor.u32 $0x1000, s2;
	s25 =	sadd.s32 s3, s24;
	[dreg:$0xc] =	wrdreg s7  }
0x11: {  	s11 =	sor.u32 $0x41000, s2;
	s30 =	sadd.s32 s3, s26;
	[dreg:$0xd] =	wrdreg s25  }
0x12: {  	s14 =	sor.u32 $0x81000, s2;
	s8 =	sadd.s32 s3, s31;
	[dreg:$0xf] =	wrdreg s30  }
0x13: {  	s6 =	smax.u32 s6, $0x1;
	s10 =	sadd.s32 s3, s9;
	[dreg:$0x11] =	wrdreg s8  }
0x14: {  	s12 =	sadd.s32 s3, s11;
	s13 =	sadd.s32 s5, s9;
	[dreg:$0x13] =	wrdreg s10  }
0x15: {  	s15 =	sadd.s32 s5, s11;
	s16 =	sor.u32 $0xC1000, s2;
	[dreg:$0x15] =	wrdreg s12  }
0x16: {  	s17 =	sadd.s32 s3, s14;
	s20 =	sor.u32 $0x1800, s2;
	[dreg:$0x16] =	wrdreg s13  }
0x17: {  	s11 =	simm.s32 $0x6880;
	s0 =	sadd.s32 s5, s22;
	[dreg:$0x17] =	wrdreg s15  }
0x18: {  	s4 =	sadd.s32 s5, s24;
	s7 =	sadd.s32 s5, s26;
	[dreg:$0x18] =	wrdreg s17  }
0x19: {  	s18 =	sadd.s32 s3, s16;
	s19 =	sadd.s32 s5, s16;
	[dreg:$0xe] =	wrdreg s0  }
0x1a: {  	s21 =	sor.u32 $0x41800, s2;
	s22 =	sadd.s32 s3, s20;
	[dreg:$0x10] =	wrdreg s4  }
0x1b: {  	s25 =	sadd.s32 s3, s2;
	s26 =	sadd.s32 s5, s2;
	[dreg:$0x12] =	wrdreg s7  }
0x1c: {  	s30 =	sor.u32 $0x81800, s2;
	s10 =	simm.s32 $0x5;
	[dreg:$0x1a] =	wrdreg s18  }
0x1d: {  	s12 =	simm.s32 $0x7880;
	s13 =	simm.s32 $0x8080;
	[dreg:$0x1b] =	wrdreg s19  }
0x1e: {  	s15 =	simm.s32 $0x1;
	s16 =	simm.s32 $0x14080;
	[dreg:$0x1c] =	wrdreg s22  }
0x1f: {  	s17 =	simm.s32 $0x4;
	s0 =	sadd.s32 s5, s31;
	[smem:$0x7FC] =	sst s25  }
0x20: {  	s23 =	sadd.s32 s3, s21;
	s24 =	sadd.s32 s5, s21;
	[smem:$0x7FD] =	sst s26  }
0x21: {  	s31 =	sor.u32 $0xC1800, s2;
	s2 =	sadd.s32 s3, s30;
	[dreg:$0x14] =	wrdreg s0  }
0x22: {  	s4 =	sadd.s32 s5, s30;
	s25 =	simm.s32 $0x3;
	[dreg:$0x1e] =	wrdreg s23  }
0x23: {  	s26 =	simm.s32 $0x10080;
	s0 =	sadd.s32 s5, s14;
	[dreg:$0x1f] =	wrdreg s24  }
0x24: {  	s3 =	sadd.s32 s3, s31;
	[dreg:$0x19] =	wrdreg s0;
	s0 =	sadd.s32 s5, s20  }
0x25: {  	v2 =	vlaneseq.u32;
	s24 =	simm.s32 $0x7080;
	s14 =	simm.s32 $0xC080;
	[dreg:$0x1d] =	wrdreg s0  }
0x26: {  	vm0 =	vmmov $0xffff;
	v1 =	vshrl.u32 v2, $0x3;
	s5 =	sadd.s32 s5, s31;
	s0 =	rddreg [dreg:$0x2];
	_ =	strace $0x80000047  }
0x27: {  	v0 =	vand.u32 $0x7, v2;
	v2 =	vor.u32 $0x8, v2;
	v1 =	vmul.u32 $0x8, v1;
	s7 =	sadd.s32 $0x100, s0;
	s8 =	sadd.s32 $0x200, s0;
	s9 =	sadd.s32 $0x300, s0  }
.LBB2_1:
0x28: {  	s18 =	rddreg [dreg:$0x5]  }
0x29: {  	[tilespmem:s1], [sflag:$0x5] =	stream.linear.gather [hbm4b:s18+s1], $0x40, $0x38;
	[tilespmem:$0x18080] =	vst v63  }
0x2a: {  	_ =	swait.ge [sflag:s10], $0x40  }
0x2b: {  	[sflag:s10] =	ssyncset.done $0x0  }
0x2c: {  	[sflag:s10] =	ssyncadd.s32 $0xFFFFFFC0  }
0x2d: {  	v3 =	vld [tilespmem:$0x0];
	_ =	sdelay $0x4  }
0x2e: {  	v4 =	vshll.u32 v3, $0x3  }
0x2f: {  	v3 =	vand.u32 $0x7, v3;
	v4 =	vand.u32 $0xFFFFFFC0, v4  }
0x30: {  	v3 =	vor.u32 v3, v4  }
0x31: {  	v4 =	vperm.xlane v3, v0;
	_ =	sdelay $0x1  }
0x32: {  	v4 =	vadd.s32 v1, v4;
	_ =	sdelay $0x3  }
0x33: {  	s22 =	simm.s32 $0x80  }
0x34: {  	[tilespmem:s22], [sflag:$0x3] =	stream.indirect_vreg.gather [hbm4b:s0+s1], $0x80, v4, vm0, $0xb8;
	[tilespmem:$0x18080] =	vst v63  }
0x35: {  	s23 =	simm.s32 $0x880;
	v3 =	vperm.xlane v3, v2  }
0x36: {  	[tilespmem:s23], [sflag:$0x3] =	stream.indirect_vreg.gather [hbm4b:s7+s1], $0x80, v4, vm0, $0xb8;
	[tilespmem:$0x18080] =	vst v63  }
0x37: {  	s31 =	simm.s32 $0x1080;
	v3 =	vadd.s32 v1, v3  }
0x38: {  	[tilespmem:s31], [sflag:$0x3] =	stream.indirect_vreg.gather [hbm4b:s8+s1], $0x80, v4, vm0, $0xb8;
	[tilespmem:$0x18080] =	vst v63  }
0x39: {  	s19 =	simm.s32 $0x1880  }
0x3a: {  	[tilespmem:s19], [sflag:$0x3] =	stream.indirect_vreg.gather [hbm4b:s9+s1], $0x80, v4, vm0, $0xb8;
	[tilespmem:$0x18080] =	vst v63  }
0x3b: {  	s20 =	simm.s32 $0x2080  }
0x3c: {  	[tilespmem:s20], [sflag:$0x3] =	stream.indirect_vreg.gather [hbm4b:s0+s1], $0x80, v3, vm0, $0xb8;
	[tilespmem:$0x18080] =	vst v63  }
0x3d: {  	s21 =	simm.s32 $0x2880  }
0x3e: {  	[tilespmem:s21], [sflag:$0x3] =	stream.indirect_vreg.gather [hbm4b:s7+s1], $0x80, v3, vm0, $0xb8;
	[tilespmem:$0x18080] =	vst v63  }
0x3f: {  	s22 =	simm.s32 $0x3080  }
0x40: {  	[tilespmem:s22], [sflag:$0x3] =	stream.indirect_vreg.gather [hbm4b:s8+s1], $0x80, v3, vm0, $0xb8;
	[tilespmem:$0x18080] =	vst v63  }
0x41: {  	s23 =	simm.s32 $0x3880  }
0x42: {  	[tilespmem:s23], [sflag:$0x3] =	stream.indirect_vreg.gather [hbm4b:s9+s1], $0x80, v3, vm0, $0xb8;
	[tilespmem:$0x18080] =	vst v63  }
0x43: {  	v3 =	vld [tilespmem:$0x10];
	_ =	sdelay $0x4  }
0x44: {  	v63 =	vshll.u32 v3, $0x3  }
0x45: {  	v3 =	vand.u32 $0x7, v3;
	v4 =	vand.u32 $0xFFFFFFC0, v63  }
0x46: {  	v3 =	vor.u32 v3, v4  }
0x47: {  	v4 =	vperm.xlane v3, v0;
	_ =	sdelay $0x1  }
0x48: {  	v4 =	vadd.s32 v1, v4;
	_ =	sdelay $0x3  }
0x49: {  	s31 =	simm.s32 $0x4080  }
0x4a: {  	[tilespmem:s31], [sflag:$0x4] =	stream.indirect_vreg.gather [hbm4b:s0+s1], $0x80, v4, vm0, $0xb8;
	[tilespmem:$0x18080] =	vst v63  }
0x4b: {  	s19 =	simm.s32 $0x4880;
	v3 =	vperm.xlane v3, v2  }
0x4c: {  	[tilespmem:s19], [sflag:$0x4] =	stream.indirect_vreg.gather [hbm4b:s7+s1], $0x80, v4, vm0, $0xb8;
	[tilespmem:$0x18080] =	vst v63  }
0x4d: {  	s20 =	simm.s32 $0x5080;
	v3 =	vadd.s32 v1, v3  }
0x4e: {  	[tilespmem:s20], [sflag:$0x4] =	stream.indirect_vreg.gather [hbm4b:s8+s1], $0x80, v4, vm0, $0xb8;
	[tilespmem:$0x18080] =	vst v63  }
0x4f: {  	s21 =	simm.s32 $0x5880  }
0x50: {  	[tilespmem:s21], [sflag:$0x4] =	stream.indirect_vreg.gather [hbm4b:s9+s1], $0x80, v4, vm0, $0xb8;
	[tilespmem:$0x18080] =	vst v63  }
0x51: {  	s22 =	simm.s32 $0x6080  }
0x52: {  	[tilespmem:s22], [sflag:$0x4] =	stream.indirect_vreg.gather [hbm4b:s0+s1], $0x80, v3, vm0, $0xb8;
	[tilespmem:$0x18080] =	vst v63  }
0x53: {  	_ = 	snop  }
0x54: {  	[tilespmem:s11], [sflag:$0x4] =	stream.indirect_vreg.gather [hbm4b:s7+s1], $0x80, v3, vm0, $0xb8;
	[tilespmem:$0x18080] =	vst v63  }
0x55: {  	_ = 	snop  }
0x56: {  	[tilespmem:s24], [sflag:$0x4] =	stream.indirect_vreg.gather [hbm4b:s8+s1], $0x80, v3, vm0, $0xb8;
	[tilespmem:$0x18080] =	vst v63  }
0x57: {  	s23 =	sld [smem:$0x7FC]  }
0x58: {  	[tilespmem:s12], [sflag:$0x4] =	stream.indirect_vreg.gather [hbm4b:s9+s1], $0x80, v3, vm0, $0xb8;
	[tilespmem:$0x18080] =	vst v63  }
0x59: {  	_ = 	snop  }
0x5a: {  	[tilespmem:s13], [sflag:$0x1] =	stream.linear.gather [hbm4b:s23+s1], $0x4000, $0x38;
	[tilespmem:$0x18080] =	vst v63  }
0x5b: {  	s31 =	rddreg [dreg:$0x6]  }
0x5c: {  	[tilespmem:s14], [sflag:$0x1] =	stream.linear.gather [hbm4b:s31+s1], $0x4000, $0x38;
	[tilespmem:$0x18080] =	vst v63  }
0x5d: {  	_ =	swait.ge [sflag:s25], $0x4000  }
0x5e: {  	[sflag:s25] =	ssyncset.done $0x0  }
0x5f: {  	[sflag:s25] =	ssyncadd.s32 $0xFFFFC000  }
0x60: {  	_ =	swait.ge [sflag:s15], $0x4000  }
0x61: {  	s30 =	simm.s32 $0x0;
	[sflag:s15] =	ssyncset.done $0x0  }
0x62: {  	s18 =	simm.s32 $0x0;
	s19 =	simm.s32 $0x0;
	[sflag:s15] =	ssyncadd.s32 $0xFFFFC000  }
.LBB2_2:
0x63: {  	s20 =	sand.u32 $0x7, s30  }
0x64: {  	s20 =	sshll.u32 s20, $0x9  }
0x65: {  	s31 =	sshrl.u32 s20, $0x2  }
0x66: {  	v3 =	vmov s31;
	_ =	sdelay $0x2  }
0x67: {  	s23 =	sand.u32 $0x3FFFE000, s18  }
0x68: {  	s22 =	sor.u32 $0xC0, s23  }
0x69: {  	v4 =	vld.idx.msk [tilespmem:v3+s22+$0x30 ss:$0x1], $0xffff  }
0x6a: {  	v5 =	vld.idx.msk [tilespmem:v3+s22+$0xFFFFFFD0 ss:$0x1], $0xffff  }
0x6b: {  	v6 =	vld.idx.msk [tilespmem:v3+s22+$0xFFFFFFE0 ss:$0x1], $0xffff  }
0x6c: {  	v7 =	vld.idx.msk [tilespmem:v3+s22+$0xFFFFFFF0 ss:$0x1], $0xffff  }
0x6d: {  	v8 =	vld.idx.msk [tilespmem:v3+s22+$0x0 ss:$0x1], $0xffff  }
0x6e: {  	s20 =	sadd.s32 $0x8080, s23;
	v9 =	vld.idx.msk [tilespmem:v3+s22+$0x10 ss:$0x1], $0xffff  }
0x6f: {  	s23 =	sadd.s32 s31, s20;
	v10 =	vld.idx.msk [tilespmem:v3+s22+$0xFFFFFFC0 ss:$0x1], $0xffff  }
0x70: {  	[tilespmem:s23+$0x70] =	vst.add.f32.msk $0xffff, v4  }
0x71: {  	v4 =	vld.idx.msk [tilespmem:v3+s22+$0x20 ss:$0x1], $0xffff  }
0x72: {  	[tilespmem:s23+$0x10] =	vst.add.f32.msk $0xffff, v5  }
0x73: {  	[tilespmem:s23+$0x20] =	vst.add.f32.msk $0xffff, v6  }
0x74: {  	[tilespmem:s23+$0x30] =	vst.add.f32.msk $0xffff, v7  }
0x75: {  	[tilespmem:s23+$0x40] =	vst.add.f32.msk $0xffff, v8  }
0x76: {  	[tilespmem:s23+$0x50] =	vst.add.f32.msk $0xffff, v9  }
0x77: {  	[tilespmem:s23+$0x0] =	vst.add.f32.msk $0xffff, v10  }
0x78: {  	s21 =	simm.s32 $0x0;
	s22 =	sadd.s32 $0x400, s22;
	[tilespmem:s23+$0x60] =	vst.add.f32.msk $0xffff, v4  }
.LBB2_3:
0x79: {  	v4 =	vld.idx.msk [tilespmem:v3+s22+$0x30 ss:$0x1], $0xffff;
	s21 =	sadd.s32 $0x80, s21  }
0x7a: {  	v5 =	vld.idx.msk [tilespmem:v3+s22+$0xFFFFFFD0 ss:$0x1], $0xffff;
	p0 =	slt.u32 s21, $0x380  }
0x7b: {  	v6 =	vld.idx.msk [tilespmem:v3+s22+$0xFFFFFFE0 ss:$0x1], $0xffff  }
0x7c: {  	v7 =	vld.idx.msk [tilespmem:v3+s22+$0xFFFFFFF0 ss:$0x1], $0xffff  }
0x7d: {  	s20 =	sadd.s32 $0x400, s20;
	v8 =	vld.idx.msk [tilespmem:v3+s22+$0x0 ss:$0x1], $0xffff  }
0x7e: {  	s23 =	sadd.s32 s31, s20;
	v9 =	vld.idx.msk [tilespmem:v3+s22+$0x10 ss:$0x1], $0xffff  }
0x7f: {  	[tilespmem:s23+$0x70] =	vst.add.f32.msk $0xffff, v4  }
0x80: {  	v4 =	vld.idx.msk [tilespmem:v3+s22+$0x20 ss:$0x1], $0xffff  }
0x81: {  	v10 =	vld.idx.msk [tilespmem:v3+s22+$0xFFFFFFC0 ss:$0x1], $0xffff  }
0x82: {  	[tilespmem:s23+$0x10] =	vst.add.f32.msk $0xffff, v5  }
0x83: {  	[tilespmem:s23+$0x20] =	vst.add.f32.msk $0xffff, v6  }
.Ltmp0:
0x84: {  	[tilespmem:s23+$0x30] =	vst.add.f32.msk $0xffff, v7;
	(pc) =	sbr.rel @p0 .LBB2_3-.Ltmp0, $4  }
0x85: {  	[tilespmem:s23+$0x40] =	vst.add.f32.msk $0xffff, v8  }
0x86: {  	[tilespmem:s23+$0x50] =	vst.add.f32.msk $0xffff, v9  }
0x87: {  	[tilespmem:s23+$0x0] =	vst.add.f32.msk $0xffff, v10  }
0x88: {  	s22 =	sadd.s32 $0x400, s22;
	[tilespmem:s23+$0x60] =	vst.add.f32.msk $0xffff, v4  }
0x89: {  	s19 =	sadd.s32 $0x1, s19  }
0x8a: {  	p0 =	sne.s32 s19, $0x10  }
.Ltmp1:
0x8b: {  	_ = 	snop;
	(pc) =	sbr.rel @p0 .LBB2_2-.Ltmp1, $2  }
0x8c: {  	_ =	sdelay $0x2  }
0x8d: {  	s30 =	sadd.s32 $0x1, s30;
	s18 =	sadd.s32 $0x400, s18  }
0x8e: {  	s19 =	sld [smem:$0x7FD];
	_ =	sdelay $0x1  }
0x8f: {  	s18 =	simm.s32 $0x0  }
0x90: {  	[hbm4b:s19+s18] =	stream.linear.scatter [tilespmem:s13], [sflag:$0x2], $0x4000, $0x38;
	[tilespmem:$0x18080] =	vst v63  }
0x91: {  	s31 =	rddreg [dreg:$0x7]  }
0x92: {  	[tilespmem:s26], [sflag:$0x1] =	stream.linear.gather [hbm4b:s31+s18], $0x4000, $0x38;
	[tilespmem:$0x18080] =	vst v63  }
0x93: {  	_ =	swait.ge [sflag:s15], $0x4000  }
0x94: {  	[sflag:s15] =	ssyncset.done $0x0  }
0x95: {  	s30 =	simm.s32 $0x0;
	s19 =	simm.s32 $0x0;
	[sflag:s15] =	ssyncadd.s32 $0xFFFFC000  }
.LBB2_6:
0x96: {  	s20 =	sand.u32 $0x7, s30  }
0x97: {  	s20 =	sshll.u32 s20, $0x9  }
0x98: {  	s31 =	sshrl.u32 s20, $0x2  }
0x99: {  	v3 =	vmov s31;
	_ =	sdelay $0x2  }
0x9a: {  	s23 =	sand.u32 $0x3FFFE000, s18  }
0x9b: {  	s22 =	sor.u32 $0xC0, s23  }
0x9c: {  	v4 =	vld.idx.msk [tilespmem:v3+s22+$0x30 ss:$0x1], $0xffff  }
0x9d: {  	v5 =	vld.idx.msk [tilespmem:v3+s22+$0xFFFFFFD0 ss:$0x1], $0xffff  }
0x9e: {  	v6 =	vld.idx.msk [tilespmem:v3+s22+$0xFFFFFFE0 ss:$0x1], $0xffff  }
0x9f: {  	v7 =	vld.idx.msk [tilespmem:v3+s22+$0xFFFFFFF0 ss:$0x1], $0xffff  }
0xa0: {  	v8 =	vld.idx.msk [tilespmem:v3+s22+$0x0 ss:$0x1], $0xffff  }
0xa1: {  	s20 =	sadd.s32 $0x8080, s23;
	v9 =	vld.idx.msk [tilespmem:v3+s22+$0x10 ss:$0x1], $0xffff  }
0xa2: {  	s23 =	sadd.s32 s31, s20;
	v10 =	vld.idx.msk [tilespmem:v3+s22+$0xFFFFFFC0 ss:$0x1], $0xffff  }
0xa3: {  	[tilespmem:s23+$0x4070] =	vst.add.f32.msk $0xffff, v4  }
0xa4: {  	v4 =	vld.idx.msk [tilespmem:v3+s22+$0x20 ss:$0x1], $0xffff  }
0xa5: {  	[tilespmem:s23+$0x4010] =	vst.add.f32.msk $0xffff, v5  }
0xa6: {  	[tilespmem:s23+$0x4020] =	vst.add.f32.msk $0xffff, v6  }
0xa7: {  	[tilespmem:s23+$0x4030] =	vst.add.f32.msk $0xffff, v7  }
0xa8: {  	[tilespmem:s23+$0x4040] =	vst.add.f32.msk $0xffff, v8  }
0xa9: {  	[tilespmem:s23+$0x4050] =	vst.add.f32.msk $0xffff, v9  }
0xaa: {  	[tilespmem:s23+$0x4000] =	vst.add.f32.msk $0xffff, v10  }
0xab: {  	s21 =	simm.s32 $0x0;
	s22 =	sadd.s32 $0x400, s22;
	[tilespmem:s23+$0x4060] =	vst.add.f32.msk $0xffff, v4  }
.LBB2_7:
0xac: {  	v4 =	vld.idx.msk [tilespmem:v3+s22+$0x30 ss:$0x1], $0xffff;
	s21 =	sadd.s32 $0x80, s21  }
0xad: {  	v5 =	vld.idx.msk [tilespmem:v3+s22+$0xFFFFFFD0 ss:$0x1], $0xffff;
	p0 =	slt.u32 s21, $0x380  }
0xae: {  	v6 =	vld.idx.msk [tilespmem:v3+s22+$0xFFFFFFE0 ss:$0x1], $0xffff  }
0xaf: {  	v7 =	vld.idx.msk [tilespmem:v3+s22+$0xFFFFFFF0 ss:$0x1], $0xffff  }
0xb0: {  	s20 =	sadd.s32 $0x400, s20;
	v8 =	vld.idx.msk [tilespmem:v3+s22+$0x0 ss:$0x1], $0xffff  }
0xb1: {  	s23 =	sadd.s32 s31, s20;
	v9 =	vld.idx.msk [tilespmem:v3+s22+$0x10 ss:$0x1], $0xffff  }
0xb2: {  	[tilespmem:s23+$0x4070] =	vst.add.f32.msk $0xffff, v4  }
0xb3: {  	v4 =	vld.idx.msk [tilespmem:v3+s22+$0x20 ss:$0x1], $0xffff  }
0xb4: {  	v10 =	vld.idx.msk [tilespmem:v3+s22+$0xFFFFFFC0 ss:$0x1], $0xffff  }
0xb5: {  	[tilespmem:s23+$0x4010] =	vst.add.f32.msk $0xffff, v5  }
0xb6: {  	[tilespmem:s23+$0x4020] =	vst.add.f32.msk $0xffff, v6  }
.Ltmp2:
0xb7: {  	[tilespmem:s23+$0x4030] =	vst.add.f32.msk $0xffff, v7;
	(pc) =	sbr.rel @p0 .LBB2_7-.Ltmp2, $4  }
0xb8: {  	[tilespmem:s23+$0x4040] =	vst.add.f32.msk $0xffff, v8  }
0xb9: {  	[tilespmem:s23+$0x4050] =	vst.add.f32.msk $0xffff, v9  }
0xba: {  	[tilespmem:s23+$0x4000] =	vst.add.f32.msk $0xffff, v10  }
0xbb: {  	s22 =	sadd.s32 $0x400, s22;
	[tilespmem:s23+$0x4060] =	vst.add.f32.msk $0xffff, v4  }
0xbc: {  	s19 =	sadd.s32 $0x1, s19  }
0xbd: {  	p0 =	sne.s32 s19, $0x10  }
.Ltmp3:
0xbe: {  	_ = 	snop;
	(pc) =	sbr.rel @p0 .LBB2_6-.Ltmp3, $2  }
0xbf: {  	_ =	sdelay $0x2  }
0xc0: {  	s30 =	sadd.s32 $0x1, s30;
	s18 =	sadd.s32 $0x400, s18  }
0xc1: {  	s18 =	simm.s32 $0x0;
	s19 =	rddreg [dreg:$0x8]  }
0xc2: {  	[hbm4b:s19+s18] =	stream.linear.scatter [tilespmem:s14], [sflag:$0x2], $0x4000, $0x38;
	[tilespmem:$0x18080] =	vst v63  }
0xc3: {  	s31 =	rddreg [dreg:$0x9]  }
0xc4: {  	[tilespmem:s16], [sflag:$0x1] =	stream.linear.gather [hbm4b:s31+s18], $0x4000, $0x38;
	[tilespmem:$0x18080] =	vst v63  }
0xc5: {  	_ =	swait.ge [sflag:s15], $0x4000  }
0xc6: {  	[sflag:s15] =	ssyncset.done $0x0  }
0xc7: {  	s30 =	simm.s32 $0x0;
	s19 =	simm.s32 $0x0;
	[sflag:s15] =	ssyncadd.s32 $0xFFFFC000  }
.LBB2_10:
0xc8: {  	s20 =	sand.u32 $0x7, s30  }
0xc9: {  	s20 =	sshll.u32 s20, $0x9  }
0xca: {  	s31 =	sshrl.u32 s20, $0x2  }
0xcb: {  	v3 =	vmov s31;
	_ =	sdelay $0x2  }
0xcc: {  	s23 =	sand.u32 $0x3FFFE000, s18  }
0xcd: {  	s22 =	sor.u32 $0xC0, s23  }
0xce: {  	v4 =	vld.idx.msk [tilespmem:v3+s22+$0x30 ss:$0x1], $0xffff  }
0xcf: {  	v5 =	vld.idx.msk [tilespmem:v3+s22+$0xFFFFFFD0 ss:$0x1], $0xffff  }
0xd0: {  	v6 =	vld.idx.msk [tilespmem:v3+s22+$0xFFFFFFE0 ss:$0x1], $0xffff  }
0xd1: {  	v7 =	vld.idx.msk [tilespmem:v3+s22+$0xFFFFFFF0 ss:$0x1], $0xffff  }
0xd2: {  	v8 =	vld.idx.msk [tilespmem:v3+s22+$0x0 ss:$0x1], $0xffff  }
0xd3: {  	s20 =	sadd.s32 $0x8080, s23;
	v9 =	vld.idx.msk [tilespmem:v3+s22+$0x10 ss:$0x1], $0xffff  }
0xd4: {  	s23 =	sadd.s32 s31, s20;
	v10 =	vld.idx.msk [tilespmem:v3+s22+$0xFFFFFFC0 ss:$0x1], $0xffff  }
0xd5: {  	[tilespmem:s23+$0x8070] =	vst.add.f32.msk $0xffff, v4  }
0xd6: {  	v4 =	vld.idx.msk [tilespmem:v3+s22+$0x20 ss:$0x1], $0xffff  }
0xd7: {  	[tilespmem:s23+$0x8010] =	vst.add.f32.msk $0xffff, v5  }
0xd8: {  	[tilespmem:s23+$0x8020] =	vst.add.f32.msk $0xffff, v6  }
0xd9: {  	[tilespmem:s23+$0x8030] =	vst.add.f32.msk $0xffff, v7  }
0xda: {  	[tilespmem:s23+$0x8040] =	vst.add.f32.msk $0xffff, v8  }
0xdb: {  	[tilespmem:s23+$0x8050] =	vst.add.f32.msk $0xffff, v9  }
0xdc: {  	[tilespmem:s23+$0x8000] =	vst.add.f32.msk $0xffff, v10  }
0xdd: {  	s21 =	simm.s32 $0x0;
	s22 =	sadd.s32 $0x400, s22;
	[tilespmem:s23+$0x8060] =	vst.add.f32.msk $0xffff, v4  }
.LBB2_11:
0xde: {  	v4 =	vld.idx.msk [tilespmem:v3+s22+$0x30 ss:$0x1], $0xffff;
	s21 =	sadd.s32 $0x80, s21  }
0xdf: {  	v5 =	vld.idx.msk [tilespmem:v3+s22+$0xFFFFFFD0 ss:$0x1], $0xffff;
	p0 =	slt.u32 s21, $0x380  }
0xe0: {  	v6 =	vld.idx.msk [tilespmem:v3+s22+$0xFFFFFFE0 ss:$0x1], $0xffff  }
0xe1: {  	v7 =	vld.idx.msk [tilespmem:v3+s22+$0xFFFFFFF0 ss:$0x1], $0xffff  }
0xe2: {  	s20 =	sadd.s32 $0x400, s20;
	v8 =	vld.idx.msk [tilespmem:v3+s22+$0x0 ss:$0x1], $0xffff  }
0xe3: {  	s23 =	sadd.s32 s31, s20;
	v9 =	vld.idx.msk [tilespmem:v3+s22+$0x10 ss:$0x1], $0xffff  }
0xe4: {  	[tilespmem:s23+$0x8070] =	vst.add.f32.msk $0xffff, v4  }
0xe5: {  	v4 =	vld.idx.msk [tilespmem:v3+s22+$0x20 ss:$0x1], $0xffff  }
0xe6: {  	v10 =	vld.idx.msk [tilespmem:v3+s22+$0xFFFFFFC0 ss:$0x1], $0xffff  }
0xe7: {  	[tilespmem:s23+$0x8010] =	vst.add.f32.msk $0xffff, v5  }
0xe8: {  	[tilespmem:s23+$0x8020] =	vst.add.f32.msk $0xffff, v6  }
.Ltmp4:
0xe9: {  	[tilespmem:s23+$0x8030] =	vst.add.f32.msk $0xffff, v7;
	(pc) =	sbr.rel @p0 .LBB2_11-.Ltmp4, $4  }
0xea: {  	[tilespmem:s23+$0x8040] =	vst.add.f32.msk $0xffff, v8  }
0xeb: {  	[tilespmem:s23+$0x8050] =	vst.add.f32.msk $0xffff, v9  }
0xec: {  	[tilespmem:s23+$0x8000] =	vst.add.f32.msk $0xffff, v10  }
0xed: {  	s22 =	sadd.s32 $0x400, s22;
	[tilespmem:s23+$0x8060] =	vst.add.f32.msk $0xffff, v4  }
0xee: {  	s19 =	sadd.s32 $0x1, s19  }
0xef: {  	p0 =	sne.s32 s19, $0x10  }
.Ltmp5:
0xf0: {  	_ = 	snop;
	(pc) =	sbr.rel @p0 .LBB2_10-.Ltmp5, $2  }
0xf1: {  	_ =	sdelay $0x2  }
0xf2: {  	s30 =	sadd.s32 $0x1, s30;
	s18 =	sadd.s32 $0x400, s18  }
0xf3: {  	s18 =	simm.s32 $0x0;
	s19 =	rddreg [dreg:$0xa]  }
0xf4: {  	[hbm4b:s19+s18] =	stream.linear.scatter [tilespmem:s26], [sflag:$0x2], $0x4000, $0x38;
	[tilespmem:$0x18080] =	vst v63  }
0xf5: {  	_ =	swait.ge [sflag:s28], $0x4000  }
0xf6: {  	[sflag:s28] =	ssyncset.done $0x0  }
0xf7: {  	s31 =	rddreg [dreg:$0xb];
	[sflag:s28] =	ssyncadd.s32 $0xFFFFC000  }
0xf8: {  	[tilespmem:s13], [sflag:$0x1] =	stream.linear.gather [hbm4b:s31+s18], $0x4000, $0x38;
	[tilespmem:$0x18080] =	vst v63  }
0xf9: {  	_ =	swait.ge [sflag:s15], $0x4000  }
0xfa: {  	[sflag:s15] =	ssyncset.done $0x0  }
0xfb: {  	s30 =	simm.s32 $0x0;
	s19 =	simm.s32 $0x0;
	[sflag:s15] =	ssyncadd.s32 $0xFFFFC000  }
.LBB2_14:
0xfc: {  	s20 =	sand.u32 $0x7, s30  }
0xfd: {  	s20 =	sshll.u32 s20, $0x9  }
0xfe: {  	s31 =	sshrl.u32 s20, $0x2  }
0xff: {  	v3 =	vmov s31;
	_ =	sdelay $0x2  }
0x100: {  	s23 =	sand.u32 $0x3FFFE000, s18  }
0x101: {  	s22 =	sor.u32 $0xC0, s23  }
0x102: {  	v4 =	vld.idx.msk [tilespmem:v3+s22+$0x30 ss:$0x1], $0xffff  }
0x103: {  	v5 =	vld.idx.msk [tilespmem:v3+s22+$0xFFFFFFD0 ss:$0x1], $0xffff  }
0x104: {  	v6 =	vld.idx.msk [tilespmem:v3+s22+$0xFFFFFFE0 ss:$0x1], $0xffff  }
0x105: {  	v7 =	vld.idx.msk [tilespmem:v3+s22+$0xFFFFFFF0 ss:$0x1], $0xffff  }
0x106: {  	v8 =	vld.idx.msk [tilespmem:v3+s22+$0x0 ss:$0x1], $0xffff  }
0x107: {  	s20 =	sadd.s32 $0x8080, s23;
	v9 =	vld.idx.msk [tilespmem:v3+s22+$0x10 ss:$0x1], $0xffff  }
0x108: {  	s23 =	sadd.s32 s31, s20;
	v10 =	vld.idx.msk [tilespmem:v3+s22+$0xFFFFFFC0 ss:$0x1], $0xffff  }
0x109: {  	[tilespmem:s23+$0xC070] =	vst.add.f32.msk $0xffff, v4  }
0x10a: {  	v4 =	vld.idx.msk [tilespmem:v3+s22+$0x20 ss:$0x1], $0xffff  }
0x10b: {  	[tilespmem:s23+$0xC010] =	vst.add.f32.msk $0xffff, v5  }
0x10c: {  	[tilespmem:s23+$0xC020] =	vst.add.f32.msk $0xffff, v6  }
0x10d: {  	[tilespmem:s23+$0xC030] =	vst.add.f32.msk $0xffff, v7  }
0x10e: {  	[tilespmem:s23+$0xC040] =	vst.add.f32.msk $0xffff, v8  }
0x10f: {  	[tilespmem:s23+$0xC050] =	vst.add.f32.msk $0xffff, v9  }
0x110: {  	[tilespmem:s23+$0xC000] =	vst.add.f32.msk $0xffff, v10  }
0x111: {  	s21 =	simm.s32 $0x0;
	s22 =	sadd.s32 $0x400, s22;
	[tilespmem:s23+$0xC060] =	vst.add.f32.msk $0xffff, v4  }
.LBB2_15:
0x112: {  	v4 =	vld.idx.msk [tilespmem:v3+s22+$0x30 ss:$0x1], $0xffff;
	s21 =	sadd.s32 $0x80, s21  }
0x113: {  	v5 =	vld.idx.msk [tilespmem:v3+s22+$0xFFFFFFD0 ss:$0x1], $0xffff;
	p0 =	slt.u32 s21, $0x380  }
0x114: {  	v6 =	vld.idx.msk [tilespmem:v3+s22+$0xFFFFFFE0 ss:$0x1], $0xffff  }
0x115: {  	v7 =	vld.idx.msk [tilespmem:v3+s22+$0xFFFFFFF0 ss:$0x1], $0xffff  }
0x116: {  	s20 =	sadd.s32 $0x400, s20;
	v8 =	vld.idx.msk [tilespmem:v3+s22+$0x0 ss:$0x1], $0xffff  }
0x117: {  	s23 =	sadd.s32 s31, s20;
	v9 =	vld.idx.msk [tilespmem:v3+s22+$0x10 ss:$0x1], $0xffff  }
0x118: {  	[tilespmem:s23+$0xC070] =	vst.add.f32.msk $0xffff, v4  }
0x119: {  	v4 =	vld.idx.msk [tilespmem:v3+s22+$0x20 ss:$0x1], $0xffff  }
0x11a: {  	v10 =	vld.idx.msk [tilespmem:v3+s22+$0xFFFFFFC0 ss:$0x1], $0xffff  }
0x11b: {  	[tilespmem:s23+$0xC010] =	vst.add.f32.msk $0xffff, v5  }
0x11c: {  	[tilespmem:s23+$0xC020] =	vst.add.f32.msk $0xffff, v6  }
.Ltmp6:
0x11d: {  	[tilespmem:s23+$0xC030] =	vst.add.f32.msk $0xffff, v7;
	(pc) =	sbr.rel @p0 .LBB2_15-.Ltmp6, $4  }
0x11e: {  	[tilespmem:s23+$0xC040] =	vst.add.f32.msk $0xffff, v8  }
0x11f: {  	[tilespmem:s23+$0xC050] =	vst.add.f32.msk $0xffff, v9  }
0x120: {  	[tilespmem:s23+$0xC000] =	vst.add.f32.msk $0xffff, v10  }
0x121: {  	s22 =	sadd.s32 $0x400, s22;
	[tilespmem:s23+$0xC060] =	vst.add.f32.msk $0xffff, v4  }
0x122: {  	s19 =	sadd.s32 $0x1, s19  }
0x123: {  	p0 =	sne.s32 s19, $0x10  }
.Ltmp7:
0x124: {  	_ = 	snop;
	(pc) =	sbr.rel @p0 .LBB2_14-.Ltmp7, $2  }
0x125: {  	_ =	sdelay $0x2  }
0x126: {  	s30 =	sadd.s32 $0x1, s30;
	s18 =	sadd.s32 $0x400, s18  }
0x127: {  	v3 =	vld [tilespmem:$0x20];
	_ =	sdelay $0x4  }
0x128: {  	v4 =	vshll.u32 v3, $0x3  }
0x129: {  	v3 =	vand.u32 $0x7, v3;
	v4 =	vand.u32 $0xFFFFFFC0, v4  }
0x12a: {  	v3 =	vor.u32 v3, v4  }
0x12b: {  	v4 =	vperm.xlane v3, v0;
	_ =	sdelay $0x1  }
0x12c: {  	v4 =	vadd.s32 v1, v4;
	_ =	sdelay $0x3  }
0x12d: {  	s18 =	simm.s32 $0x0;
	s19 =	simm.s32 $0x80  }
0x12e: {  	[tilespmem:s19], [sflag:$0x3] =	stream.indirect_vreg.gather [hbm4b:s0+s18], $0x80, v4, vm0, $0xb8;
	[tilespmem:$0x18080] =	vst v63  }
0x12f: {  	s21 =	simm.s32 $0x880;
	v3 =	vperm.xlane v3, v2  }
0x130: {  	[tilespmem:s21], [sflag:$0x3] =	stream.indirect_vreg.gather [hbm4b:s7+s18], $0x80, v4, vm0, $0xb8;
	[tilespmem:$0x18080] =	vst v63  }
0x131: {  	s22 =	simm.s32 $0x1080;
	v3 =	vadd.s32 v1, v3  }
0x132: {  	[tilespmem:s22], [sflag:$0x3] =	stream.indirect_vreg.gather [hbm4b:s8+s18], $0x80, v4, vm0, $0xb8;
	[tilespmem:$0x18080] =	vst v63  }
0x133: {  	s23 =	simm.s32 $0x1880  }
0x134: {  	[tilespmem:s23], [sflag:$0x3] =	stream.indirect_vreg.gather [hbm4b:s9+s18], $0x80, v4, vm0, $0xb8;
	[tilespmem:$0x18080] =	vst v63  }
0x135: {  	s31 =	simm.s32 $0x2080  }
0x136: {  	[tilespmem:s31], [sflag:$0x3] =	stream.indirect_vreg.gather [hbm4b:s0+s18], $0x80, v3, vm0, $0xb8;
	[tilespmem:$0x18080] =	vst v63  }
0x137: {  	s20 =	simm.s32 $0x2880  }
0x138: {  	[tilespmem:s20], [sflag:$0x3] =	stream.indirect_vreg.gather [hbm4b:s7+s18], $0x80, v3, vm0, $0xb8;
	[tilespmem:$0x18080] =	vst v63  }
0x139: {  	s21 =	simm.s32 $0x3080  }
0x13a: {  	[tilespmem:s21], [sflag:$0x3] =	stream.indirect_vreg.gather [hbm4b:s8+s18], $0x80, v3, vm0, $0xb8;
	[tilespmem:$0x18080] =	vst v63  }
0x13b: {  	s22 =	simm.s32 $0x3880  }
0x13c: {  	[tilespmem:s22], [sflag:$0x3] =	stream.indirect_vreg.gather [hbm4b:s9+s18], $0x80, v3, vm0, $0xb8;
	[tilespmem:$0x18080] =	vst v63  }
0x13d: {  	s23 =	rddreg [dreg:$0xc]  }
0x13e: {  	[hbm4b:s23+s18] =	stream.linear.scatter [tilespmem:s16], [sflag:$0x2], $0x4000, $0x38;
	[tilespmem:$0x18080] =	vst v63  }
0x13f: {  	_ =	swait.ge [sflag:s28], $0x4000  }
0x140: {  	[sflag:s28] =	ssyncset.done $0x0  }
0x141: {  	s31 =	rddreg [dreg:$0xd];
	[sflag:s28] =	ssyncadd.s32 $0xFFFFC000  }
0x142: {  	[tilespmem:s14], [sflag:$0x1] =	stream.linear.gather [hbm4b:s31+s18], $0x4000, $0x38;
	[tilespmem:$0x18080] =	vst v63  }
0x143: {  	_ =	swait.ge [sflag:s17], $0x4000  }
0x144: {  	[sflag:s17] =	ssyncset.done $0x0  }
0x145: {  	[sflag:s17] =	ssyncadd.s32 $0xFFFFC000  }
0x146: {  	_ =	swait.ge [sflag:s15], $0x4000  }
0x147: {  	[sflag:s15] =	ssyncset.done $0x0  }
0x148: {  	s30 =	simm.s32 $0x0;
	s19 =	simm.s32 $0x0;
	[sflag:s15] =	ssyncadd.s32 $0xFFFFC000  }
.LBB2_18:
0x149: {  	s20 =	sand.u32 $0x7, s30  }
0x14a: {  	s20 =	sshll.u32 s20, $0x9  }
0x14b: {  	s31 =	sshrl.u32 s20, $0x2  }
0x14c: {  	v3 =	vmov s31;
	_ =	sdelay $0x2  }
0x14d: {  	s23 =	sand.u32 $0x3FFFE000, s18  }
0x14e: {  	s22 =	sadd.s32 $0x40C0, s23  }
0x14f: {  	v4 =	vld.idx.msk [tilespmem:v3+s22+$0x30 ss:$0x1], $0xffff  }
0x150: {  	v5 =	vld.idx.msk [tilespmem:v3+s22+$0xFFFFFFD0 ss:$0x1], $0xffff  }
0x151: {  	v6 =	vld.idx.msk [tilespmem:v3+s22+$0xFFFFFFE0 ss:$0x1], $0xffff  }
0x152: {  	v7 =	vld.idx.msk [tilespmem:v3+s22+$0xFFFFFFF0 ss:$0x1], $0xffff  }
0x153: {  	v8 =	vld.idx.msk [tilespmem:v3+s22+$0x0 ss:$0x1], $0xffff  }
0x154: {  	s20 =	sadd.s32 $0x8080, s23;
	v9 =	vld.idx.msk [tilespmem:v3+s22+$0x10 ss:$0x1], $0xffff  }
0x155: {  	s23 =	sadd.s32 s31, s20;
	v10 =	vld.idx.msk [tilespmem:v3+s22+$0xFFFFFFC0 ss:$0x1], $0xffff  }
0x156: {  	[tilespmem:s23+$0x70] =	vst.add.f32.msk $0xffff, v4  }
0x157: {  	v4 =	vld.idx.msk [tilespmem:v3+s22+$0x20 ss:$0x1], $0xffff  }
0x158: {  	[tilespmem:s23+$0x10] =	vst.add.f32.msk $0xffff, v5  }
0x159: {  	[tilespmem:s23+$0x20] =	vst.add.f32.msk $0xffff, v6  }
0x15a: {  	[tilespmem:s23+$0x30] =	vst.add.f32.msk $0xffff, v7  }
0x15b: {  	[tilespmem:s23+$0x40] =	vst.add.f32.msk $0xffff, v8  }
0x15c: {  	[tilespmem:s23+$0x50] =	vst.add.f32.msk $0xffff, v9  }
0x15d: {  	[tilespmem:s23+$0x0] =	vst.add.f32.msk $0xffff, v10  }
0x15e: {  	s21 =	simm.s32 $0x0;
	s22 =	sadd.s32 $0x400, s22;
	[tilespmem:s23+$0x60] =	vst.add.f32.msk $0xffff, v4  }
.LBB2_19:
0x15f: {  	v4 =	vld.idx.msk [tilespmem:v3+s22+$0x30 ss:$0x1], $0xffff;
	s21 =	sadd.s32 $0x80, s21  }
0x160: {  	v5 =	vld.idx.msk [tilespmem:v3+s22+$0xFFFFFFD0 ss:$0x1], $0xffff;
	p0 =	slt.u32 s21, $0x380  }
0x161: {  	v6 =	vld.idx.msk [tilespmem:v3+s22+$0xFFFFFFE0 ss:$0x1], $0xffff  }
0x162: {  	v7 =	vld.idx.msk [tilespmem:v3+s22+$0xFFFFFFF0 ss:$0x1], $0xffff  }
0x163: {  	s20 =	sadd.s32 $0x400, s20;
	v8 =	vld.idx.msk [tilespmem:v3+s22+$0x0 ss:$0x1], $0xffff  }
0x164: {  	s23 =	sadd.s32 s31, s20;
	v9 =	vld.idx.msk [tilespmem:v3+s22+$0x10 ss:$0x1], $0xffff  }
0x165: {  	[tilespmem:s23+$0x70] =	vst.add.f32.msk $0xffff, v4  }
0x166: {  	v4 =	vld.idx.msk [tilespmem:v3+s22+$0x20 ss:$0x1], $0xffff  }
0x167: {  	v10 =	vld.idx.msk [tilespmem:v3+s22+$0xFFFFFFC0 ss:$0x1], $0xffff  }
0x168: {  	[tilespmem:s23+$0x10] =	vst.add.f32.msk $0xffff, v5  }
0x169: {  	[tilespmem:s23+$0x20] =	vst.add.f32.msk $0xffff, v6  }
.Ltmp8:
0x16a: {  	[tilespmem:s23+$0x30] =	vst.add.f32.msk $0xffff, v7;
	(pc) =	sbr.rel @p0 .LBB2_19-.Ltmp8, $4  }
0x16b: {  	[tilespmem:s23+$0x40] =	vst.add.f32.msk $0xffff, v8  }
0x16c: {  	[tilespmem:s23+$0x50] =	vst.add.f32.msk $0xffff, v9  }
0x16d: {  	[tilespmem:s23+$0x0] =	vst.add.f32.msk $0xffff, v10  }
0x16e: {  	s22 =	sadd.s32 $0x400, s22;
	[tilespmem:s23+$0x60] =	vst.add.f32.msk $0xffff, v4  }
0x16f: {  	s19 =	sadd.s32 $0x1, s19  }
0x170: {  	p0 =	sne.s32 s19, $0x10  }
.Ltmp9:
0x171: {  	_ = 	snop;
	(pc) =	sbr.rel @p0 .LBB2_18-.Ltmp9, $2  }
0x172: {  	_ =	sdelay $0x2  }
0x173: {  	s30 =	sadd.s32 $0x1, s30;
	s18 =	sadd.s32 $0x400, s18  }
0x174: {  	s18 =	simm.s32 $0x0;
	s19 =	rddreg [dreg:$0xe]  }
0x175: {  	[hbm4b:s19+s18] =	stream.linear.scatter [tilespmem:s13], [sflag:$0x2], $0x4000, $0x38;
	[tilespmem:$0x18080] =	vst v63  }
0x176: {  	_ =	swait.ge [sflag:s28], $0x4000  }
0x177: {  	[sflag:s28] =	ssyncset.done $0x0  }
0x178: {  	s31 =	rddreg [dreg:$0xf];
	[sflag:s28] =	ssyncadd.s32 $0xFFFFC000  }
0x179: {  	[tilespmem:s26], [sflag:$0x1] =	stream.linear.gather [hbm4b:s31+s18], $0x4000, $0x38;
	[tilespmem:$0x18080] =	vst v63  }
0x17a: {  	_ =	swait.ge [sflag:s15], $0x4000  }
0x17b: {  	[sflag:s15] =	ssyncset.done $0x0  }
0x17c: {  	s30 =	simm.s32 $0x0;
	s19 =	simm.s32 $0x0;
	[sflag:s15] =	ssyncadd.s32 $0xFFFFC000  }
.LBB2_22:
0x17d: {  	s20 =	sand.u32 $0x7, s30  }
0x17e: {  	s20 =	sshll.u32 s20, $0x9  }
0x17f: {  	s31 =	sshrl.u32 s20, $0x2  }
0x180: {  	v3 =	vmov s31;
	_ =	sdelay $0x2  }
0x181: {  	s23 =	sand.u32 $0x3FFFE000, s18  }
0x182: {  	s22 =	sadd.s32 $0x40C0, s23  }
0x183: {  	v4 =	vld.idx.msk [tilespmem:v3+s22+$0x30 ss:$0x1], $0xffff  }
0x184: {  	v5 =	vld.idx.msk [tilespmem:v3+s22+$0xFFFFFFD0 ss:$0x1], $0xffff  }
0x185: {  	v6 =	vld.idx.msk [tilespmem:v3+s22+$0xFFFFFFE0 ss:$0x1], $0xffff  }
0x186: {  	v7 =	vld.idx.msk [tilespmem:v3+s22+$0xFFFFFFF0 ss:$0x1], $0xffff  }
0x187: {  	v8 =	vld.idx.msk [tilespmem:v3+s22+$0x0 ss:$0x1], $0xffff  }
0x188: {  	s20 =	sadd.s32 $0x8080, s23;
	v9 =	vld.idx.msk [tilespmem:v3+s22+$0x10 ss:$0x1], $0xffff  }
0x189: {  	s23 =	sadd.s32 s31, s20;
	v10 =	vld.idx.msk [tilespmem:v3+s22+$0xFFFFFFC0 ss:$0x1], $0xffff  }
0x18a: {  	[tilespmem:s23+$0x4070] =	vst.add.f32.msk $0xffff, v4  }
0x18b: {  	v4 =	vld.idx.msk [tilespmem:v3+s22+$0x20 ss:$0x1], $0xffff  }
0x18c: {  	[tilespmem:s23+$0x4010] =	vst.add.f32.msk $0xffff, v5  }
0x18d: {  	[tilespmem:s23+$0x4020] =	vst.add.f32.msk $0xffff, v6  }
0x18e: {  	[tilespmem:s23+$0x4030] =	vst.add.f32.msk $0xffff, v7  }
0x18f: {  	[tilespmem:s23+$0x4040] =	vst.add.f32.msk $0xffff, v8  }
0x190: {  	[tilespmem:s23+$0x4050] =	vst.add.f32.msk $0xffff, v9  }
0x191: {  	[tilespmem:s23+$0x4000] =	vst.add.f32.msk $0xffff, v10  }
0x192: {  	s21 =	simm.s32 $0x0;
	s22 =	sadd.s32 $0x400, s22;
	[tilespmem:s23+$0x4060] =	vst.add.f32.msk $0xffff, v4  }
.LBB2_23:
0x193: {  	v4 =	vld.idx.msk [tilespmem:v3+s22+$0x30 ss:$0x1], $0xffff;
	s21 =	sadd.s32 $0x80, s21  }
0x194: {  	v5 =	vld.idx.msk [tilespmem:v3+s22+$0xFFFFFFD0 ss:$0x1], $0xffff;
	p0 =	slt.u32 s21, $0x380  }
0x195: {  	v6 =	vld.idx.msk [tilespmem:v3+s22+$0xFFFFFFE0 ss:$0x1], $0xffff  }
0x196: {  	v7 =	vld.idx.msk [tilespmem:v3+s22+$0xFFFFFFF0 ss:$0x1], $0xffff  }
0x197: {  	s20 =	sadd.s32 $0x400, s20;
	v8 =	vld.idx.msk [tilespmem:v3+s22+$0x0 ss:$0x1], $0xffff  }
0x198: {  	s23 =	sadd.s32 s31, s20;
	v9 =	vld.idx.msk [tilespmem:v3+s22+$0x10 ss:$0x1], $0xffff  }
0x199: {  	[tilespmem:s23+$0x4070] =	vst.add.f32.msk $0xffff, v4  }
0x19a: {  	v4 =	vld.idx.msk [tilespmem:v3+s22+$0x20 ss:$0x1], $0xffff  }
0x19b: {  	v10 =	vld.idx.msk [tilespmem:v3+s22+$0xFFFFFFC0 ss:$0x1], $0xffff  }
0x19c: {  	[tilespmem:s23+$0x4010] =	vst.add.f32.msk $0xffff, v5  }
0x19d: {  	[tilespmem:s23+$0x4020] =	vst.add.f32.msk $0xffff, v6  }
.Ltmp10:
0x19e: {  	[tilespmem:s23+$0x4030] =	vst.add.f32.msk $0xffff, v7;
	(pc) =	sbr.rel @p0 .LBB2_23-.Ltmp10, $4  }
0x19f: {  	[tilespmem:s23+$0x4040] =	vst.add.f32.msk $0xffff, v8  }
0x1a0: {  	[tilespmem:s23+$0x4050] =	vst.add.f32.msk $0xffff, v9  }
0x1a1: {  	[tilespmem:s23+$0x4000] =	vst.add.f32.msk $0xffff, v10  }
0x1a2: {  	s22 =	sadd.s32 $0x400, s22;
	[tilespmem:s23+$0x4060] =	vst.add.f32.msk $0xffff, v4  }
0x1a3: {  	s19 =	sadd.s32 $0x1, s19  }
0x1a4: {  	p0 =	sne.s32 s19, $0x10  }
.Ltmp11:
0x1a5: {  	_ = 	snop;
	(pc) =	sbr.rel @p0 .LBB2_22-.Ltmp11, $2  }
0x1a6: {  	_ =	sdelay $0x2  }
0x1a7: {  	s30 =	sadd.s32 $0x1, s30;
	s18 =	sadd.s32 $0x400, s18  }
0x1a8: {  	s18 =	simm.s32 $0x0;
	s19 =	rddreg [dreg:$0x10]  }
0x1a9: {  	[hbm4b:s19+s18] =	stream.linear.scatter [tilespmem:s14], [sflag:$0x2], $0x4000, $0x38;
	[tilespmem:$0x18080] =	vst v63  }
0x1aa: {  	_ =	swait.ge [sflag:s28], $0x4000  }
0x1ab: {  	[sflag:s28] =	ssyncset.done $0x0  }
0x1ac: {  	s31 =	rddreg [dreg:$0x11];
	[sflag:s28] =	ssyncadd.s32 $0xFFFFC000  }
0x1ad: {  	[tilespmem:s16], [sflag:$0x1] =	stream.linear.gather [hbm4b:s31+s18], $0x4000, $0x38;
	[tilespmem:$0x18080] =	vst v63  }
0x1ae: {  	_ =	swait.ge [sflag:s15], $0x4000  }
0x1af: {  	[sflag:s15] =	ssyncset.done $0x0  }
0x1b0: {  	s30 =	simm.s32 $0x0;
	s19 =	simm.s32 $0x0;
	[sflag:s15] =	ssyncadd.s32 $0xFFFFC000  }
.LBB2_26:
0x1b1: {  	s20 =	sand.u32 $0x7, s30  }
0x1b2: {  	s20 =	sshll.u32 s20, $0x9  }
0x1b3: {  	s31 =	sshrl.u32 s20, $0x2  }
0x1b4: {  	v3 =	vmov s31;
	_ =	sdelay $0x2  }
0x1b5: {  	s23 =	sand.u32 $0x3FFFE000, s18  }
0x1b6: {  	s22 =	sadd.s32 $0x40C0, s23  }
0x1b7: {  	v4 =	vld.idx.msk [tilespmem:v3+s22+$0x30 ss:$0x1], $0xffff  }
0x1b8: {  	v5 =	vld.idx.msk [tilespmem:v3+s22+$0xFFFFFFD0 ss:$0x1], $0xffff  }
0x1b9: {  	v6 =	vld.idx.msk [tilespmem:v3+s22+$0xFFFFFFE0 ss:$0x1], $0xffff  }
0x1ba: {  	v7 =	vld.idx.msk [tilespmem:v3+s22+$0xFFFFFFF0 ss:$0x1], $0xffff  }
0x1bb: {  	v8 =	vld.idx.msk [tilespmem:v3+s22+$0x0 ss:$0x1], $0xffff  }
0x1bc: {  	s20 =	sadd.s32 $0x8080, s23;
	v9 =	vld.idx.msk [tilespmem:v3+s22+$0x10 ss:$0x1], $0xffff  }
0x1bd: {  	s23 =	sadd.s32 s31, s20;
	v10 =	vld.idx.msk [tilespmem:v3+s22+$0xFFFFFFC0 ss:$0x1], $0xffff  }
0x1be: {  	[tilespmem:s23+$0x8070] =	vst.add.f32.msk $0xffff, v4  }
0x1bf: {  	v4 =	vld.idx.msk [tilespmem:v3+s22+$0x20 ss:$0x1], $0xffff  }
0x1c0: {  	[tilespmem:s23+$0x8010] =	vst.add.f32.msk $0xffff, v5  }
0x1c1: {  	[tilespmem:s23+$0x8020] =	vst.add.f32.msk $0xffff, v6  }
0x1c2: {  	[tilespmem:s23+$0x8030] =	vst.add.f32.msk $0xffff, v7  }
0x1c3: {  	[tilespmem:s23+$0x8040] =	vst.add.f32.msk $0xffff, v8  }
0x1c4: {  	[tilespmem:s23+$0x8050] =	vst.add.f32.msk $0xffff, v9  }
0x1c5: {  	[tilespmem:s23+$0x8000] =	vst.add.f32.msk $0xffff, v10  }
0x1c6: {  	s21 =	simm.s32 $0x0;
	s22 =	sadd.s32 $0x400, s22;
	[tilespmem:s23+$0x8060] =	vst.add.f32.msk $0xffff, v4  }
.LBB2_27:
0x1c7: {  	v4 =	vld.idx.msk [tilespmem:v3+s22+$0x30 ss:$0x1], $0xffff;
	s21 =	sadd.s32 $0x80, s21  }
0x1c8: {  	v5 =	vld.idx.msk [tilespmem:v3+s22+$0xFFFFFFD0 ss:$0x1], $0xffff;
	p0 =	slt.u32 s21, $0x380  }
0x1c9: {  	v6 =	vld.idx.msk [tilespmem:v3+s22+$0xFFFFFFE0 ss:$0x1], $0xffff  }
0x1ca: {  	v7 =	vld.idx.msk [tilespmem:v3+s22+$0xFFFFFFF0 ss:$0x1], $0xffff  }
0x1cb: {  	s20 =	sadd.s32 $0x400, s20;
	v8 =	vld.idx.msk [tilespmem:v3+s22+$0x0 ss:$0x1], $0xffff  }
0x1cc: {  	s23 =	sadd.s32 s31, s20;
	v9 =	vld.idx.msk [tilespmem:v3+s22+$0x10 ss:$0x1], $0xffff  }
0x1cd: {  	[tilespmem:s23+$0x8070] =	vst.add.f32.msk $0xffff, v4  }
0x1ce: {  	v4 =	vld.idx.msk [tilespmem:v3+s22+$0x20 ss:$0x1], $0xffff  }
0x1cf: {  	v10 =	vld.idx.msk [tilespmem:v3+s22+$0xFFFFFFC0 ss:$0x1], $0xffff  }
0x1d0: {  	[tilespmem:s23+$0x8010] =	vst.add.f32.msk $0xffff, v5  }
0x1d1: {  	[tilespmem:s23+$0x8020] =	vst.add.f32.msk $0xffff, v6  }
.Ltmp12:
0x1d2: {  	[tilespmem:s23+$0x8030] =	vst.add.f32.msk $0xffff, v7;
	(pc) =	sbr.rel @p0 .LBB2_27-.Ltmp12, $4  }
0x1d3: {  	[tilespmem:s23+$0x8040] =	vst.add.f32.msk $0xffff, v8  }
0x1d4: {  	[tilespmem:s23+$0x8050] =	vst.add.f32.msk $0xffff, v9  }
0x1d5: {  	[tilespmem:s23+$0x8000] =	vst.add.f32.msk $0xffff, v10  }
0x1d6: {  	s22 =	sadd.s32 $0x400, s22;
	[tilespmem:s23+$0x8060] =	vst.add.f32.msk $0xffff, v4  }
0x1d7: {  	s19 =	sadd.s32 $0x1, s19  }
0x1d8: {  	p0 =	sne.s32 s19, $0x10  }
.Ltmp13:
0x1d9: {  	_ = 	snop;
	(pc) =	sbr.rel @p0 .LBB2_26-.Ltmp13, $2  }
0x1da: {  	_ =	sdelay $0x2  }
0x1db: {  	s30 =	sadd.s32 $0x1, s30;
	s18 =	sadd.s32 $0x400, s18  }
0x1dc: {  	s18 =	simm.s32 $0x0;
	s19 =	rddreg [dreg:$0x12]  }
0x1dd: {  	[hbm4b:s19+s18] =	stream.linear.scatter [tilespmem:s26], [sflag:$0x2], $0x4000, $0x38;
	[tilespmem:$0x18080] =	vst v63  }
0x1de: {  	_ =	swait.ge [sflag:s28], $0x4000  }
0x1df: {  	[sflag:s28] =	ssyncset.done $0x0  }
0x1e0: {  	s31 =	rddreg [dreg:$0x13];
	[sflag:s28] =	ssyncadd.s32 $0xFFFFC000  }
0x1e1: {  	[tilespmem:s13], [sflag:$0x1] =	stream.linear.gather [hbm4b:s31+s18], $0x4000, $0x38;
	[tilespmem:$0x18080] =	vst v63  }
0x1e2: {  	_ =	swait.ge [sflag:s15], $0x4000  }
0x1e3: {  	[sflag:s15] =	ssyncset.done $0x0  }
0x1e4: {  	s30 =	simm.s32 $0x0;
	s19 =	simm.s32 $0x0;
	[sflag:s15] =	ssyncadd.s32 $0xFFFFC000  }
.LBB2_30:
0x1e5: {  	s20 =	sand.u32 $0x7, s30  }
0x1e6: {  	s20 =	sshll.u32 s20, $0x9  }
0x1e7: {  	s31 =	sshrl.u32 s20, $0x2  }
0x1e8: {  	v3 =	vmov s31;
	_ =	sdelay $0x2  }
0x1e9: {  	s23 =	sand.u32 $0x3FFFE000, s18  }
0x1ea: {  	s22 =	sadd.s32 $0x40C0, s23  }
0x1eb: {  	v4 =	vld.idx.msk [tilespmem:v3+s22+$0x30 ss:$0x1], $0xffff  }
0x1ec: {  	v5 =	vld.idx.msk [tilespmem:v3+s22+$0xFFFFFFD0 ss:$0x1], $0xffff  }
0x1ed: {  	v6 =	vld.idx.msk [tilespmem:v3+s22+$0xFFFFFFE0 ss:$0x1], $0xffff  }
0x1ee: {  	v7 =	vld.idx.msk [tilespmem:v3+s22+$0xFFFFFFF0 ss:$0x1], $0xffff  }
0x1ef: {  	v8 =	vld.idx.msk [tilespmem:v3+s22+$0x0 ss:$0x1], $0xffff  }
0x1f0: {  	s20 =	sadd.s32 $0x8080, s23;
	v9 =	vld.idx.msk [tilespmem:v3+s22+$0x10 ss:$0x1], $0xffff  }
0x1f1: {  	s23 =	sadd.s32 s31, s20;
	v10 =	vld.idx.msk [tilespmem:v3+s22+$0xFFFFFFC0 ss:$0x1], $0xffff  }
0x1f2: {  	[tilespmem:s23+$0xC070] =	vst.add.f32.msk $0xffff, v4  }
0x1f3: {  	v4 =	vld.idx.msk [tilespmem:v3+s22+$0x20 ss:$0x1], $0xffff  }
0x1f4: {  	[tilespmem:s23+$0xC010] =	vst.add.f32.msk $0xffff, v5  }
0x1f5: {  	[tilespmem:s23+$0xC020] =	vst.add.f32.msk $0xffff, v6  }
0x1f6: {  	[tilespmem:s23+$0xC030] =	vst.add.f32.msk $0xffff, v7  }
0x1f7: {  	[tilespmem:s23+$0xC040] =	vst.add.f32.msk $0xffff, v8  }
0x1f8: {  	[tilespmem:s23+$0xC050] =	vst.add.f32.msk $0xffff, v9  }
0x1f9: {  	[tilespmem:s23+$0xC000] =	vst.add.f32.msk $0xffff, v10  }
0x1fa: {  	s21 =	simm.s32 $0x0;
	s22 =	sadd.s32 $0x400, s22;
	[tilespmem:s23+$0xC060] =	vst.add.f32.msk $0xffff, v4  }
.LBB2_31:
0x1fb: {  	v4 =	vld.idx.msk [tilespmem:v3+s22+$0x30 ss:$0x1], $0xffff;
	s21 =	sadd.s32 $0x80, s21  }
0x1fc: {  	v5 =	vld.idx.msk [tilespmem:v3+s22+$0xFFFFFFD0 ss:$0x1], $0xffff;
	p0 =	slt.u32 s21, $0x380  }
0x1fd: {  	v6 =	vld.idx.msk [tilespmem:v3+s22+$0xFFFFFFE0 ss:$0x1], $0xffff  }
0x1fe: {  	v7 =	vld.idx.msk [tilespmem:v3+s22+$0xFFFFFFF0 ss:$0x1], $0xffff  }
0x1ff: {  	s20 =	sadd.s32 $0x400, s20;
	v8 =	vld.idx.msk [tilespmem:v3+s22+$0x0 ss:$0x1], $0xffff  }
0x200: {  	s23 =	sadd.s32 s31, s20;
	v9 =	vld.idx.msk [tilespmem:v3+s22+$0x10 ss:$0x1], $0xffff  }
0x201: {  	[tilespmem:s23+$0xC070] =	vst.add.f32.msk $0xffff, v4  }
0x202: {  	v4 =	vld.idx.msk [tilespmem:v3+s22+$0x20 ss:$0x1], $0xffff  }
0x203: {  	v10 =	vld.idx.msk [tilespmem:v3+s22+$0xFFFFFFC0 ss:$0x1], $0xffff  }
0x204: {  	[tilespmem:s23+$0xC010] =	vst.add.f32.msk $0xffff, v5  }
0x205: {  	[tilespmem:s23+$0xC020] =	vst.add.f32.msk $0xffff, v6  }
.Ltmp14:
0x206: {  	[tilespmem:s23+$0xC030] =	vst.add.f32.msk $0xffff, v7;
	(pc) =	sbr.rel @p0 .LBB2_31-.Ltmp14, $4  }
0x207: {  	[tilespmem:s23+$0xC040] =	vst.add.f32.msk $0xffff, v8  }
0x208: {  	[tilespmem:s23+$0xC050] =	vst.add.f32.msk $0xffff, v9  }
0x209: {  	[tilespmem:s23+$0xC000] =	vst.add.f32.msk $0xffff, v10  }
0x20a: {  	s22 =	sadd.s32 $0x400, s22;
	[tilespmem:s23+$0xC060] =	vst.add.f32.msk $0xffff, v4  }
0x20b: {  	s19 =	sadd.s32 $0x1, s19  }
0x20c: {  	p0 =	sne.s32 s19, $0x10  }
.Ltmp15:
0x20d: {  	_ = 	snop;
	(pc) =	sbr.rel @p0 .LBB2_30-.Ltmp15, $2  }
0x20e: {  	_ =	sdelay $0x2  }
0x20f: {  	s30 =	sadd.s32 $0x1, s30;
	s18 =	sadd.s32 $0x400, s18  }
0x210: {  	v3 =	vld [tilespmem:$0x30];
	_ =	sdelay $0x4  }
0x211: {  	v4 =	vshll.u32 v3, $0x3  }
0x212: {  	v3 =	vand.u32 $0x7, v3;
	v4 =	vand.u32 $0xFFFFFFC0, v4  }
0x213: {  	v3 =	vor.u32 v3, v4  }
0x214: {  	v4 =	vperm.xlane v3, v0;
	_ =	sdelay $0x1  }
0x215: {  	v4 =	vadd.s32 v1, v4;
	_ =	sdelay $0x3  }
0x216: {  	s18 =	simm.s32 $0x0;
	s19 =	simm.s32 $0x4080  }
0x217: {  	[tilespmem:s19], [sflag:$0x4] =	stream.indirect_vreg.gather [hbm4b:s0+s18], $0x80, v4, vm0, $0xb8;
	[tilespmem:$0x18080] =	vst v63  }
0x218: {  	s31 =	simm.s32 $0x4880;
	v3 =	vperm.xlane v3, v2  }
0x219: {  	[tilespmem:s31], [sflag:$0x4] =	stream.indirect_vreg.gather [hbm4b:s7+s18], $0x80, v4, vm0, $0xb8;
	[tilespmem:$0x18080] =	vst v63  }
0x21a: {  	s20 =	simm.s32 $0x5080;
	v3 =	vadd.s32 v1, v3  }
0x21b: {  	[tilespmem:s20], [sflag:$0x4] =	stream.indirect_vreg.gather [hbm4b:s8+s18], $0x80, v4, vm0, $0xb8;
	[tilespmem:$0x18080] =	vst v63  }
0x21c: {  	s21 =	simm.s32 $0x5880  }
0x21d: {  	[tilespmem:s21], [sflag:$0x4] =	stream.indirect_vreg.gather [hbm4b:s9+s18], $0x80, v4, vm0, $0xb8;
	[tilespmem:$0x18080] =	vst v63  }
0x21e: {  	s22 =	simm.s32 $0x6080  }
0x21f: {  	[tilespmem:s22], [sflag:$0x4] =	stream.indirect_vreg.gather [hbm4b:s0+s18], $0x80, v3, vm0, $0xb8;
	[tilespmem:$0x18080] =	vst v63  }
0x220: {  	_ = 	snop  }
0x221: {  	[tilespmem:s11], [sflag:$0x4] =	stream.indirect_vreg.gather [hbm4b:s7+s18], $0x80, v3, vm0, $0xb8;
	[tilespmem:$0x18080] =	vst v63  }
0x222: {  	_ = 	snop  }
0x223: {  	[tilespmem:s24], [sflag:$0x4] =	stream.indirect_vreg.gather [hbm4b:s8+s18], $0x80, v3, vm0, $0xb8;
	[tilespmem:$0x18080] =	vst v63  }
0x224: {  	_ = 	snop  }
0x225: {  	[tilespmem:s12], [sflag:$0x4] =	stream.indirect_vreg.gather [hbm4b:s9+s18], $0x80, v3, vm0, $0xb8;
	[tilespmem:$0x18080] =	vst v63  }
0x226: {  	s23 =	rddreg [dreg:$0x14]  }
0x227: {  	[hbm4b:s23+s18] =	stream.linear.scatter [tilespmem:s16], [sflag:$0x2], $0x4000, $0x38;
	[tilespmem:$0x18080] =	vst v63  }
0x228: {  	_ =	swait.ge [sflag:s28], $0x4000  }
0x229: {  	[sflag:s28] =	ssyncset.done $0x0  }
0x22a: {  	s31 =	rddreg [dreg:$0x15];
	[sflag:s28] =	ssyncadd.s32 $0xFFFFC000  }
0x22b: {  	[tilespmem:s14], [sflag:$0x1] =	stream.linear.gather [hbm4b:s31+s18], $0x4000, $0x38;
	[tilespmem:$0x18080] =	vst v63  }
0x22c: {  	_ =	swait.ge [sflag:s25], $0x4000  }
0x22d: {  	[sflag:s25] =	ssyncset.done $0x0  }
0x22e: {  	[sflag:s25] =	ssyncadd.s32 $0xFFFFC000  }
0x22f: {  	_ =	swait.ge [sflag:s15], $0x4000  }
0x230: {  	[sflag:s15] =	ssyncset.done $0x0  }
0x231: {  	s30 =	simm.s32 $0x0;
	s19 =	simm.s32 $0x0;
	[sflag:s15] =	ssyncadd.s32 $0xFFFFC000  }
.LBB2_34:
0x232: {  	s20 =	sand.u32 $0x7, s30  }
0x233: {  	s20 =	sshll.u32 s20, $0x9  }
0x234: {  	s31 =	sshrl.u32 s20, $0x2  }
0x235: {  	v3 =	vmov s31;
	_ =	sdelay $0x2  }
0x236: {  	s23 =	sand.u32 $0x3FFFE000, s18  }
0x237: {  	s22 =	sor.u32 $0xC0, s23  }
0x238: {  	v4 =	vld.idx.msk [tilespmem:v3+s22+$0x30 ss:$0x1], $0xffff  }
0x239: {  	v5 =	vld.idx.msk [tilespmem:v3+s22+$0xFFFFFFD0 ss:$0x1], $0xffff  }
0x23a: {  	v6 =	vld.idx.msk [tilespmem:v3+s22+$0xFFFFFFE0 ss:$0x1], $0xffff  }
0x23b: {  	v7 =	vld.idx.msk [tilespmem:v3+s22+$0xFFFFFFF0 ss:$0x1], $0xffff  }
0x23c: {  	v8 =	vld.idx.msk [tilespmem:v3+s22+$0x0 ss:$0x1], $0xffff  }
0x23d: {  	s20 =	sadd.s32 $0x8080, s23;
	v9 =	vld.idx.msk [tilespmem:v3+s22+$0x10 ss:$0x1], $0xffff  }
0x23e: {  	s23 =	sadd.s32 s31, s20;
	v10 =	vld.idx.msk [tilespmem:v3+s22+$0xFFFFFFC0 ss:$0x1], $0xffff  }
0x23f: {  	[tilespmem:s23+$0x70] =	vst.add.f32.msk $0xffff, v4  }
0x240: {  	v4 =	vld.idx.msk [tilespmem:v3+s22+$0x20 ss:$0x1], $0xffff  }
0x241: {  	[tilespmem:s23+$0x10] =	vst.add.f32.msk $0xffff, v5  }
0x242: {  	[tilespmem:s23+$0x20] =	vst.add.f32.msk $0xffff, v6  }
0x243: {  	[tilespmem:s23+$0x30] =	vst.add.f32.msk $0xffff, v7  }
0x244: {  	[tilespmem:s23+$0x40] =	vst.add.f32.msk $0xffff, v8  }
0x245: {  	[tilespmem:s23+$0x50] =	vst.add.f32.msk $0xffff, v9  }
0x246: {  	[tilespmem:s23+$0x0] =	vst.add.f32.msk $0xffff, v10  }
0x247: {  	s21 =	simm.s32 $0x0;
	s22 =	sadd.s32 $0x400, s22;
	[tilespmem:s23+$0x60] =	vst.add.f32.msk $0xffff, v4  }
.LBB2_35:
0x248: {  	v4 =	vld.idx.msk [tilespmem:v3+s22+$0x30 ss:$0x1], $0xffff;
	s21 =	sadd.s32 $0x80, s21  }
0x249: {  	v5 =	vld.idx.msk [tilespmem:v3+s22+$0xFFFFFFD0 ss:$0x1], $0xffff;
	p0 =	slt.u32 s21, $0x380  }
0x24a: {  	v6 =	vld.idx.msk [tilespmem:v3+s22+$0xFFFFFFE0 ss:$0x1], $0xffff  }
0x24b: {  	v7 =	vld.idx.msk [tilespmem:v3+s22+$0xFFFFFFF0 ss:$0x1], $0xffff  }
0x24c: {  	s20 =	sadd.s32 $0x400, s20;
	v8 =	vld.idx.msk [tilespmem:v3+s22+$0x0 ss:$0x1], $0xffff  }
0x24d: {  	s23 =	sadd.s32 s31, s20;
	v9 =	vld.idx.msk [tilespmem:v3+s22+$0x10 ss:$0x1], $0xffff  }
0x24e: {  	[tilespmem:s23+$0x70] =	vst.add.f32.msk $0xffff, v4  }
0x24f: {  	v4 =	vld.idx.msk [tilespmem:v3+s22+$0x20 ss:$0x1], $0xffff  }
0x250: {  	v10 =	vld.idx.msk [tilespmem:v3+s22+$0xFFFFFFC0 ss:$0x1], $0xffff  }
0x251: {  	[tilespmem:s23+$0x10] =	vst.add.f32.msk $0xffff, v5  }
0x252: {  	[tilespmem:s23+$0x20] =	vst.add.f32.msk $0xffff, v6  }
.Ltmp16:
0x253: {  	[tilespmem:s23+$0x30] =	vst.add.f32.msk $0xffff, v7;
	(pc) =	sbr.rel @p0 .LBB2_35-.Ltmp16, $4  }
0x254: {  	[tilespmem:s23+$0x40] =	vst.add.f32.msk $0xffff, v8  }
0x255: {  	[tilespmem:s23+$0x50] =	vst.add.f32.msk $0xffff, v9  }
0x256: {  	[tilespmem:s23+$0x0] =	vst.add.f32.msk $0xffff, v10  }
0x257: {  	s22 =	sadd.s32 $0x400, s22;
	[tilespmem:s23+$0x60] =	vst.add.f32.msk $0xffff, v4  }
0x258: {  	s19 =	sadd.s32 $0x1, s19  }
0x259: {  	p0 =	sne.s32 s19, $0x10  }
.Ltmp17:
0x25a: {  	_ = 	snop;
	(pc) =	sbr.rel @p0 .LBB2_34-.Ltmp17, $2  }
0x25b: {  	_ =	sdelay $0x2  }
0x25c: {  	s30 =	sadd.s32 $0x1, s30;
	s18 =	sadd.s32 $0x400, s18  }
0x25d: {  	s18 =	simm.s32 $0x0;
	s19 =	rddreg [dreg:$0x16]  }
0x25e: {  	[hbm4b:s19+s18] =	stream.linear.scatter [tilespmem:s13], [sflag:$0x2], $0x4000, $0x38;
	[tilespmem:$0x18080] =	vst v63  }
0x25f: {  	_ =	swait.ge [sflag:s28], $0x4000  }
0x260: {  	[sflag:s28] =	ssyncset.done $0x0  }
0x261: {  	s31 =	rddreg [dreg:$0x18];
	[sflag:s28] =	ssyncadd.s32 $0xFFFFC000  }
0x262: {  	[tilespmem:s26], [sflag:$0x1] =	stream.linear.gather [hbm4b:s31+s18], $0x4000, $0x38;
	[tilespmem:$0x18080] =	vst v63  }
0x263: {  	_ =	swait.ge [sflag:s15], $0x4000  }
0x264: {  	[sflag:s15] =	ssyncset.done $0x0  }
0x265: {  	s30 =	simm.s32 $0x0;
	s19 =	simm.s32 $0x0;
	[sflag:s15] =	ssyncadd.s32 $0xFFFFC000  }
.LBB2_38:
0x266: {  	s20 =	sand.u32 $0x7, s30  }
0x267: {  	s20 =	sshll.u32 s20, $0x9  }
0x268: {  	s31 =	sshrl.u32 s20, $0x2  }
0x269: {  	v3 =	vmov s31;
	_ =	sdelay $0x2  }
0x26a: {  	s23 =	sand.u32 $0x3FFFE000, s18  }
0x26b: {  	s22 =	sor.u32 $0xC0, s23  }
0x26c: {  	v4 =	vld.idx.msk [tilespmem:v3+s22+$0x30 ss:$0x1], $0xffff  }
0x26d: {  	v5 =	vld.idx.msk [tilespmem:v3+s22+$0xFFFFFFD0 ss:$0x1], $0xffff  }
0x26e: {  	v6 =	vld.idx.msk [tilespmem:v3+s22+$0xFFFFFFE0 ss:$0x1], $0xffff  }
0x26f: {  	v7 =	vld.idx.msk [tilespmem:v3+s22+$0xFFFFFFF0 ss:$0x1], $0xffff  }
0x270: {  	v8 =	vld.idx.msk [tilespmem:v3+s22+$0x0 ss:$0x1], $0xffff  }
0x271: {  	s20 =	sadd.s32 $0x8080, s23;
	v9 =	vld.idx.msk [tilespmem:v3+s22+$0x10 ss:$0x1], $0xffff  }
0x272: {  	s23 =	sadd.s32 s31, s20;
	v10 =	vld.idx.msk [tilespmem:v3+s22+$0xFFFFFFC0 ss:$0x1], $0xffff  }
0x273: {  	[tilespmem:s23+$0x4070] =	vst.add.f32.msk $0xffff, v4  }
0x274: {  	v4 =	vld.idx.msk [tilespmem:v3+s22+$0x20 ss:$0x1], $0xffff  }
0x275: {  	[tilespmem:s23+$0x4010] =	vst.add.f32.msk $0xffff, v5  }
0x276: {  	[tilespmem:s23+$0x4020] =	vst.add.f32.msk $0xffff, v6  }
0x277: {  	[tilespmem:s23+$0x4030] =	vst.add.f32.msk $0xffff, v7  }
0x278: {  	[tilespmem:s23+$0x4040] =	vst.add.f32.msk $0xffff, v8  }
0x279: {  	[tilespmem:s23+$0x4050] =	vst.add.f32.msk $0xffff, v9  }
0x27a: {  	[tilespmem:s23+$0x4000] =	vst.add.f32.msk $0xffff, v10  }
0x27b: {  	s21 =	simm.s32 $0x0;
	s22 =	sadd.s32 $0x400, s22;
	[tilespmem:s23+$0x4060] =	vst.add.f32.msk $0xffff, v4  }
.LBB2_39:
0x27c: {  	v4 =	vld.idx.msk [tilespmem:v3+s22+$0x30 ss:$0x1], $0xffff;
	s21 =	sadd.s32 $0x80, s21  }
0x27d: {  	v5 =	vld.idx.msk [tilespmem:v3+s22+$0xFFFFFFD0 ss:$0x1], $0xffff;
	p0 =	slt.u32 s21, $0x380  }
0x27e: {  	v6 =	vld.idx.msk [tilespmem:v3+s22+$0xFFFFFFE0 ss:$0x1], $0xffff  }
0x27f: {  	v7 =	vld.idx.msk [tilespmem:v3+s22+$0xFFFFFFF0 ss:$0x1], $0xffff  }
0x280: {  	s20 =	sadd.s32 $0x400, s20;
	v8 =	vld.idx.msk [tilespmem:v3+s22+$0x0 ss:$0x1], $0xffff  }
0x281: {  	s23 =	sadd.s32 s31, s20;
	v9 =	vld.idx.msk [tilespmem:v3+s22+$0x10 ss:$0x1], $0xffff  }
0x282: {  	[tilespmem:s23+$0x4070] =	vst.add.f32.msk $0xffff, v4  }
0x283: {  	v4 =	vld.idx.msk [tilespmem:v3+s22+$0x20 ss:$0x1], $0xffff  }
0x284: {  	v10 =	vld.idx.msk [tilespmem:v3+s22+$0xFFFFFFC0 ss:$0x1], $0xffff  }
0x285: {  	[tilespmem:s23+$0x4010] =	vst.add.f32.msk $0xffff, v5  }
0x286: {  	[tilespmem:s23+$0x4020] =	vst.add.f32.msk $0xffff, v6  }
.Ltmp18:
0x287: {  	[tilespmem:s23+$0x4030] =	vst.add.f32.msk $0xffff, v7;
	(pc) =	sbr.rel @p0 .LBB2_39-.Ltmp18, $4  }
0x288: {  	[tilespmem:s23+$0x4040] =	vst.add.f32.msk $0xffff, v8  }
0x289: {  	[tilespmem:s23+$0x4050] =	vst.add.f32.msk $0xffff, v9  }
0x28a: {  	[tilespmem:s23+$0x4000] =	vst.add.f32.msk $0xffff, v10  }
0x28b: {  	s22 =	sadd.s32 $0x400, s22;
	[tilespmem:s23+$0x4060] =	vst.add.f32.msk $0xffff, v4  }
0x28c: {  	s19 =	sadd.s32 $0x1, s19  }
0x28d: {  	p0 =	sne.s32 s19, $0x10  }
.Ltmp19:
0x28e: {  	_ = 	snop;
	(pc) =	sbr.rel @p0 .LBB2_38-.Ltmp19, $2  }
0x28f: {  	_ =	sdelay $0x2  }
0x290: {  	s30 =	sadd.s32 $0x1, s30;
	s18 =	sadd.s32 $0x400, s18  }
0x291: {  	s18 =	simm.s32 $0x0;
	s19 =	rddreg [dreg:$0x17]  }
0x292: {  	[hbm4b:s19+s18] =	stream.linear.scatter [tilespmem:s14], [sflag:$0x2], $0x4000, $0x38;
	[tilespmem:$0x18080] =	vst v63  }
0x293: {  	_ =	swait.ge [sflag:s28], $0x4000  }
0x294: {  	[sflag:s28] =	ssyncset.done $0x0  }
0x295: {  	s31 =	rddreg [dreg:$0x1a];
	[sflag:s28] =	ssyncadd.s32 $0xFFFFC000  }
0x296: {  	[tilespmem:s16], [sflag:$0x1] =	stream.linear.gather [hbm4b:s31+s18], $0x4000, $0x38;
	[tilespmem:$0x18080] =	vst v63  }
0x297: {  	_ =	swait.ge [sflag:s15], $0x4000  }
0x298: {  	[sflag:s15] =	ssyncset.done $0x0  }
0x299: {  	s30 =	simm.s32 $0x0;
	s19 =	simm.s32 $0x0;
	[sflag:s15] =	ssyncadd.s32 $0xFFFFC000  }
.LBB2_42:
0x29a: {  	s20 =	sand.u32 $0x7, s30  }
0x29b: {  	s20 =	sshll.u32 s20, $0x9  }
0x29c: {  	s31 =	sshrl.u32 s20, $0x2  }
0x29d: {  	v3 =	vmov s31;
	_ =	sdelay $0x2  }
0x29e: {  	s23 =	sand.u32 $0x3FFFE000, s18  }
0x29f: {  	s22 =	sor.u32 $0xC0, s23  }
0x2a0: {  	v4 =	vld.idx.msk [tilespmem:v3+s22+$0x30 ss:$0x1], $0xffff  }
0x2a1: {  	v5 =	vld.idx.msk [tilespmem:v3+s22+$0xFFFFFFD0 ss:$0x1], $0xffff  }
0x2a2: {  	v6 =	vld.idx.msk [tilespmem:v3+s22+$0xFFFFFFE0 ss:$0x1], $0xffff  }
0x2a3: {  	v7 =	vld.idx.msk [tilespmem:v3+s22+$0xFFFFFFF0 ss:$0x1], $0xffff  }
0x2a4: {  	v8 =	vld.idx.msk [tilespmem:v3+s22+$0x0 ss:$0x1], $0xffff  }
0x2a5: {  	s20 =	sadd.s32 $0x8080, s23;
	v9 =	vld.idx.msk [tilespmem:v3+s22+$0x10 ss:$0x1], $0xffff  }
0x2a6: {  	s23 =	sadd.s32 s31, s20;
	v10 =	vld.idx.msk [tilespmem:v3+s22+$0xFFFFFFC0 ss:$0x1], $0xffff  }
0x2a7: {  	[tilespmem:s23+$0x8070] =	vst.add.f32.msk $0xffff, v4  }
0x2a8: {  	v4 =	vld.idx.msk [tilespmem:v3+s22+$0x20 ss:$0x1], $0xffff  }
0x2a9: {  	[tilespmem:s23+$0x8010] =	vst.add.f32.msk $0xffff, v5  }
0x2aa: {  	[tilespmem:s23+$0x8020] =	vst.add.f32.msk $0xffff, v6  }
0x2ab: {  	[tilespmem:s23+$0x8030] =	vst.add.f32.msk $0xffff, v7  }
0x2ac: {  	[tilespmem:s23+$0x8040] =	vst.add.f32.msk $0xffff, v8  }
0x2ad: {  	[tilespmem:s23+$0x8050] =	vst.add.f32.msk $0xffff, v9  }
0x2ae: {  	[tilespmem:s23+$0x8000] =	vst.add.f32.msk $0xffff, v10  }
0x2af: {  	s21 =	simm.s32 $0x0;
	s22 =	sadd.s32 $0x400, s22;
	[tilespmem:s23+$0x8060] =	vst.add.f32.msk $0xffff, v4  }
.LBB2_43:
0x2b0: {  	v4 =	vld.idx.msk [tilespmem:v3+s22+$0x30 ss:$0x1], $0xffff;
	s21 =	sadd.s32 $0x80, s21  }
0x2b1: {  	v5 =	vld.idx.msk [tilespmem:v3+s22+$0xFFFFFFD0 ss:$0x1], $0xffff;
	p0 =	slt.u32 s21, $0x380  }
0x2b2: {  	v6 =	vld.idx.msk [tilespmem:v3+s22+$0xFFFFFFE0 ss:$0x1], $0xffff  }
0x2b3: {  	v7 =	vld.idx.msk [tilespmem:v3+s22+$0xFFFFFFF0 ss:$0x1], $0xffff  }
0x2b4: {  	s20 =	sadd.s32 $0x400, s20;
	v8 =	vld.idx.msk [tilespmem:v3+s22+$0x0 ss:$0x1], $0xffff  }
0x2b5: {  	s23 =	sadd.s32 s31, s20;
	v9 =	vld.idx.msk [tilespmem:v3+s22+$0x10 ss:$0x1], $0xffff  }
0x2b6: {  	[tilespmem:s23+$0x8070] =	vst.add.f32.msk $0xffff, v4  }
0x2b7: {  	v4 =	vld.idx.msk [tilespmem:v3+s22+$0x20 ss:$0x1], $0xffff  }
0x2b8: {  	v10 =	vld.idx.msk [tilespmem:v3+s22+$0xFFFFFFC0 ss:$0x1], $0xffff  }
0x2b9: {  	[tilespmem:s23+$0x8010] =	vst.add.f32.msk $0xffff, v5  }
0x2ba: {  	[tilespmem:s23+$0x8020] =	vst.add.f32.msk $0xffff, v6  }
.Ltmp20:
0x2bb: {  	[tilespmem:s23+$0x8030] =	vst.add.f32.msk $0xffff, v7;
	(pc) =	sbr.rel @p0 .LBB2_43-.Ltmp20, $4  }
0x2bc: {  	[tilespmem:s23+$0x8040] =	vst.add.f32.msk $0xffff, v8  }
0x2bd: {  	[tilespmem:s23+$0x8050] =	vst.add.f32.msk $0xffff, v9  }
0x2be: {  	[tilespmem:s23+$0x8000] =	vst.add.f32.msk $0xffff, v10  }
0x2bf: {  	s22 =	sadd.s32 $0x400, s22;
	[tilespmem:s23+$0x8060] =	vst.add.f32.msk $0xffff, v4  }
0x2c0: {  	s19 =	sadd.s32 $0x1, s19  }
0x2c1: {  	p0 =	sne.s32 s19, $0x10  }
.Ltmp21:
0x2c2: {  	_ = 	snop;
	(pc) =	sbr.rel @p0 .LBB2_42-.Ltmp21, $2  }
0x2c3: {  	_ =	sdelay $0x2  }
0x2c4: {  	s30 =	sadd.s32 $0x1, s30;
	s18 =	sadd.s32 $0x400, s18  }
0x2c5: {  	s18 =	simm.s32 $0x0;
	s19 =	rddreg [dreg:$0x19]  }
0x2c6: {  	[hbm4b:s19+s18] =	stream.linear.scatter [tilespmem:s26], [sflag:$0x2], $0x4000, $0x38;
	[tilespmem:$0x18080] =	vst v63  }
0x2c7: {  	_ =	swait.ge [sflag:s28], $0x4000  }
0x2c8: {  	[sflag:s28] =	ssyncset.done $0x0  }
0x2c9: {  	s31 =	rddreg [dreg:$0x1c];
	[sflag:s28] =	ssyncadd.s32 $0xFFFFC000  }
0x2ca: {  	[tilespmem:s13], [sflag:$0x1] =	stream.linear.gather [hbm4b:s31+s18], $0x4000, $0x38;
	[tilespmem:$0x18080] =	vst v63  }
0x2cb: {  	_ =	swait.ge [sflag:s15], $0x4000  }
0x2cc: {  	[sflag:s15] =	ssyncset.done $0x0  }
0x2cd: {  	s30 =	simm.s32 $0x0;
	s19 =	simm.s32 $0x0;
	[sflag:s15] =	ssyncadd.s32 $0xFFFFC000  }
.LBB2_46:
0x2ce: {  	s20 =	sand.u32 $0x7, s30  }
0x2cf: {  	s20 =	sshll.u32 s20, $0x9  }
0x2d0: {  	s31 =	sshrl.u32 s20, $0x2  }
0x2d1: {  	v3 =	vmov s31;
	_ =	sdelay $0x2  }
0x2d2: {  	s23 =	sand.u32 $0x3FFFE000, s18  }
0x2d3: {  	s22 =	sor.u32 $0xC0, s23  }
0x2d4: {  	v4 =	vld.idx.msk [tilespmem:v3+s22+$0x30 ss:$0x1], $0xffff  }
0x2d5: {  	v5 =	vld.idx.msk [tilespmem:v3+s22+$0xFFFFFFD0 ss:$0x1], $0xffff  }
0x2d6: {  	v6 =	vld.idx.msk [tilespmem:v3+s22+$0xFFFFFFE0 ss:$0x1], $0xffff  }
0x2d7: {  	v7 =	vld.idx.msk [tilespmem:v3+s22+$0xFFFFFFF0 ss:$0x1], $0xffff  }
0x2d8: {  	v8 =	vld.idx.msk [tilespmem:v3+s22+$0x0 ss:$0x1], $0xffff  }
0x2d9: {  	s20 =	sadd.s32 $0x8080, s23;
	v9 =	vld.idx.msk [tilespmem:v3+s22+$0x10 ss:$0x1], $0xffff  }
0x2da: {  	s23 =	sadd.s32 s31, s20;
	v10 =	vld.idx.msk [tilespmem:v3+s22+$0xFFFFFFC0 ss:$0x1], $0xffff  }
0x2db: {  	[tilespmem:s23+$0xC070] =	vst.add.f32.msk $0xffff, v4  }
0x2dc: {  	v4 =	vld.idx.msk [tilespmem:v3+s22+$0x20 ss:$0x1], $0xffff  }
0x2dd: {  	[tilespmem:s23+$0xC010] =	vst.add.f32.msk $0xffff, v5  }
0x2de: {  	[tilespmem:s23+$0xC020] =	vst.add.f32.msk $0xffff, v6  }
0x2df: {  	[tilespmem:s23+$0xC030] =	vst.add.f32.msk $0xffff, v7  }
0x2e0: {  	[tilespmem:s23+$0xC040] =	vst.add.f32.msk $0xffff, v8  }
0x2e1: {  	[tilespmem:s23+$0xC050] =	vst.add.f32.msk $0xffff, v9  }
0x2e2: {  	[tilespmem:s23+$0xC000] =	vst.add.f32.msk $0xffff, v10  }
0x2e3: {  	s21 =	simm.s32 $0x0;
	s22 =	sadd.s32 $0x400, s22;
	[tilespmem:s23+$0xC060] =	vst.add.f32.msk $0xffff, v4  }
.LBB2_47:
0x2e4: {  	v4 =	vld.idx.msk [tilespmem:v3+s22+$0x30 ss:$0x1], $0xffff;
	s21 =	sadd.s32 $0x80, s21  }
0x2e5: {  	v5 =	vld.idx.msk [tilespmem:v3+s22+$0xFFFFFFD0 ss:$0x1], $0xffff;
	p0 =	slt.u32 s21, $0x380  }
0x2e6: {  	v6 =	vld.idx.msk [tilespmem:v3+s22+$0xFFFFFFE0 ss:$0x1], $0xffff  }
0x2e7: {  	v7 =	vld.idx.msk [tilespmem:v3+s22+$0xFFFFFFF0 ss:$0x1], $0xffff  }
0x2e8: {  	s20 =	sadd.s32 $0x400, s20;
	v8 =	vld.idx.msk [tilespmem:v3+s22+$0x0 ss:$0x1], $0xffff  }
0x2e9: {  	s23 =	sadd.s32 s31, s20;
	v9 =	vld.idx.msk [tilespmem:v3+s22+$0x10 ss:$0x1], $0xffff  }
0x2ea: {  	[tilespmem:s23+$0xC070] =	vst.add.f32.msk $0xffff, v4  }
0x2eb: {  	v4 =	vld.idx.msk [tilespmem:v3+s22+$0x20 ss:$0x1], $0xffff  }
0x2ec: {  	v10 =	vld.idx.msk [tilespmem:v3+s22+$0xFFFFFFC0 ss:$0x1], $0xffff  }
0x2ed: {  	[tilespmem:s23+$0xC010] =	vst.add.f32.msk $0xffff, v5  }
0x2ee: {  	[tilespmem:s23+$0xC020] =	vst.add.f32.msk $0xffff, v6  }
.Ltmp22:
0x2ef: {  	[tilespmem:s23+$0xC030] =	vst.add.f32.msk $0xffff, v7;
	(pc) =	sbr.rel @p0 .LBB2_47-.Ltmp22, $4  }
0x2f0: {  	[tilespmem:s23+$0xC040] =	vst.add.f32.msk $0xffff, v8  }
0x2f1: {  	[tilespmem:s23+$0xC050] =	vst.add.f32.msk $0xffff, v9  }
0x2f2: {  	[tilespmem:s23+$0xC000] =	vst.add.f32.msk $0xffff, v10  }
0x2f3: {  	s22 =	sadd.s32 $0x400, s22;
	[tilespmem:s23+$0xC060] =	vst.add.f32.msk $0xffff, v4  }
0x2f4: {  	s19 =	sadd.s32 $0x1, s19  }
0x2f5: {  	p0 =	sne.s32 s19, $0x10  }
.Ltmp23:
0x2f6: {  	_ = 	snop;
	(pc) =	sbr.rel @p0 .LBB2_46-.Ltmp23, $2  }
0x2f7: {  	_ =	sdelay $0x2  }
0x2f8: {  	s30 =	sadd.s32 $0x1, s30;
	s18 =	sadd.s32 $0x400, s18  }
0x2f9: {  	s18 =	simm.s32 $0x0;
	s19 =	rddreg [dreg:$0x1b]  }
0x2fa: {  	[hbm4b:s19+s18] =	stream.linear.scatter [tilespmem:s16], [sflag:$0x2], $0x4000, $0x38;
	[tilespmem:$0x18080] =	vst v63  }
0x2fb: {  	_ =	swait.ge [sflag:s28], $0x4000  }
0x2fc: {  	[sflag:s28] =	ssyncset.done $0x0  }
0x2fd: {  	s31 =	rddreg [dreg:$0x1e];
	[sflag:s28] =	ssyncadd.s32 $0xFFFFC000  }
0x2fe: {  	[tilespmem:s14], [sflag:$0x1] =	stream.linear.gather [hbm4b:s31+s18], $0x4000, $0x38;
	[tilespmem:$0x18080] =	vst v63  }
0x2ff: {  	_ =	swait.ge [sflag:s17], $0x4000  }
0x300: {  	[sflag:s17] =	ssyncset.done $0x0  }
0x301: {  	[sflag:s17] =	ssyncadd.s32 $0xFFFFC000  }
0x302: {  	_ =	swait.ge [sflag:s15], $0x4000  }
0x303: {  	[sflag:s15] =	ssyncset.done $0x0  }
0x304: {  	s30 =	simm.s32 $0x0;
	s19 =	simm.s32 $0x0;
	[sflag:s15] =	ssyncadd.s32 $0xFFFFC000  }
.LBB2_50:
0x305: {  	s20 =	sand.u32 $0x7, s30  }
0x306: {  	s20 =	sshll.u32 s20, $0x9  }
0x307: {  	s31 =	sshrl.u32 s20, $0x2  }
0x308: {  	v3 =	vmov s31;
	_ =	sdelay $0x2  }
0x309: {  	s23 =	sand.u32 $0x3FFFE000, s18  }
0x30a: {  	s22 =	sadd.s32 $0x40C0, s23  }
0x30b: {  	v4 =	vld.idx.msk [tilespmem:v3+s22+$0x30 ss:$0x1], $0xffff  }
0x30c: {  	v5 =	vld.idx.msk [tilespmem:v3+s22+$0xFFFFFFD0 ss:$0x1], $0xffff  }
0x30d: {  	v6 =	vld.idx.msk [tilespmem:v3+s22+$0xFFFFFFE0 ss:$0x1], $0xffff  }
0x30e: {  	v7 =	vld.idx.msk [tilespmem:v3+s22+$0xFFFFFFF0 ss:$0x1], $0xffff  }
0x30f: {  	v8 =	vld.idx.msk [tilespmem:v3+s22+$0x0 ss:$0x1], $0xffff  }
0x310: {  	s20 =	sadd.s32 $0x8080, s23;
	v9 =	vld.idx.msk [tilespmem:v3+s22+$0x10 ss:$0x1], $0xffff  }
0x311: {  	s23 =	sadd.s32 s31, s20;
	v10 =	vld.idx.msk [tilespmem:v3+s22+$0xFFFFFFC0 ss:$0x1], $0xffff  }
0x312: {  	[tilespmem:s23+$0x70] =	vst.add.f32.msk $0xffff, v4  }
0x313: {  	v4 =	vld.idx.msk [tilespmem:v3+s22+$0x20 ss:$0x1], $0xffff  }
0x314: {  	[tilespmem:s23+$0x10] =	vst.add.f32.msk $0xffff, v5  }
0x315: {  	[tilespmem:s23+$0x20] =	vst.add.f32.msk $0xffff, v6  }
0x316: {  	[tilespmem:s23+$0x30] =	vst.add.f32.msk $0xffff, v7  }
0x317: {  	[tilespmem:s23+$0x40] =	vst.add.f32.msk $0xffff, v8  }
0x318: {  	[tilespmem:s23+$0x50] =	vst.add.f32.msk $0xffff, v9  }
0x319: {  	[tilespmem:s23+$0x0] =	vst.add.f32.msk $0xffff, v10  }
0x31a: {  	s21 =	simm.s32 $0x0;
	s22 =	sadd.s32 $0x400, s22;
	[tilespmem:s23+$0x60] =	vst.add.f32.msk $0xffff, v4  }
.LBB2_51:
0x31b: {  	v4 =	vld.idx.msk [tilespmem:v3+s22+$0x30 ss:$0x1], $0xffff;
	s21 =	sadd.s32 $0x80, s21  }
0x31c: {  	v5 =	vld.idx.msk [tilespmem:v3+s22+$0xFFFFFFD0 ss:$0x1], $0xffff;
	p0 =	slt.u32 s21, $0x380  }
0x31d: {  	v6 =	vld.idx.msk [tilespmem:v3+s22+$0xFFFFFFE0 ss:$0x1], $0xffff  }
0x31e: {  	v7 =	vld.idx.msk [tilespmem:v3+s22+$0xFFFFFFF0 ss:$0x1], $0xffff  }
0x31f: {  	s20 =	sadd.s32 $0x400, s20;
	v8 =	vld.idx.msk [tilespmem:v3+s22+$0x0 ss:$0x1], $0xffff  }
0x320: {  	s23 =	sadd.s32 s31, s20;
	v9 =	vld.idx.msk [tilespmem:v3+s22+$0x10 ss:$0x1], $0xffff  }
0x321: {  	[tilespmem:s23+$0x70] =	vst.add.f32.msk $0xffff, v4  }
0x322: {  	v4 =	vld.idx.msk [tilespmem:v3+s22+$0x20 ss:$0x1], $0xffff  }
0x323: {  	v10 =	vld.idx.msk [tilespmem:v3+s22+$0xFFFFFFC0 ss:$0x1], $0xffff  }
0x324: {  	[tilespmem:s23+$0x10] =	vst.add.f32.msk $0xffff, v5  }
0x325: {  	[tilespmem:s23+$0x20] =	vst.add.f32.msk $0xffff, v6  }
.Ltmp24:
0x326: {  	[tilespmem:s23+$0x30] =	vst.add.f32.msk $0xffff, v7;
	(pc) =	sbr.rel @p0 .LBB2_51-.Ltmp24, $4  }
0x327: {  	[tilespmem:s23+$0x40] =	vst.add.f32.msk $0xffff, v8  }
0x328: {  	[tilespmem:s23+$0x50] =	vst.add.f32.msk $0xffff, v9  }
0x329: {  	[tilespmem:s23+$0x0] =	vst.add.f32.msk $0xffff, v10  }
0x32a: {  	s22 =	sadd.s32 $0x400, s22;
	[tilespmem:s23+$0x60] =	vst.add.f32.msk $0xffff, v4  }
0x32b: {  	s19 =	sadd.s32 $0x1, s19  }
0x32c: {  	p0 =	sne.s32 s19, $0x10  }
.Ltmp25:
0x32d: {  	_ = 	snop;
	(pc) =	sbr.rel @p0 .LBB2_50-.Ltmp25, $2  }
0x32e: {  	_ =	sdelay $0x2  }
0x32f: {  	s30 =	sadd.s32 $0x1, s30;
	s18 =	sadd.s32 $0x400, s18  }
0x330: {  	s18 =	simm.s32 $0x0;
	s19 =	rddreg [dreg:$0x1d]  }
0x331: {  	[hbm4b:s19+s18] =	stream.linear.scatter [tilespmem:s13], [sflag:$0x2], $0x4000, $0x38;
	[tilespmem:$0x18080] =	vst v63  }
0x332: {  	_ =	swait.ge [sflag:s28], $0x4000  }
0x333: {  	[sflag:s28] =	ssyncset.done $0x0  }
0x334: {  	[sflag:s28] =	ssyncadd.s32 $0xFFFFC000  }
0x335: {  	[tilespmem:s26], [sflag:$0x1] =	stream.linear.gather [hbm4b:s2+s18], $0x4000, $0x38;
	[tilespmem:$0x18080] =	vst v63  }
0x336: {  	_ =	swait.ge [sflag:s15], $0x4000  }
0x337: {  	[sflag:s15] =	ssyncset.done $0x0  }
0x338: {  	s30 =	simm.s32 $0x0;
	s19 =	simm.s32 $0x0;
	[sflag:s15] =	ssyncadd.s32 $0xFFFFC000  }
.LBB2_54:
0x339: {  	s20 =	sand.u32 $0x7, s30  }
0x33a: {  	s20 =	sshll.u32 s20, $0x9  }
0x33b: {  	s31 =	sshrl.u32 s20, $0x2  }
0x33c: {  	v3 =	vmov s31;
	_ =	sdelay $0x2  }
0x33d: {  	s23 =	sand.u32 $0x3FFFE000, s18  }
0x33e: {  	s22 =	sadd.s32 $0x40C0, s23  }
0x33f: {  	v4 =	vld.idx.msk [tilespmem:v3+s22+$0x30 ss:$0x1], $0xffff  }
0x340: {  	v5 =	vld.idx.msk [tilespmem:v3+s22+$0xFFFFFFD0 ss:$0x1], $0xffff  }
0x341: {  	v6 =	vld.idx.msk [tilespmem:v3+s22+$0xFFFFFFE0 ss:$0x1], $0xffff  }
0x342: {  	v7 =	vld.idx.msk [tilespmem:v3+s22+$0xFFFFFFF0 ss:$0x1], $0xffff  }
0x343: {  	v8 =	vld.idx.msk [tilespmem:v3+s22+$0x0 ss:$0x1], $0xffff  }
0x344: {  	s20 =	sadd.s32 $0x8080, s23;
	v9 =	vld.idx.msk [tilespmem:v3+s22+$0x10 ss:$0x1], $0xffff  }
0x345: {  	s23 =	sadd.s32 s31, s20;
	v10 =	vld.idx.msk [tilespmem:v3+s22+$0xFFFFFFC0 ss:$0x1], $0xffff  }
0x346: {  	[tilespmem:s23+$0x4070] =	vst.add.f32.msk $0xffff, v4  }
0x347: {  	v4 =	vld.idx.msk [tilespmem:v3+s22+$0x20 ss:$0x1], $0xffff  }
0x348: {  	[tilespmem:s23+$0x4010] =	vst.add.f32.msk $0xffff, v5  }
0x349: {  	[tilespmem:s23+$0x4020] =	vst.add.f32.msk $0xffff, v6  }
0x34a: {  	[tilespmem:s23+$0x4030] =	vst.add.f32.msk $0xffff, v7  }
0x34b: {  	[tilespmem:s23+$0x4040] =	vst.add.f32.msk $0xffff, v8  }
0x34c: {  	[tilespmem:s23+$0x4050] =	vst.add.f32.msk $0xffff, v9  }
0x34d: {  	[tilespmem:s23+$0x4000] =	vst.add.f32.msk $0xffff, v10  }
0x34e: {  	s21 =	simm.s32 $0x0;
	s22 =	sadd.s32 $0x400, s22;
	[tilespmem:s23+$0x4060] =	vst.add.f32.msk $0xffff, v4  }
.LBB2_55:
0x34f: {  	v4 =	vld.idx.msk [tilespmem:v3+s22+$0x30 ss:$0x1], $0xffff;
	s21 =	sadd.s32 $0x80, s21  }
0x350: {  	v5 =	vld.idx.msk [tilespmem:v3+s22+$0xFFFFFFD0 ss:$0x1], $0xffff;
	p0 =	slt.u32 s21, $0x380  }
0x351: {  	v6 =	vld.idx.msk [tilespmem:v3+s22+$0xFFFFFFE0 ss:$0x1], $0xffff  }
0x352: {  	v7 =	vld.idx.msk [tilespmem:v3+s22+$0xFFFFFFF0 ss:$0x1], $0xffff  }
0x353: {  	s20 =	sadd.s32 $0x400, s20;
	v8 =	vld.idx.msk [tilespmem:v3+s22+$0x0 ss:$0x1], $0xffff  }
0x354: {  	s23 =	sadd.s32 s31, s20;
	v9 =	vld.idx.msk [tilespmem:v3+s22+$0x10 ss:$0x1], $0xffff  }
0x355: {  	[tilespmem:s23+$0x4070] =	vst.add.f32.msk $0xffff, v4  }
0x356: {  	v4 =	vld.idx.msk [tilespmem:v3+s22+$0x20 ss:$0x1], $0xffff  }
0x357: {  	v10 =	vld.idx.msk [tilespmem:v3+s22+$0xFFFFFFC0 ss:$0x1], $0xffff  }
0x358: {  	[tilespmem:s23+$0x4010] =	vst.add.f32.msk $0xffff, v5  }
0x359: {  	[tilespmem:s23+$0x4020] =	vst.add.f32.msk $0xffff, v6  }
.Ltmp26:
0x35a: {  	[tilespmem:s23+$0x4030] =	vst.add.f32.msk $0xffff, v7;
	(pc) =	sbr.rel @p0 .LBB2_55-.Ltmp26, $4  }
0x35b: {  	[tilespmem:s23+$0x4040] =	vst.add.f32.msk $0xffff, v8  }
0x35c: {  	[tilespmem:s23+$0x4050] =	vst.add.f32.msk $0xffff, v9  }
0x35d: {  	[tilespmem:s23+$0x4000] =	vst.add.f32.msk $0xffff, v10  }
0x35e: {  	s22 =	sadd.s32 $0x400, s22;
	[tilespmem:s23+$0x4060] =	vst.add.f32.msk $0xffff, v4  }
0x35f: {  	s19 =	sadd.s32 $0x1, s19  }
0x360: {  	p0 =	sne.s32 s19, $0x10  }
.Ltmp27:
0x361: {  	_ = 	snop;
	(pc) =	sbr.rel @p0 .LBB2_54-.Ltmp27, $2  }
0x362: {  	_ =	sdelay $0x2  }
0x363: {  	s30 =	sadd.s32 $0x1, s30;
	s18 =	sadd.s32 $0x400, s18  }
0x364: {  	s18 =	simm.s32 $0x0;
	s19 =	rddreg [dreg:$0x1f]  }
0x365: {  	[hbm4b:s19+s18] =	stream.linear.scatter [tilespmem:s14], [sflag:$0x2], $0x4000, $0x38;
	[tilespmem:$0x18080] =	vst v63  }
0x366: {  	_ =	swait.ge [sflag:s28], $0x4000  }
0x367: {  	[sflag:s28] =	ssyncset.done $0x0  }
0x368: {  	[sflag:s28] =	ssyncadd.s32 $0xFFFFC000  }
0x369: {  	[tilespmem:s16], [sflag:$0x1] =	stream.linear.gather [hbm4b:s3+s18], $0x4000, $0x38;
	[tilespmem:$0x18080] =	vst v63  }
0x36a: {  	_ =	swait.ge [sflag:s15], $0x4000  }
0x36b: {  	[sflag:s15] =	ssyncset.done $0x0  }
0x36c: {  	s30 =	simm.s32 $0x0;
	s19 =	simm.s32 $0x0;
	[sflag:s15] =	ssyncadd.s32 $0xFFFFC000  }
.LBB2_58:
0x36d: {  	s20 =	sand.u32 $0x7, s30  }
0x36e: {  	s20 =	sshll.u32 s20, $0x9  }
0x36f: {  	s31 =	sshrl.u32 s20, $0x2  }
0x370: {  	v3 =	vmov s31;
	_ =	sdelay $0x2  }
0x371: {  	s23 =	sand.u32 $0x3FFFE000, s18  }
0x372: {  	s22 =	sadd.s32 $0x40C0, s23  }
0x373: {  	v4 =	vld.idx.msk [tilespmem:v3+s22+$0x30 ss:$0x1], $0xffff  }
0x374: {  	v5 =	vld.idx.msk [tilespmem:v3+s22+$0xFFFFFFD0 ss:$0x1], $0xffff  }
0x375: {  	v6 =	vld.idx.msk [tilespmem:v3+s22+$0xFFFFFFE0 ss:$0x1], $0xffff  }
0x376: {  	v7 =	vld.idx.msk [tilespmem:v3+s22+$0xFFFFFFF0 ss:$0x1], $0xffff  }
0x377: {  	v8 =	vld.idx.msk [tilespmem:v3+s22+$0x0 ss:$0x1], $0xffff  }
0x378: {  	s20 =	sadd.s32 $0x8080, s23;
	v9 =	vld.idx.msk [tilespmem:v3+s22+$0x10 ss:$0x1], $0xffff  }
0x379: {  	s23 =	sadd.s32 s31, s20;
	v10 =	vld.idx.msk [tilespmem:v3+s22+$0xFFFFFFC0 ss:$0x1], $0xffff  }
0x37a: {  	[tilespmem:s23+$0x8070] =	vst.add.f32.msk $0xffff, v4  }
0x37b: {  	v4 =	vld.idx.msk [tilespmem:v3+s22+$0x20 ss:$0x1], $0xffff  }
0x37c: {  	[tilespmem:s23+$0x8010] =	vst.add.f32.msk $0xffff, v5  }
0x37d: {  	[tilespmem:s23+$0x8020] =	vst.add.f32.msk $0xffff, v6  }
0x37e: {  	[tilespmem:s23+$0x8030] =	vst.add.f32.msk $0xffff, v7  }
0x37f: {  	[tilespmem:s23+$0x8040] =	vst.add.f32.msk $0xffff, v8  }
0x380: {  	[tilespmem:s23+$0x8050] =	vst.add.f32.msk $0xffff, v9  }
0x381: {  	[tilespmem:s23+$0x8000] =	vst.add.f32.msk $0xffff, v10  }
0x382: {  	s21 =	simm.s32 $0x0;
	s22 =	sadd.s32 $0x400, s22;
	[tilespmem:s23+$0x8060] =	vst.add.f32.msk $0xffff, v4  }
.LBB2_59:
0x383: {  	v4 =	vld.idx.msk [tilespmem:v3+s22+$0x30 ss:$0x1], $0xffff;
	s21 =	sadd.s32 $0x80, s21  }
0x384: {  	v5 =	vld.idx.msk [tilespmem:v3+s22+$0xFFFFFFD0 ss:$0x1], $0xffff;
	p0 =	slt.u32 s21, $0x380  }
0x385: {  	v6 =	vld.idx.msk [tilespmem:v3+s22+$0xFFFFFFE0 ss:$0x1], $0xffff  }
0x386: {  	v7 =	vld.idx.msk [tilespmem:v3+s22+$0xFFFFFFF0 ss:$0x1], $0xffff  }
0x387: {  	s20 =	sadd.s32 $0x400, s20;
	v8 =	vld.idx.msk [tilespmem:v3+s22+$0x0 ss:$0x1], $0xffff  }
0x388: {  	s23 =	sadd.s32 s31, s20;
	v9 =	vld.idx.msk [tilespmem:v3+s22+$0x10 ss:$0x1], $0xffff  }
0x389: {  	[tilespmem:s23+$0x8070] =	vst.add.f32.msk $0xffff, v4  }
0x38a: {  	v4 =	vld.idx.msk [tilespmem:v3+s22+$0x20 ss:$0x1], $0xffff  }
0x38b: {  	v10 =	vld.idx.msk [tilespmem:v3+s22+$0xFFFFFFC0 ss:$0x1], $0xffff  }
0x38c: {  	[tilespmem:s23+$0x8010] =	vst.add.f32.msk $0xffff, v5  }
0x38d: {  	[tilespmem:s23+$0x8020] =	vst.add.f32.msk $0xffff, v6  }
.Ltmp28:
0x38e: {  	[tilespmem:s23+$0x8030] =	vst.add.f32.msk $0xffff, v7;
	(pc) =	sbr.rel @p0 .LBB2_59-.Ltmp28, $4  }
0x38f: {  	[tilespmem:s23+$0x8040] =	vst.add.f32.msk $0xffff, v8  }
0x390: {  	[tilespmem:s23+$0x8050] =	vst.add.f32.msk $0xffff, v9  }
0x391: {  	[tilespmem:s23+$0x8000] =	vst.add.f32.msk $0xffff, v10  }
0x392: {  	s22 =	sadd.s32 $0x400, s22;
	[tilespmem:s23+$0x8060] =	vst.add.f32.msk $0xffff, v4  }
0x393: {  	s19 =	sadd.s32 $0x1, s19  }
0x394: {  	p0 =	sne.s32 s19, $0x10  }
.Ltmp29:
0x395: {  	_ = 	snop;
	(pc) =	sbr.rel @p0 .LBB2_58-.Ltmp29, $2  }
0x396: {  	_ =	sdelay $0x2  }
0x397: {  	s30 =	sadd.s32 $0x1, s30;
	s18 =	sadd.s32 $0x400, s18  }
0x398: {  	s18 =	simm.s32 $0x0  }
0x399: {  	[hbm4b:s4+s18] =	stream.linear.scatter [tilespmem:s26], [sflag:$0x2], $0x4000, $0x38;
	[tilespmem:$0x18080] =	vst v63  }
0x39a: {  	_ =	swait.ge [sflag:s15], $0x4000  }
0x39b: {  	[sflag:s15] =	ssyncset.done $0x0  }
0x39c: {  	s30 =	simm.s32 $0x0;
	s19 =	simm.s32 $0x0;
	[sflag:s15] =	ssyncadd.s32 $0xFFFFC000  }
.LBB2_62:
0x39d: {  	s20 =	sand.u32 $0x7, s30  }
0x39e: {  	s20 =	sshll.u32 s20, $0x9  }
0x39f: {  	s31 =	sshrl.u32 s20, $0x2  }
0x3a0: {  	v3 =	vmov s31;
	_ =	sdelay $0x2  }
0x3a1: {  	s23 =	sand.u32 $0x3FFFE000, s18  }
0x3a2: {  	s22 =	sadd.s32 $0x40C0, s23  }
0x3a3: {  	v4 =	vld.idx.msk [tilespmem:v3+s22+$0x30 ss:$0x1], $0xffff  }
0x3a4: {  	v5 =	vld.idx.msk [tilespmem:v3+s22+$0xFFFFFFD0 ss:$0x1], $0xffff  }
0x3a5: {  	v6 =	vld.idx.msk [tilespmem:v3+s22+$0xFFFFFFE0 ss:$0x1], $0xffff  }
0x3a6: {  	v7 =	vld.idx.msk [tilespmem:v3+s22+$0xFFFFFFF0 ss:$0x1], $0xffff  }
0x3a7: {  	v8 =	vld.idx.msk [tilespmem:v3+s22+$0x0 ss:$0x1], $0xffff  }
0x3a8: {  	s20 =	sadd.s32 $0x8080, s23;
	v9 =	vld.idx.msk [tilespmem:v3+s22+$0x10 ss:$0x1], $0xffff  }
0x3a9: {  	s23 =	sadd.s32 s31, s20;
	v10 =	vld.idx.msk [tilespmem:v3+s22+$0xFFFFFFC0 ss:$0x1], $0xffff  }
0x3aa: {  	[tilespmem:s23+$0xC070] =	vst.add.f32.msk $0xffff, v4  }
0x3ab: {  	v4 =	vld.idx.msk [tilespmem:v3+s22+$0x20 ss:$0x1], $0xffff  }
0x3ac: {  	[tilespmem:s23+$0xC010] =	vst.add.f32.msk $0xffff, v5  }
0x3ad: {  	[tilespmem:s23+$0xC020] =	vst.add.f32.msk $0xffff, v6  }
0x3ae: {  	[tilespmem:s23+$0xC030] =	vst.add.f32.msk $0xffff, v7  }
0x3af: {  	[tilespmem:s23+$0xC040] =	vst.add.f32.msk $0xffff, v8  }
0x3b0: {  	[tilespmem:s23+$0xC050] =	vst.add.f32.msk $0xffff, v9  }
0x3b1: {  	[tilespmem:s23+$0xC000] =	vst.add.f32.msk $0xffff, v10  }
0x3b2: {  	s21 =	simm.s32 $0x0;
	s22 =	sadd.s32 $0x400, s22;
	[tilespmem:s23+$0xC060] =	vst.add.f32.msk $0xffff, v4  }
.LBB2_63:
0x3b3: {  	v4 =	vld.idx.msk [tilespmem:v3+s22+$0x30 ss:$0x1], $0xffff;
	s21 =	sadd.s32 $0x80, s21  }
0x3b4: {  	v5 =	vld.idx.msk [tilespmem:v3+s22+$0xFFFFFFD0 ss:$0x1], $0xffff;
	p0 =	slt.u32 s21, $0x380  }
0x3b5: {  	v6 =	vld.idx.msk [tilespmem:v3+s22+$0xFFFFFFE0 ss:$0x1], $0xffff  }
0x3b6: {  	v7 =	vld.idx.msk [tilespmem:v3+s22+$0xFFFFFFF0 ss:$0x1], $0xffff  }
0x3b7: {  	s20 =	sadd.s32 $0x400, s20;
	v8 =	vld.idx.msk [tilespmem:v3+s22+$0x0 ss:$0x1], $0xffff  }
0x3b8: {  	s23 =	sadd.s32 s31, s20;
	v9 =	vld.idx.msk [tilespmem:v3+s22+$0x10 ss:$0x1], $0xffff  }
0x3b9: {  	[tilespmem:s23+$0xC070] =	vst.add.f32.msk $0xffff, v4  }
0x3ba: {  	v4 =	vld.idx.msk [tilespmem:v3+s22+$0x20 ss:$0x1], $0xffff  }
0x3bb: {  	v10 =	vld.idx.msk [tilespmem:v3+s22+$0xFFFFFFC0 ss:$0x1], $0xffff  }
0x3bc: {  	[tilespmem:s23+$0xC010] =	vst.add.f32.msk $0xffff, v5  }
0x3bd: {  	[tilespmem:s23+$0xC020] =	vst.add.f32.msk $0xffff, v6  }
.Ltmp30:
0x3be: {  	[tilespmem:s23+$0xC030] =	vst.add.f32.msk $0xffff, v7;
	(pc) =	sbr.rel @p0 .LBB2_63-.Ltmp30, $4  }
0x3bf: {  	[tilespmem:s23+$0xC040] =	vst.add.f32.msk $0xffff, v8  }
0x3c0: {  	[tilespmem:s23+$0xC050] =	vst.add.f32.msk $0xffff, v9  }
0x3c1: {  	[tilespmem:s23+$0xC000] =	vst.add.f32.msk $0xffff, v10  }
0x3c2: {  	s22 =	sadd.s32 $0x400, s22;
	[tilespmem:s23+$0xC060] =	vst.add.f32.msk $0xffff, v4  }
0x3c3: {  	s19 =	sadd.s32 $0x1, s19  }
0x3c4: {  	p0 =	sne.s32 s19, $0x10  }
.Ltmp31:
0x3c5: {  	_ = 	snop;
	(pc) =	sbr.rel @p0 .LBB2_62-.Ltmp31, $2  }
0x3c6: {  	_ =	sdelay $0x2  }
0x3c7: {  	s30 =	sadd.s32 $0x1, s30;
	s18 =	sadd.s32 $0x400, s18  }
0x3c8: {  	[hbm4b:s5+s1] =	stream.linear.scatter [tilespmem:s16], [sflag:$0x2], $0x4000, $0x38;
	[tilespmem:$0x18080] =	vst v63  }
0x3c9: {  	_ =	swait.ge [sflag:s28], $0x4000  }
0x3ca: {  	[sflag:s28] =	ssyncset.done $0x0  }
0x3cb: {  	[sflag:s28] =	ssyncadd.s32 $0xFFFFC000  }
0x3cc: {  	_ =	swait.ge [sflag:s28], $0x4000  }
0x3cd: {  	[sflag:s28] =	ssyncset.done $0x0  }
0x3ce: {  	s29 =	sadd.s32 $0x1, s29;
	[sflag:s28] =	ssyncadd.s32 $0xFFFFC000  }
0x3cf: {  	p0 =	sne.s32 s29, s6;
	_ =	swait.ge [sflag:s28], $0x4000  }
.Ltmp32:
0x3d0: {  	[sflag:s28] =	ssyncset.done $0x0;
	(pc) =	sbr.rel @p0 .LBB2_1-.Ltmp32, $4  }
0x3d1: {  	[sflag:s28] =	ssyncadd.s32 $0xFFFFC000  }
0x3d2: {  	_ =	swait.ge [sflag:s28], $0x4000  }
0x3d3: {  	[sflag:s28] =	ssyncset.done $0x0  }
0x3d4: {  	[sflag:s28] =	ssyncadd.s32 $0xFFFFC000  }
0x3d5: {  	_ =	sfence.sel $0x180000  }
0x3d6: {  	[bflag:$0x0] =	sbarrier.arrive $0xFFFF  }
0x3d7: {  	_ =	strace $0x90000047  }
0x3d8: {  	s0 =	stileid.u32;
	[bflag:$0x2] =	sbarrier.arrive $0xFFFF  }
0x3d9: {  	p0 =	sne.s32 s0, $0x0;
	s0 =	rddreg [dreg:$0x4]  }
0x3da: {  	s0 =	sadd.s32 @!p0 $0x100000, s0  }
0x3db: {  	[sflag:s0] =	ssyncadd.tile.s32 @!p0 $0x1;
	_ =	shalt  }
.Lfunc_end2:
_tile_overlayer_lowered:
.L_overlay_start_2:
0x3dc: {  	(tag) =	ssettag $0x2  }
0x3dd: {  	s0 =	rddreg [dreg:$0x0];
	s2 =	stileid.u32  }
0x3de: {  	s1 =	rddreg [dreg:$0x1];
	p0 =	sne.s32 s2, $0x0  }
0x3df: {  	s3 =	rddreg [dreg:$0x2];
	[bflag:$0x3] =	sbarrier.arrive $0xFFFF;
	s2 =	simm.s32 @!p0 $0x1C05  }
0x3e0: {  	[timem:s3], [sflag:s2] =	dma.local @!p0 [hbm:s0], s1  }
0x3e1: {  	s0 =	simm.s32 @!p0 $0x5  }
0x3e2: {  	_ =	swait.ge @!p0 [sflag:s0], s1  }
0x3e3: {  	s1 =	ssub.s32 @!p0 $0x0, s1;
	[sflag:s0] =	ssyncset.done @!p0 $0x0  }
0x3e4: {  	[sflag:s0] =	ssyncadd.s32 @!p0 s1  }
0x3e5: {  	[bflag:$0x3] =	sbarrier.arrive $0xFFFF  }
0x3e6: {  	_ =	shalt  }

</sc_bundles>
